<compile_context>
chip_gen: v7x
topology: tpu7x:2x2x1
jax: 0.10.2.dev20260603
libtpu: 0.0.44.dev20260713+nightly
codegen_flags: <defaults>
</compile_context>

<pallas_src>
import functools

import jax
import jax.numpy as jnp
from jax import lax
from jax.experimental import pallas as pl
from jax.experimental.pallas import tpu as pltpu
from jax.experimental.pallas import tpu_sc as plsc

G0, G1, D = 128, 64, 256
L = 16
NC, NS = 2, 16
NW = NC * NS
SC_G0 = 32
QPW = SC_G0 // NW
KD = D // L
GPW = QPW * G1 // L

TC_G0 = G0 - SC_G0
TCB0 = 16

LEAF = (0, 8, 4, 12, 2, 10, 6, 14, 1, 9, 5, 13, 3, 11, 7, 15)

_mesh = plsc.VectorSubcoreMesh(core_axis_name="c", subcore_axis_name="s")


@functools.partial(
    pl.kernel,
    mesh=_mesh,
    out_type=jax.ShapeDtypeStruct((SC_G0, G1), jnp.float32),
    scratch_types=[
        pltpu.VMEM((D,), jnp.float32),
        pltpu.VMEM((QPW, G1, D), jnp.float32),
        pltpu.VMEM((QPW, G1), jnp.float32),
        pltpu.SemaphoreType.DMA,
        pltpu.SemaphoreType.DMA,
        pltpu.SemaphoreType.DMA,
        pltpu.SemaphoreType.DMA,
    ],
)
def _som_distances_sc(x_hbm, w_hbm, out_hbm, x_v, w_v, o_v, s0, s1, s2, s3):
    wid = lax.axis_index("s") * NC + lax.axis_index("c")
    q0 = wid * QPW
    sems = (s0, s1, s2, s3)
    H = G1 // 2
    cps = [
        pltpu.async_copy(
            w_hbm.at[q0 + c // 2, pl.ds((c & 1) * H, H)],
            w_v.at[c // 2, pl.ds((c & 1) * H, H)],
            sems[c],
        )
        for c in range(2 * QPW)
    ]
    pltpu.sync_copy(x_hbm, x_v)

    xs = [x_v[pl.ds(k * L, L)] for k in range(KD)]
    lanes = lax.iota(jnp.int32, L)
    masks = {s: (lanes & s) == 0 for s in (8, 4, 2, 1)}
    perms = {s: lanes ^ s for s in (8, 4, 2, 1)}

    def xperm(v, s):
        return v.at[perms[s]].get(mode="promise_in_bounds", unique_indices=True)

    def combine(a, b, s):
        return jnp.where(masks[s], a, xperm(b, s)) + jnp.where(
            masks[s], xperm(a, s), b
        )

    def acc_row(q, u):
        d = w_v[q, u, pl.ds(0, L)] - xs[0]
        acc = d * d
        for k in range(1, KD):
            d = w_v[q, u, pl.ds(k * L, L)] - xs[k]
            acc = acc + d * d
        return acc

    def group_body(g, carry):
        q = g >> 2
        c0 = (g & 3) << 4

        def quad(i):
            t8a = combine(
                acc_row(q, c0 + LEAF[4 * i]), acc_row(q, c0 + LEAF[4 * i + 1]), 8
            )
            t8b = combine(
                acc_row(q, c0 + LEAF[4 * i + 2]),
                acc_row(q, c0 + LEAF[4 * i + 3]),
                8,
            )
            return combine(t8a, t8b, 4)

        for b in range(1, 2 * QPW):

            @pl.when(g == 2 * b)
            def _(b=b):
                cps[b].wait()

        t2a = combine(quad(0), quad(1), 2)
        t2b = combine(quad(2), quad(3), 2)
        o_v[q, pl.ds(c0, L)] = combine(t2a, t2b, 1)
        return carry

    cps[0].wait()
    lax.fori_loop(0, GPW, group_body, 0)
    pltpu.sync_copy(o_v, out_hbm.at[pl.ds(q0, QPW)])


def _som_tc_body(x_ref, w_ref, o_ref):
    d = w_ref[...] - x_ref[...]
    o_ref[...] = jnp.sum(d * d, axis=2)


_som_distances_tc = pl.pallas_call(
    _som_tc_body,
    grid=(TC_G0 // TCB0,),
    in_specs=[
        pl.BlockSpec((1, 1, D), lambda i: (0, 0, 0)),
        pl.BlockSpec((TCB0, G1, D), lambda i: (SC_G0 // TCB0 + i, 0, 0)),
    ],
    out_specs=pl.BlockSpec((TCB0, G1), lambda i: (i, 0)),
    out_shape=jax.ShapeDtypeStruct((TC_G0, G1), jnp.float32),
)


def kernel(x, weights):
    sc_out = _som_distances_sc(x, weights)
    tc_out = _som_distances_tc(x.reshape(1, 1, D), weights)
    return jnp.concatenate([sc_out, tc_out], axis=0)

# --- scband reference (transcript-rebuilt; emitter-appended) ---
"""Pipeline reference for scband-som-84859963835180 (READ-ONLY COPY).

The authoritative reference and input builder live on the scoring server;
editing this copy changes nothing except your own understanding.
"""

import jax, jax.numpy as jnp
import numpy as np

GRID = (128, 64)
INPUT_DIM = 256


def setup_inputs(seed: int = 0) -> dict:
    key = jax.random.key(seed)
    k_x, k_w = jax.random.split(key)
    x = jax.random.normal(k_x, (INPUT_DIM,), dtype=jnp.float32)
    # Learned SOM weight grid, sized per init_kwargs: [grid_size[0], grid_size[1], input_dim]
    weights = jax.random.normal(k_w, (GRID[0], GRID[1], INPUT_DIM), dtype=jnp.float32)
    return {"x": x, "weights": weights}


def reference(x, weights):
    # Faithful translation of SOM.forward:
    #   distances = torch.sum((self.weights - x) ** 2, dim=2)
    # weights: [G0, G1, D], x: [D] broadcast over the grid.
    diff = weights - x
    distances = jnp.sum(diff * diff, axis=2)
    return distances

if __name__ == "__main__":
    import jax
    _d = setup_inputs()
    print(jax.jit(kernel)(*tuple(_d.values())))

</pallas_src>

<mosaic_0001>
#map = affine_map<(d0, d1) -> (0)>
#map1 = affine_map<(d0, d1) -> (0, 0, 0)>
#map2 = affine_map<(d0, d1) -> (0, 0)>
module attributes {stable_mosaic.version = 14 : i64} {
  func.func @_som_distances_sc(%arg0: i32, %arg1: i32, %arg2: memref<256xf32, #tpu.memory_space<hbm>>, %arg3: memref<128x64x256xf32, #tpu.memory_space<hbm>>, %arg4: memref<32x64xf32, #tpu.memory_space<hbm>>, %arg5: memref<256xf32, #tpu.memory_space<vmem>>, %arg6: memref<1x64x256xf32, #tpu.memory_space<vmem>>, %arg7: memref<1x64xf32, #tpu.memory_space<vmem>>, %arg8: memref<!tpu.dma_semaphore, #tpu.memory_space<semaphore_mem>>, %arg9: memref<!tpu.dma_semaphore, #tpu.memory_space<semaphore_mem>>, %arg10: memref<!tpu.dma_semaphore, #tpu.memory_space<semaphore_mem>>, %arg11: memref<!tpu.dma_semaphore, #tpu.memory_space<semaphore_mem>>) attributes {dimension_semantics = [#tpu.dimension_semantics<core_parallel>, #tpu.dimension_semantics<subcore_parallel>], iteration_bounds = array<i64: 2, 16>, scalar_prefetch = 0 : i64, scratch_operands = 7 : i64, tpu.core_type = #tpu.core_type<sc_vector_subcore>, window_params = [{transform_indices = #map}, {transform_indices = #map1}, {transform_indices = #map2}]} {
    %mul3A = arith.constant 2 : i32
    %mul3A_0 = arith.muli %arg1, %mul3A : i32
    %add3A = arith.addi %mul3A_0, %arg0 : i32
    %mul3A_1 = arith.constant 1 : i32
    %mul3A_2 = arith.muli %add3A, %mul3A_1 : i32
    %add3A_3 = arith.constant 0 : i32
    %add3A_4 = arith.addi %mul3A_2, %add3A_3 : i32
    %dma_start3A = arith.constant 0 : i32
    %dma_start3A_5 = arith.constant 0 : i32
    %dma_start3A_6 = arith.constant 0 : i32
    %dma_start3A_7 = tpu.memref_slice %arg6[%dma_start3A, %dma_start3A_5, %dma_start3A_6] : memref<1x64x256xf32, #tpu.memory_space<vmem>> -> memref<1x32x256xf32, #tpu.memory_space<vmem>>
    %dma_start3A_8 = tpu.memref_squeeze %dma_start3A_7 : memref<1x32x256xf32, #tpu.memory_space<vmem>> -> memref<32x256xf32, #tpu.memory_space<vmem>>
    %dma_start3A_9 = arith.constant 0 : i32
    %dma_start3A_10 = arith.constant 0 : i32
    %dma_start3A_11 = tpu.memref_slice %arg3[%add3A_4, %dma_start3A_9, %dma_start3A_10] : memref<128x64x256xf32, #tpu.memory_space<hbm>> -> memref<1x32x256xf32, #tpu.memory_space<hbm>>
    %dma_start3A_12 = tpu.memref_squeeze %dma_start3A_11 : memref<1x32x256xf32, #tpu.memory_space<hbm>> -> memref<32x256xf32, #tpu.memory_space<hbm>>
    %dma_start3A_13 = arith.constant 0 : i32
    %dma_start3A_14 = arith.constant 0 : i32
    %dma_start3A_15 = tpu.memref_slice %arg6[%dma_start3A, %dma_start3A_13, %dma_start3A_14] : memref<1x64x256xf32, #tpu.memory_space<vmem>> -> memref<1x32x256xf32, #tpu.memory_space<vmem>>
    %dma_start3A_16 = tpu.memref_squeeze %dma_start3A_15 : memref<1x32x256xf32, #tpu.memory_space<vmem>> -> memref<32x256xf32, #tpu.memory_space<vmem>>
    %dma_start3A_17 = arith.constant 0 : i32
    %dma_start3A_18 = arith.constant 0 : i32
    %dma_start3A_19 = tpu.memref_slice %arg3[%add3A_4, %dma_start3A_17, %dma_start3A_18] : memref<128x64x256xf32, #tpu.memory_space<hbm>> -> memref<1x32x256xf32, #tpu.memory_space<hbm>>
    %dma_start3A_20 = tpu.memref_squeeze %dma_start3A_19 : memref<1x32x256xf32, #tpu.memory_space<hbm>> -> memref<32x256xf32, #tpu.memory_space<hbm>>
    tpu.enqueue_dma source(%dma_start3A_20 : memref<32x256xf32, #tpu.memory_space<hbm>>) target(%dma_start3A_16 : memref<32x256xf32, #tpu.memory_space<vmem>>) target_semaphore(%arg8 : memref<!tpu.dma_semaphore, #tpu.memory_space<semaphore_mem>>)
    %add3A_21 = arith.constant 0 : i32
    %add3A_22 = arith.addi %mul3A_2, %add3A_21 : i32
    %dma_start3A_23 = arith.constant 0 : i32
    %dma_start3A_24 = arith.constant 32 : i32
    %dma_start3A_25 = arith.constant 0 : i32
    %dma_start3A_26 = tpu.memref_slice %arg6[%dma_start3A_23, %dma_start3A_24, %dma_start3A_25] : memref<1x64x256xf32, #tpu.memory_space<vmem>> -> memref<1x32x256xf32, #tpu.memory_space<vmem>>
    %dma_start3A_27 = tpu.memref_squeeze %dma_start3A_26 : memref<1x32x256xf32, #tpu.memory_space<vmem>> -> memref<32x256xf32, #tpu.memory_space<vmem>>
    %dma_start3A_28 = arith.constant 32 : i32
    %dma_start3A_29 = arith.constant 0 : i32
    %dma_start3A_30 = tpu.memref_slice %arg3[%add3A_22, %dma_start3A_28, %dma_start3A_29] : memref<128x64x256xf32, #tpu.memory_space<hbm>> -> memref<1x32x256xf32, #tpu.memory_space<hbm>>
    %dma_start3A_31 = tpu.memref_squeeze %dma_start3A_30 : memref<1x32x256xf32, #tpu.memory_space<hbm>> -> memref<32x256xf32, #tpu.memory_space<hbm>>
    %dma_start3A_32 = arith.constant 32 : i32
    %dma_start3A_33 = arith.constant 0 : i32
    %dma_start3A_34 = tpu.memref_slice %arg6[%dma_start3A_23, %dma_start3A_32, %dma_start3A_33] : memref<1x64x256xf32, #tpu.memory_space<vmem>> -> memref<1x32x256xf32, #tpu.memory_space<vmem>>
    %dma_start3A_35 = tpu.memref_squeeze %dma_start3A_34 : memref<1x32x256xf32, #tpu.memory_space<vmem>> -> memref<32x256xf32, #tpu.memory_space<vmem>>
    %dma_start3A_36 = arith.constant 32 : i32
    %dma_start3A_37 = arith.constant 0 : i32
    %dma_start3A_38 = tpu.memref_slice %arg3[%add3A_22, %dma_start3A_36, %dma_start3A_37] : memref<128x64x256xf32, #tpu.memory_space<hbm>> -> memref<1x32x256xf32, #tpu.memory_space<hbm>>
    %dma_start3A_39 = tpu.memref_squeeze %dma_start3A_38 : memref<1x32x256xf32, #tpu.memory_space<hbm>> -> memref<32x256xf32, #tpu.memory_space<hbm>>
    tpu.enqueue_dma source(%dma_start3A_39 : memref<32x256xf32, #tpu.memory_space<hbm>>) target(%dma_start3A_35 : memref<32x256xf32, #tpu.memory_space<vmem>>) target_semaphore(%arg9 : memref<!tpu.dma_semaphore, #tpu.memory_space<semaphore_mem>>)
    "tpu.region"() ({
      %run_scoped3A = tpu.sem_alloc : memref<!tpu.dma_semaphore, #tpu.memory_space<semaphore_mem>>
      tpu.enqueue_dma source(%arg2 : memref<256xf32, #tpu.memory_space<hbm>>) target(%arg5 : memref<256xf32, #tpu.memory_space<vmem>>) target_semaphore(%run_scoped3A : memref<!tpu.dma_semaphore, #tpu.memory_space<semaphore_mem>>)
      tpu.wait_dma2 semaphore(%run_scoped3A : memref<!tpu.dma_semaphore, #tpu.memory_space<semaphore_mem>>) src(%arg2 : memref<256xf32, #tpu.memory_space<hbm>>) dst(%arg5 : memref<256xf32, #tpu.memory_space<vmem>>)
      tpu.yield
    }) : () -> ()
    %get3A = arith.constant 0 : index
    %get3A_40 = tpu.vector_load %arg5[%get3A] {strides = array<i32>} : memref<256xf32, #tpu.memory_space<vmem>>, vector<16xf32>,
    %get3A_41 = vector.shape_cast %get3A_40 : vector<16xf32> to vector<16xf32>
    %get3A_42 = arith.constant 16 : index
    %get3A_43 = tpu.vector_load %arg5[%get3A_42] {strides = array<i32>} : memref<256xf32, #tpu.memory_space<vmem>>, vector<16xf32>,
    %get3A_44 = vector.shape_cast %get3A_43 : vector<16xf32> to vector<16xf32>
    %get3A_45 = arith.constant 32 : index
    %get3A_46 = tpu.vector_load %arg5[%get3A_45] {strides = array<i32>} : memref<256xf32, #tpu.memory_space<vmem>>, vector<16xf32>,
    %get3A_47 = vector.shape_cast %get3A_46 : vector<16xf32> to vector<16xf32>
    %get3A_48 = arith.constant 48 : index
    %get3A_49 = tpu.vector_load %arg5[%get3A_48] {strides = array<i32>} : memref<256xf32, #tpu.memory_space<vmem>>, vector<16xf32>,
    %get3A_50 = vector.shape_cast %get3A_49 : vector<16xf32> to vector<16xf32>
    %get3A_51 = arith.constant 64 : index
    %get3A_52 = tpu.vector_load %arg5[%get3A_51] {strides = array<i32>} : memref<256xf32, #tpu.memory_space<vmem>>, vector<16xf32>,
    %get3A_53 = vector.shape_cast %get3A_52 : vector<16xf32> to vector<16xf32>
    %get3A_54 = arith.constant 80 : index
    %get3A_55 = tpu.vector_load %arg5[%get3A_54] {strides = array<i32>} : memref<256xf32, #tpu.memory_space<vmem>>, vector<16xf32>,
    %get3A_56 = vector.shape_cast %get3A_55 : vector<16xf32> to vector<16xf32>
    %get3A_57 = arith.constant 96 : index
    %get3A_58 = tpu.vector_load %arg5[%get3A_57] {strides = array<i32>} : memref<256xf32, #tpu.memory_space<vmem>>, vector<16xf32>,
    %get3A_59 = vector.shape_cast %get3A_58 : vector<16xf32> to vector<16xf32>
    %get3A_60 = arith.constant 112 : index
    %get3A_61 = tpu.vector_load %arg5[%get3A_60] {strides = array<i32>} : memref<256xf32, #tpu.memory_space<vmem>>, vector<16xf32>,
    %get3A_62 = vector.shape_cast %get3A_61 : vector<16xf32> to vector<16xf32>
    %get3A_63 = arith.constant 128 : index
    %get3A_64 = tpu.vector_load %arg5[%get3A_63] {strides = array<i32>} : memref<256xf32, #tpu.memory_space<vmem>>, vector<16xf32>,
    %get3A_65 = vector.shape_cast %get3A_64 : vector<16xf32> to vector<16xf32>
    %get3A_66 = arith.constant 144 : index
    %get3A_67 = tpu.vector_load %arg5[%get3A_66] {strides = array<i32>} : memref<256xf32, #tpu.memory_space<vmem>>, vector<16xf32>,
    %get3A_68 = vector.shape_cast %get3A_67 : vector<16xf32> to vector<16xf32>
    %get3A_69 = arith.constant 160 : index
    %get3A_70 = tpu.vector_load %arg5[%get3A_69] {strides = array<i32>} : memref<256xf32, #tpu.memory_space<vmem>>, vector<16xf32>,
    %get3A_71 = vector.shape_cast %get3A_70 : vector<16xf32> to vector<16xf32>
    %get3A_72 = arith.constant 176 : index
    %get3A_73 = tpu.vector_load %arg5[%get3A_72] {strides = array<i32>} : memref<256xf32, #tpu.memory_space<vmem>>, vector<16xf32>,
    %get3A_74 = vector.shape_cast %get3A_73 : vector<16xf32> to vector<16xf32>
    %get3A_75 = arith.constant 192 : index
    %get3A_76 = tpu.vector_load %arg5[%get3A_75] {strides = array<i32>} : memref<256xf32, #tpu.memory_space<vmem>>, vector<16xf32>,
    %get3A_77 = vector.shape_cast %get3A_76 : vector<16xf32> to vector<16xf32>
    %get3A_78 = arith.constant 208 : index
    %get3A_79 = tpu.vector_load %arg5[%get3A_78] {strides = array<i32>} : memref<256xf32, #tpu.memory_space<vmem>>, vector<16xf32>,
    %get3A_80 = vector.shape_cast %get3A_79 : vector<16xf32> to vector<16xf32>
    %get3A_81 = arith.constant 224 : index
    %get3A_82 = tpu.vector_load %arg5[%get3A_81] {strides = array<i32>} : memref<256xf32, #tpu.memory_space<vmem>>, vector<16xf32>,
    %get3A_83 = vector.shape_cast %get3A_82 : vector<16xf32> to vector<16xf32>
    %get3A_84 = arith.constant 240 : index
    %get3A_85 = tpu.vector_load %arg5[%get3A_84] {strides = array<i32>} : memref<256xf32, #tpu.memory_space<vmem>>, vector<16xf32>,
    %get3A_86 = vector.shape_cast %get3A_85 : vector<16xf32> to vector<16xf32>
    %iota3A = tpu.iota {dimensions = array<i32: 0>} : vector<16xi32>
    %and3A = arith.constant 8 : i32
    %and3A_87 = vector.broadcast %and3A : i32 to vector<16xi32>
    %and3A_88 = arith.andi %iota3A, %and3A_87 : vector<16xi32>
    %eq3A = arith.constant 0 : i32
    %eq3A_89 = vector.broadcast %eq3A : i32 to vector<16xi32>
    %eq3A_90 = arith.cmpi eq, %and3A_88, %eq3A_89 : vector<16xi32>
    %and3A_91 = arith.constant 4 : i32
    %and3A_92 = vector.broadcast %and3A_91 : i32 to vector<16xi32>
    %and3A_93 = arith.andi %iota3A, %and3A_92 : vector<16xi32>
    %eq3A_94 = arith.constant 0 : i32
    %eq3A_95 = vector.broadcast %eq3A_94 : i32 to vector<16xi32>
    %eq3A_96 = arith.cmpi eq, %and3A_93, %eq3A_95 : vector<16xi32>
    %and3A_97 = arith.constant 2 : i32
    %and3A_98 = vector.broadcast %and3A_97 : i32 to vector<16xi32>
    %and3A_99 = arith.andi %iota3A, %and3A_98 : vector<16xi32>
    %eq3A_100 = arith.constant 0 : i32
    %eq3A_101 = vector.broadcast %eq3A_100 : i32 to vector<16xi32>
    %eq3A_102 = arith.cmpi eq, %and3A_99, %eq3A_101 : vector<16xi32>
    %and3A_103 = arith.constant 1 : i32
    %and3A_104 = vector.broadcast %and3A_103 : i32 to vector<16xi32>
    %and3A_105 = arith.andi %iota3A, %and3A_104 : vector<16xi32>
    %eq3A_106 = arith.constant 0 : i32
    %eq3A_107 = vector.broadcast %eq3A_106 : i32 to vector<16xi32>
    %eq3A_108 = arith.cmpi eq, %and3A_105, %eq3A_107 : vector<16xi32>
    %xor3A = arith.constant 8 : i32
    %xor3A_109 = vector.broadcast %xor3A : i32 to vector<16xi32>
    %xor3A_110 = arith.xori %iota3A, %xor3A_109 : vector<16xi32>
    %xor3A_111 = arith.constant 4 : i32
    %xor3A_112 = vector.broadcast %xor3A_111 : i32 to vector<16xi32>
    %xor3A_113 = arith.xori %iota3A, %xor3A_112 : vector<16xi32>
    %xor3A_114 = arith.constant 2 : i32
    %xor3A_115 = vector.broadcast %xor3A_114 : i32 to vector<16xi32>
    %xor3A_116 = arith.xori %iota3A, %xor3A_115 : vector<16xi32>
    %xor3A_117 = arith.constant 1 : i32
    %xor3A_118 = vector.broadcast %xor3A_117 : i32 to vector<16xi32>
    %xor3A_119 = arith.xori %iota3A, %xor3A_118 : vector<16xi32>
    %dma_wait3A = arith.constant 0 : i32
    %dma_wait3A_120 = arith.constant 0 : i32
    %dma_wait3A_121 = arith.constant 0 : i32
    %dma_wait3A_122 = tpu.memref_slice %arg6[%dma_wait3A, %dma_wait3A_120, %dma_wait3A_121] : memref<1x64x256xf32, #tpu.memory_space<vmem>> -> memref<1x32x256xf32, #tpu.memory_space<vmem>>
    %dma_wait3A_123 = tpu.memref_squeeze %dma_wait3A_122 : memref<1x32x256xf32, #tpu.memory_space<vmem>> -> memref<32x256xf32, #tpu.memory_space<vmem>>
    %dma_wait3A_124 = arith.constant 0 : i32
    %dma_wait3A_125 = arith.constant 0 : i32
    %dma_wait3A_126 = tpu.memref_slice %arg3[%add3A_4, %dma_wait3A_124, %dma_wait3A_125] : memref<128x64x256xf32, #tpu.memory_space<hbm>> -> memref<1x32x256xf32, #tpu.memory_space<hbm>>
    %dma_wait3A_127 = tpu.memref_squeeze %dma_wait3A_126 : memref<1x32x256xf32, #tpu.memory_space<hbm>> -> memref<32x256xf32, #tpu.memory_space<hbm>>
    %dma_wait3A_128 = arith.constant 0 : i32
    %dma_wait3A_129 = arith.constant 0 : i32
    %dma_wait3A_130 = tpu.memref_slice %arg6[%dma_wait3A, %dma_wait3A_128, %dma_wait3A_129] : memref<1x64x256xf32, #tpu.memory_space<vmem>> -> memref<1x32x256xf32, #tpu.memory_space<vmem>>
    %dma_wait3A_131 = tpu.memref_squeeze %dma_wait3A_130 : memref<1x32x256xf32, #tpu.memory_space<vmem>> -> memref<32x256xf32, #tpu.memory_space<vmem>>
    %dma_wait3A_132 = arith.constant 0 : i32
    %dma_wait3A_133 = arith.constant 0 : i32
    %dma_wait3A_134 = tpu.memref_slice %arg3[%add3A_4, %dma_wait3A_132, %dma_wait3A_133] : memref<128x64x256xf32, #tpu.memory_space<hbm>> -> memref<1x32x256xf32, #tpu.memory_space<hbm>>
    %dma_wait3A_135 = tpu.memref_squeeze %dma_wait3A_134 : memref<1x32x256xf32, #tpu.memory_space<hbm>> -> memref<32x256xf32, #tpu.memory_space<hbm>>
    tpu.wait_dma2 semaphore(%arg8 : memref<!tpu.dma_semaphore, #tpu.memory_space<semaphore_mem>>) src(%dma_wait3A_135 : memref<32x256xf32, #tpu.memory_space<hbm>>) dst(%dma_wait3A_131 : memref<32x256xf32, #tpu.memory_space<vmem>>)
    %scan3A = arith.constant 0 : i32
    %scan3A_136 = arith.constant 0 : i32
    %scan3A_137 = arith.constant 0 : i32
    %scan3A_138 = arith.constant 4 : i32
    %scan3A_139 = arith.addi %scan3A_137, %scan3A_138 : i32
    %scan3A_140 = arith.constant 1 : i32
    scf.for %scan3A_142 = %scan3A_137 to %scan3A_139 step %scan3A_140  : i32 {
      %shift_right_arithmetic3A = arith.constant 2 : i32
      %shift_right_arithmetic3A_143 = arith.shrsi %scan3A_142, %shift_right_arithmetic3A : i32
      %and3A_144 = arith.constant 3 : i32
      %and3A_145 = arith.andi %scan3A_142, %and3A_144 : i32
      %shift_left3A = arith.constant 4 : i32
      %shift_left3A_146 = arith.shli %and3A_145, %shift_left3A : i32
      %eq3A_147 = arith.constant 2 : i32
      %eq3A_148 = arith.cmpi eq, %scan3A_142, %eq3A_147 : i32
      %convert_element_type3A = arith.extui %eq3A_148 : i1 to i32
      %cond3A = arith.constant 0 : i32
      %cond3A_149 = arith.cmpi ne, %convert_element_type3A, %cond3A : i32
      scf.if %cond3A_149 {
        %dma_wait3A_2558 = arith.constant 32 : i32
        %dma_wait3A_2559 = arith.constant 0 : i32
        %dma_wait3A_2560 = tpu.memref_slice %arg6[%scan3A_136, %dma_wait3A_2558, %dma_wait3A_2559] : memref<1x64x256xf32, #tpu.memory_space<vmem>> -> memref<1x32x256xf32, #tpu.memory_space<vmem>>
        %dma_wait3A_2561 = tpu.memref_squeeze %dma_wait3A_2560 : memref<1x32x256xf32, #tpu.memory_space<vmem>> -> memref<32x256xf32, #tpu.memory_space<vmem>>
        %dma_wait3A_2562 = arith.constant 32 : i32
        %dma_wait3A_2563 = arith.constant 0 : i32
        %dma_wait3A_2564 = tpu.memref_slice %arg3[%add3A_22, %dma_wait3A_2562, %dma_wait3A_2563] : memref<128x64x256xf32, #tpu.memory_space<hbm>> -> memref<1x32x256xf32, #tpu.memory_space<hbm>>
        %dma_wait3A_2565 = tpu.memref_squeeze %dma_wait3A_2564 : memref<1x32x256xf32, #tpu.memory_space<hbm>> -> memref<32x256xf32, #tpu.memory_space<hbm>>
        %dma_wait3A_2566 = arith.constant 32 : i32
        %dma_wait3A_2567 = arith.constant 0 : i32
        %dma_wait3A_2568 = tpu.memref_slice %arg6[%scan3A_136, %dma_wait3A_2566, %dma_wait3A_2567] : memref<1x64x256xf32, #tpu.memory_space<vmem>> -> memref<1x32x256xf32, #tpu.memory_space<vmem>>
        %dma_wait3A_2569 = tpu.memref_squeeze %dma_wait3A_2568 : memref<1x32x256xf32, #tpu.memory_space<vmem>> -> memref<32x256xf32, #tpu.memory_space<vmem>>
        %dma_wait3A_2570 = arith.constant 32 : i32
        %dma_wait3A_2571 = arith.constant 0 : i32
        %dma_wait3A_2572 = tpu.memref_slice %arg3[%add3A_22, %dma_wait3A_2570, %dma_wait3A_2571] : memref<128x64x256xf32, #tpu.memory_space<hbm>> -> memref<1x32x256xf32, #tpu.memory_space<hbm>>
        %dma_wait3A_2573 = tpu.memref_squeeze %dma_wait3A_2572 : memref<1x32x256xf32, #tpu.memory_space<hbm>> -> memref<32x256xf32, #tpu.memory_space<hbm>>
        tpu.wait_dma2 semaphore(%arg9 : memref<!tpu.dma_semaphore, #tpu.memory_space<semaphore_mem>>) src(%dma_wait3A_2573 : memref<32x256xf32, #tpu.memory_space<hbm>>) dst(%dma_wait3A_2569 : memref<32x256xf32, #tpu.memory_space<vmem>>)
      } else {
      }
      %add3A_150 = arith.constant 0 : i32
      %add3A_151 = arith.addi %shift_left3A_146, %add3A_150 : i32
      %get3A_152 = arith.index_cast %shift_right_arithmetic3A_143 : i32 to index
      %get3A_153 = arith.index_cast %add3A_151 : i32 to index
      %get3A_154 = arith.constant 0 : index
      %get3A_155 = tpu.vector_load %arg6[%get3A_152, %get3A_153, %get3A_154] {strides = array<i32>} : memref<1x64x256xf32, #tpu.memory_space<vmem>>, vector<1x1x16xf32>,
      %get3A_156 = vector.shape_cast %get3A_155 : vector<1x1x16xf32> to vector<16xf32>
      %sub3A = arith.subf %get3A_156, %get3A_41 : vector<16xf32>
      %mul3A_157 = arith.mulf %sub3A, %sub3A : vector<16xf32>
      %get3A_158 = arith.index_cast %shift_right_arithmetic3A_143 : i32 to index
      %get3A_159 = arith.index_cast %add3A_151 : i32 to index
      %get3A_160 = arith.constant 16 : index
      %get3A_161 = tpu.vector_load %arg6[%get3A_158, %get3A_159, %get3A_160] {strides = array<i32>} : memref<1x64x256xf32, #tpu.memory_space<vmem>>, vector<1x1x16xf32>,
      %get3A_162 = vector.shape_cast %get3A_161 : vector<1x1x16xf32> to vector<16xf32>
      %sub3A_163 = arith.subf %get3A_162, %get3A_44 : vector<16xf32>
      %mul3A_164 = arith.mulf %sub3A_163, %sub3A_163 : vector<16xf32>
      %add3A_165 = arith.addf %mul3A_157, %mul3A_164 : vector<16xf32>
      %get3A_166 = arith.index_cast %shift_right_arithmetic3A_143 : i32 to index
      %get3A_167 = arith.index_cast %add3A_151 : i32 to index
      %get3A_168 = arith.constant 32 : index
      %get3A_169 = tpu.vector_load %arg6[%get3A_166, %get3A_167, %get3A_168] {strides = array<i32>} : memref<1x64x256xf32, #tpu.memory_space<vmem>>, vector<1x1x16xf32>,
      %get3A_170 = vector.shape_cast %get3A_169 : vector<1x1x16xf32> to vector<16xf32>
      %sub3A_171 = arith.subf %get3A_170, %get3A_47 : vector<16xf32>
      %mul3A_172 = arith.mulf %sub3A_171, %sub3A_171 : vector<16xf32>
      %add3A_173 = arith.addf %add3A_165, %mul3A_172 : vector<16xf32>
      %get3A_174 = arith.index_cast %shift_right_arithmetic3A_143 : i32 to index
      %get3A_175 = arith.index_cast %add3A_151 : i32 to index
      %get3A_176 = arith.constant 48 : index
      %get3A_177 = tpu.vector_load %arg6[%get3A_174, %get3A_175, %get3A_176] {strides = array<i32>} : memref<1x64x256xf32, #tpu.memory_space<vmem>>, vector<1x1x16xf32>,
      %get3A_178 = vector.shape_cast %get3A_177 : vector<1x1x16xf32> to vector<16xf32>
      %sub3A_179 = arith.subf %get3A_178, %get3A_50 : vector<16xf32>
      %mul3A_180 = arith.mulf %sub3A_179, %sub3A_179 : vector<16xf32>
      %add3A_181 = arith.addf %add3A_173, %mul3A_180 : vector<16xf32>
      %get3A_182 = arith.index_cast %shift_right_arithmetic3A_143 : i32 to index
      %get3A_183 = arith.index_cast %add3A_151 : i32 to index
      %get3A_184 = arith.constant 64 : index
      %get3A_185 = tpu.vector_load %arg6[%get3A_182, %get3A_183, %get3A_184] {strides = array<i32>} : memref<1x64x256xf32, #tpu.memory_space<vmem>>, vector<1x1x16xf32>,
      %get3A_186 = vector.shape_cast %get3A_185 : vector<1x1x16xf32> to vector<16xf32>
      %sub3A_187 = arith.subf %get3A_186, %get3A_53 : vector<16xf32>
      %mul3A_188 = arith.mulf %sub3A_187, %sub3A_187 : vector<16xf32>
      %add3A_189 = arith.addf %add3A_181, %mul3A_188 : vector<16xf32>
      %get3A_190 = arith.index_cast %shift_right_arithmetic3A_143 : i32 to index
      %get3A_191 = arith.index_cast %add3A_151 : i32 to index
      %get3A_192 = arith.constant 80 : index
      %get3A_193 = tpu.vector_load %arg6[%get3A_190, %get3A_191, %get3A_192] {strides = array<i32>} : memref<1x64x256xf32, #tpu.memory_space<vmem>>, vector<1x1x16xf32>,
      %get3A_194 = vector.shape_cast %get3A_193 : vector<1x1x16xf32> to vector<16xf32>
      %sub3A_195 = arith.subf %get3A_194, %get3A_56 : vector<16xf32>
      %mul3A_196 = arith.mulf %sub3A_195, %sub3A_195 : vector<16xf32>
      %add3A_197 = arith.addf %add3A_189, %mul3A_196 : vector<16xf32>
      %get3A_198 = arith.index_cast %shift_right_arithmetic3A_143 : i32 to index
      %get3A_199 = arith.index_cast %add3A_151 : i32 to index
      %get3A_200 = arith.constant 96 : index
      %get3A_201 = tpu.vector_load %arg6[%get3A_198, %get3A_199, %get3A_200] {strides = array<i32>} : memref<1x64x256xf32, #tpu.memory_space<vmem>>, vector<1x1x16xf32>,
      %get3A_202 = vector.shape_cast %get3A_201 : vector<1x1x16xf32> to vector<16xf32>
      %sub3A_203 = arith.subf %get3A_202, %get3A_59 : vector<16xf32>
      %mul3A_204 = arith.mulf %sub3A_203, %sub3A_203 : vector<16xf32>
      %add3A_205 = arith.addf %add3A_197, %mul3A_204 : vector<16xf32>
      %get3A_206 = arith.index_cast %shift_right_arithmetic3A_143 : i32 to index
      %get3A_207 = arith.index_cast %add3A_151 : i32 to index
      %get3A_208 = arith.constant 112 : index
      %get3A_209 = tpu.vector_load %arg6[%get3A_206, %get3A_207, %get3A_208] {strides = array<i32>} : memref<1x64x256xf32, #tpu.memory_space<vmem>>, vector<1x1x16xf32>,
      %get3A_210 = vector.shape_cast %get3A_209 : vector<1x1x16xf32> to vector<16xf32>
      %sub3A_211 = arith.subf %get3A_210, %get3A_62 : vector<16xf32>
      %mul3A_212 = arith.mulf %sub3A_211, %sub3A_211 : vector<16xf32>
      %add3A_213 = arith.addf %add3A_205, %mul3A_212 : vector<16xf32>
      %get3A_214 = arith.index_cast %shift_right_arithmetic3A_143 : i32 to index
      %get3A_215 = arith.index_cast %add3A_151 : i32 to index
      %get3A_216 = arith.constant 128 : index
      %get3A_217 = tpu.vector_load %arg6[%get3A_214, %get3A_215, %get3A_216] {strides = array<i32>} : memref<1x64x256xf32, #tpu.memory_space<vmem>>, vector<1x1x16xf32>,
      %get3A_218 = vector.shape_cast %get3A_217 : vector<1x1x16xf32> to vector<16xf32>
      %sub3A_219 = arith.subf %get3A_218, %get3A_65 : vector<16xf32>
      %mul3A_220 = arith.mulf %sub3A_219, %sub3A_219 : vector<16xf32>
      %add3A_221 = arith.addf %add3A_213, %mul3A_220 : vector<16xf32>
      %get3A_222 = arith.index_cast %shift_right_arithmetic3A_143 : i32 to index
      %get3A_223 = arith.index_cast %add3A_151 : i32 to index
      %get3A_224 = arith.constant 144 : index
      %get3A_225 = tpu.vector_load %arg6[%get3A_222, %get3A_223, %get3A_224] {strides = array<i32>} : memref<1x64x256xf32, #tpu.memory_space<vmem>>, vector<1x1x16xf32>,
      %get3A_226 = vector.shape_cast %get3A_225 : vector<1x1x16xf32> to vector<16xf32>
      %sub3A_227 = arith.subf %get3A_226, %get3A_68 : vector<16xf32>
      %mul3A_228 = arith.mulf %sub3A_227, %sub3A_227 : vector<16xf32>
      %add3A_229 = arith.addf %add3A_221, %mul3A_228 : vector<16xf32>
      %get3A_230 = arith.index_cast %shift_right_arithmetic3A_143 : i32 to index
      %get3A_231 = arith.index_cast %add3A_151 : i32 to index
      %get3A_232 = arith.constant 160 : index
      %get3A_233 = tpu.vector_load %arg6[%get3A_230, %get3A_231, %get3A_232] {strides = array<i32>} : memref<1x64x256xf32, #tpu.memory_space<vmem>>, vector<1x1x16xf32>,
      %get3A_234 = vector.shape_cast %get3A_233 : vector<1x1x16xf32> to vector<16xf32>
      %sub3A_235 = arith.subf %get3A_234, %get3A_71 : vector<16xf32>
      %mul3A_236 = arith.mulf %sub3A_235, %sub3A_235 : vector<16xf32>
      %add3A_237 = arith.addf %add3A_229, %mul3A_236 : vector<16xf32>
      %get3A_238 = arith.index_cast %shift_right_arithmetic3A_143 : i32 to index
      %get3A_239 = arith.index_cast %add3A_151 : i32 to index
      %get3A_240 = arith.constant 176 : index
      %get3A_241 = tpu.vector_load %arg6[%get3A_238, %get3A_239, %get3A_240] {strides = array<i32>} : memref<1x64x256xf32, #tpu.memory_space<vmem>>, vector<1x1x16xf32>,
      %get3A_242 = vector.shape_cast %get3A_241 : vector<1x1x16xf32> to vector<16xf32>
      %sub3A_243 = arith.subf %get3A_242, %get3A_74 : vector<16xf32>
      %mul3A_244 = arith.mulf %sub3A_243, %sub3A_243 : vector<16xf32>
      %add3A_245 = arith.addf %add3A_237, %mul3A_244 : vector<16xf32>
      %get3A_246 = arith.index_cast %shift_right_arithmetic3A_143 : i32 to index
      %get3A_247 = arith.index_cast %add3A_151 : i32 to index
      %get3A_248 = arith.constant 192 : index
      %get3A_249 = tpu.vector_load %arg6[%get3A_246, %get3A_247, %get3A_248] {strides = array<i32>} : memref<1x64x256xf32, #tpu.memory_space<vmem>>, vector<1x1x16xf32>,
      %get3A_250 = vector.shape_cast %get3A_249 : vector<1x1x16xf32> to vector<16xf32>
      %sub3A_251 = arith.subf %get3A_250, %get3A_77 : vector<16xf32>
      %mul3A_252 = arith.mulf %sub3A_251, %sub3A_251 : vector<16xf32>
      %add3A_253 = arith.addf %add3A_245, %mul3A_252 : vector<16xf32>
      %get3A_254 = arith.index_cast %shift_right_arithmetic3A_143 : i32 to index
      %get3A_255 = arith.index_cast %add3A_151 : i32 to index
      %get3A_256 = arith.constant 208 : index
      %get3A_257 = tpu.vector_load %arg6[%get3A_254, %get3A_255, %get3A_256] {strides = array<i32>} : memref<1x64x256xf32, #tpu.memory_space<vmem>>, vector<1x1x16xf32>,
      %get3A_258 = vector.shape_cast %get3A_257 : vector<1x1x16xf32> to vector<16xf32>
      %sub3A_259 = arith.subf %get3A_258, %get3A_80 : vector<16xf32>
      %mul3A_260 = arith.mulf %sub3A_259, %sub3A_259 : vector<16xf32>
      %add3A_261 = arith.addf %add3A_253, %mul3A_260 : vector<16xf32>
      %get3A_262 = arith.index_cast %shift_right_arithmetic3A_143 : i32 to index
      %get3A_263 = arith.index_cast %add3A_151 : i32 to index
      %get3A_264 = arith.constant 224 : index
      %get3A_265 = tpu.vector_load %arg6[%get3A_262, %get3A_263, %get3A_264] {strides = array<i32>} : memref<1x64x256xf32, #tpu.memory_space<vmem>>, vector<1x1x16xf32>,
      %get3A_266 = vector.shape_cast %get3A_265 : vector<1x1x16xf32> to vector<16xf32>
      %sub3A_267 = arith.subf %get3A_266, %get3A_83 : vector<16xf32>
      %mul3A_268 = arith.mulf %sub3A_267, %sub3A_267 : vector<16xf32>
      %add3A_269 = arith.addf %add3A_261, %mul3A_268 : vector<16xf32>
      %get3A_270 = arith.index_cast %shift_right_arithmetic3A_143 : i32 to index
      %get3A_271 = arith.index_cast %add3A_151 : i32 to index
      %get3A_272 = arith.constant 240 : index
      %get3A_273 = tpu.vector_load %arg6[%get3A_270, %get3A_271, %get3A_272] {strides = array<i32>} : memref<1x64x256xf32, #tpu.memory_space<vmem>>, vector<1x1x16xf32>,
      %get3A_274 = vector.shape_cast %get3A_273 : vector<1x1x16xf32> to vector<16xf32>
      %sub3A_275 = arith.subf %get3A_274, %get3A_86 : vector<16xf32>
      %mul3A_276 = arith.mulf %sub3A_275, %sub3A_275 : vector<16xf32>
      %add3A_277 = arith.addf %add3A_269, %mul3A_276 : vector<16xf32>
      %add3A_278 = arith.constant 8 : i32
      %add3A_279 = arith.addi %shift_left3A_146, %add3A_278 : i32
      %get3A_280 = arith.index_cast %shift_right_arithmetic3A_143 : i32 to index
      %get3A_281 = arith.index_cast %add3A_279 : i32 to index
      %get3A_282 = arith.constant 0 : index
      %get3A_283 = tpu.vector_load %arg6[%get3A_280, %get3A_281, %get3A_282] {strides = array<i32>} : memref<1x64x256xf32, #tpu.memory_space<vmem>>, vector<1x1x16xf32>,
      %get3A_284 = vector.shape_cast %get3A_283 : vector<1x1x16xf32> to vector<16xf32>
      %sub3A_285 = arith.subf %get3A_284, %get3A_41 : vector<16xf32>
      %mul3A_286 = arith.mulf %sub3A_285, %sub3A_285 : vector<16xf32>
      %get3A_287 = arith.index_cast %shift_right_arithmetic3A_143 : i32 to index
      %get3A_288 = arith.index_cast %add3A_279 : i32 to index
      %get3A_289 = arith.constant 16 : index
      %get3A_290 = tpu.vector_load %arg6[%get3A_287, %get3A_288, %get3A_289] {strides = array<i32>} : memref<1x64x256xf32, #tpu.memory_space<vmem>>, vector<1x1x16xf32>,
      %get3A_291 = vector.shape_cast %get3A_290 : vector<1x1x16xf32> to vector<16xf32>
      %sub3A_292 = arith.subf %get3A_291, %get3A_44 : vector<16xf32>
      %mul3A_293 = arith.mulf %sub3A_292, %sub3A_292 : vector<16xf32>
      %add3A_294 = arith.addf %mul3A_286, %mul3A_293 : vector<16xf32>
      %get3A_295 = arith.index_cast %shift_right_arithmetic3A_143 : i32 to index
      %get3A_296 = arith.index_cast %add3A_279 : i32 to index
      %get3A_297 = arith.constant 32 : index
      %get3A_298 = tpu.vector_load %arg6[%get3A_295, %get3A_296, %get3A_297] {strides = array<i32>} : memref<1x64x256xf32, #tpu.memory_space<vmem>>, vector<1x1x16xf32>,
      %get3A_299 = vector.shape_cast %get3A_298 : vector<1x1x16xf32> to vector<16xf32>
      %sub3A_300 = arith.subf %get3A_299, %get3A_47 : vector<16xf32>
      %mul3A_301 = arith.mulf %sub3A_300, %sub3A_300 : vector<16xf32>
      %add3A_302 = arith.addf %add3A_294, %mul3A_301 : vector<16xf32>
      %get3A_303 = arith.index_cast %shift_right_arithmetic3A_143 : i32 to index
      %get3A_304 = arith.index_cast %add3A_279 : i32 to index
      %get3A_305 = arith.constant 48 : index
      %get3A_306 = tpu.vector_load %arg6[%get3A_303, %get3A_304, %get3A_305] {strides = array<i32>} : memref<1x64x256xf32, #tpu.memory_space<vmem>>, vector<1x1x16xf32>,
      %get3A_307 = vector.shape_cast %get3A_306 : vector<1x1x16xf32> to vector<16xf32>
      %sub3A_308 = arith.subf %get3A_307, %get3A_50 : vector<16xf32>
      %mul3A_309 = arith.mulf %sub3A_308, %sub3A_308 : vector<16xf32>
      %add3A_310 = arith.addf %add3A_302, %mul3A_309 : vector<16xf32>
      %get3A_311 = arith.index_cast %shift_right_arithmetic3A_143 : i32 to index
      %get3A_312 = arith.index_cast %add3A_279 : i32 to index
      %get3A_313 = arith.constant 64 : index
      %get3A_314 = tpu.vector_load %arg6[%get3A_311, %get3A_312, %get3A_313] {strides = array<i32>} : memref<1x64x256xf32, #tpu.memory_space<vmem>>, vector<1x1x16xf32>,
      %get3A_315 = vector.shape_cast %get3A_314 : vector<1x1x16xf32> to vector<16xf32>
      %sub3A_316 = arith.subf %get3A_315, %get3A_53 : vector<16xf32>
      %mul3A_317 = arith.mulf %sub3A_316, %sub3A_316 : vector<16xf32>
      %add3A_318 = arith.addf %add3A_310, %mul3A_317 : vector<16xf32>
      %get3A_319 = arith.index_cast %shift_right_arithmetic3A_143 : i32 to index
      %get3A_320 = arith.index_cast %add3A_279 : i32 to index
      %get3A_321 = arith.constant 80 : index
      %get3A_322 = tpu.vector_load %arg6[%get3A_319, %get3A_320, %get3A_321] {strides = array<i32>} : memref<1x64x256xf32, #tpu.memory_space<vmem>>, vector<1x1x16xf32>,
      %get3A_323 = vector.shape_cast %get3A_322 : vector<1x1x16xf32> to vector<16xf32>
      %sub3A_324 = arith.subf %get3A_323, %get3A_56 : vector<16xf32>
      %mul3A_325 = arith.mulf %sub3A_324, %sub3A_324 : vector<16xf32>
      %add3A_326 = arith.addf %add3A_318, %mul3A_325 : vector<16xf32>
      %get3A_327 = arith.index_cast %shift_right_arithmetic3A_143 : i32 to index
      %get3A_328 = arith.index_cast %add3A_279 : i32 to index
      %get3A_329 = arith.constant 96 : index
      %get3A_330 = tpu.vector_load %arg6[%get3A_327, %get3A_328, %get3A_329] {strides = array<i32>} : memref<1x64x256xf32, #tpu.memory_space<vmem>>, vector<1x1x16xf32>,
      %get3A_331 = vector.shape_cast %get3A_330 : vector<1x1x16xf32> to vector<16xf32>
      %sub3A_332 = arith.subf %get3A_331, %get3A_59 : vector<16xf32>
      %mul3A_333 = arith.mulf %sub3A_332, %sub3A_332 : vector<16xf32>
      %add3A_334 = arith.addf %add3A_326, %mul3A_333 : vector<16xf32>
      %get3A_335 = arith.index_cast %shift_right_arithmetic3A_143 : i32 to index
      %get3A_336 = arith.index_cast %add3A_279 : i32 to index
      %get3A_337 = arith.constant 112 : index
      %get3A_338 = tpu.vector_load %arg6[%get3A_335, %get3A_336, %get3A_337] {strides = array<i32>} : memref<1x64x256xf32, #tpu.memory_space<vmem>>, vector<1x1x16xf32>,
      %get3A_339 = vector.shape_cast %get3A_338 : vector<1x1x16xf32> to vector<16xf32>
      %sub3A_340 = arith.subf %get3A_339, %get3A_62 : vector<16xf32>
      %mul3A_341 = arith.mulf %sub3A_340, %sub3A_340 : vector<16xf32>
      %add3A_342 = arith.addf %add3A_334, %mul3A_341 : vector<16xf32>
      %get3A_343 = arith.index_cast %shift_right_arithmetic3A_143 : i32 to index
      %get3A_344 = arith.index_cast %add3A_279 : i32 to index
      %get3A_345 = arith.constant 128 : index
      %get3A_346 = tpu.vector_load %arg6[%get3A_343, %get3A_344, %get3A_345] {strides = array<i32>} : memref<1x64x256xf32, #tpu.memory_space<vmem>>, vector<1x1x16xf32>,
      %get3A_347 = vector.shape_cast %get3A_346 : vector<1x1x16xf32> to vector<16xf32>
      %sub3A_348 = arith.subf %get3A_347, %get3A_65 : vector<16xf32>
      %mul3A_349 = arith.mulf %sub3A_348, %sub3A_348 : vector<16xf32>
      %add3A_350 = arith.addf %add3A_342, %mul3A_349 : vector<16xf32>
      %get3A_351 = arith.index_cast %shift_right_arithmetic3A_143 : i32 to index
      %get3A_352 = arith.index_cast %add3A_279 : i32 to index
      %get3A_353 = arith.constant 144 : index
      %get3A_354 = tpu.vector_load %arg6[%get3A_351, %get3A_352, %get3A_353] {strides = array<i32>} : memref<1x64x256xf32, #tpu.memory_space<vmem>>, vector<1x1x16xf32>,
      %get3A_355 = vector.shape_cast %get3A_354 : vector<1x1x16xf32> to vector<16xf32>
      %sub3A_356 = arith.subf %get3A_355, %get3A_68 : vector<16xf32>
      %mul3A_357 = arith.mulf %sub3A_356, %sub3A_356 : vector<16xf32>
      %add3A_358 = arith.addf %add3A_350, %mul3A_357 : vector<16xf32>
      %get3A_359 = arith.index_cast %shift_right_arithmetic3A_143 : i32 to index
      %get3A_360 = arith.index_cast %add3A_279 : i32 to index
      %get3A_361 = arith.constant 160 : index
      %get3A_362 = tpu.vector_load %arg6[%get3A_359, %get3A_360, %get3A_361] {strides = array<i32>} : memref<1x64x256xf32, #tpu.memory_space<vmem>>, vector<1x1x16xf32>,
      %get3A_363 = vector.shape_cast %get3A_362 : vector<1x1x16xf32> to vector<16xf32>
      %sub3A_364 = arith.subf %get3A_363, %get3A_71 : vector<16xf32>
      %mul3A_365 = arith.mulf %sub3A_364, %sub3A_364 : vector<16xf32>
      %add3A_366 = arith.addf %add3A_358, %mul3A_365 : vector<16xf32>
      %get3A_367 = arith.index_cast %shift_right_arithmetic3A_143 : i32 to index
      %get3A_368 = arith.index_cast %add3A_279 : i32 to index
      %get3A_369 = arith.constant 176 : index
      %get3A_370 = tpu.vector_load %arg6[%get3A_367, %get3A_368, %get3A_369] {strides = array<i32>} : memref<1x64x256xf32, #tpu.memory_space<vmem>>, vector<1x1x16xf32>,
      %get3A_371 = vector.shape_cast %get3A_370 : vector<1x1x16xf32> to vector<16xf32>
      %sub3A_372 = arith.subf %get3A_371, %get3A_74 : vector<16xf32>
      %mul3A_373 = arith.mulf %sub3A_372, %sub3A_372 : vector<16xf32>
      %add3A_374 = arith.addf %add3A_366, %mul3A_373 : vector<16xf32>
      %get3A_375 = arith.index_cast %shift_right_arithmetic3A_143 : i32 to index
      %get3A_376 = arith.index_cast %add3A_279 : i32 to index
      %get3A_377 = arith.constant 192 : index
      %get3A_378 = tpu.vector_load %arg6[%get3A_375, %get3A_376, %get3A_377] {strides = array<i32>} : memref<1x64x256xf32, #tpu.memory_space<vmem>>, vector<1x1x16xf32>,
      %get3A_379 = vector.shape_cast %get3A_378 : vector<1x1x16xf32> to vector<16xf32>
      %sub3A_380 = arith.subf %get3A_379, %get3A_77 : vector<16xf32>
      %mul3A_381 = arith.mulf %sub3A_380, %sub3A_380 : vector<16xf32>
      %add3A_382 = arith.addf %add3A_374, %mul3A_381 : vector<16xf32>
      %get3A_383 = arith.index_cast %shift_right_arithmetic3A_143 : i32 to index
      %get3A_384 = arith.index_cast %add3A_279 : i32 to index
      %get3A_385 = arith.constant 208 : index
      %get3A_386 = tpu.vector_load %arg6[%get3A_383, %get3A_384, %get3A_385] {strides = array<i32>} : memref<1x64x256xf32, #tpu.memory_space<vmem>>, vector<1x1x16xf32>,
      %get3A_387 = vector.shape_cast %get3A_386 : vector<1x1x16xf32> to vector<16xf32>
      %sub3A_388 = arith.subf %get3A_387, %get3A_80 : vector<16xf32>
      %mul3A_389 = arith.mulf %sub3A_388, %sub3A_388 : vector<16xf32>
      %add3A_390 = arith.addf %add3A_382, %mul3A_389 : vector<16xf32>
      %get3A_391 = arith.index_cast %shift_right_arithmetic3A_143 : i32 to index
      %get3A_392 = arith.index_cast %add3A_279 : i32 to index
      %get3A_393 = arith.constant 224 : index
      %get3A_394 = tpu.vector_load %arg6[%get3A_391, %get3A_392, %get3A_393] {strides = array<i32>} : memref<1x64x256xf32, #tpu.memory_space<vmem>>, vector<1x1x16xf32>,
      %get3A_395 = vector.shape_cast %get3A_394 : vector<1x1x16xf32> to vector<16xf32>
      %sub3A_396 = arith.subf %get3A_395, %get3A_83 : vector<16xf32>
      %mul3A_397 = arith.mulf %sub3A_396, %sub3A_396 : vector<16xf32>
      %add3A_398 = arith.addf %add3A_390, %mul3A_397 : vector<16xf32>
      %get3A_399 = arith.index_cast %shift_right_arithmetic3A_143 : i32 to index
      %get3A_400 = arith.index_cast %add3A_279 : i32 to index
      %get3A_401 = arith.constant 240 : index
      %get3A_402 = tpu.vector_load %arg6[%get3A_399, %get3A_400, %get3A_401] {strides = array<i32>} : memref<1x64x256xf32, #tpu.memory_space<vmem>>, vector<1x1x16xf32>,
      %get3A_403 = vector.shape_cast %get3A_402 : vector<1x1x16xf32> to vector<16xf32>
      %sub3A_404 = arith.subf %get3A_403, %get3A_86 : vector<16xf32>
      %mul3A_405 = arith.mulf %sub3A_404, %sub3A_404 : vector<16xf32>
      %add3A_406 = arith.addf %add3A_398, %mul3A_405 : vector<16xf32>
      %lt3A = arith.constant 0 : i32
      %lt3A_407 = vector.broadcast %lt3A : i32 to vector<16xi32>
      %lt3A_408 = arith.cmpi slt, %xor3A_110, %lt3A_407 : vector<16xi32>
      %add3A_409 = arith.constant 16 : i32
      %add3A_410 = vector.broadcast %add3A_409 : i32 to vector<16xi32>
      %add3A_411 = arith.addi %xor3A_110, %add3A_410 : vector<16xi32>
      %select_n3A = arith.select %lt3A_408, %add3A_411, %xor3A_110 : vector<16xi1>, vector<16xi32>
      %broadcast_in_dim3A = vector.shape_cast %select_n3A : vector<16xi32> to vector<16x1xi32>
      %gather3A = vector.shape_cast %broadcast_in_dim3A : vector<16x1xi32> to vector<16xi32>
      %gather3A_412 = tpu.dynamic_gather %add3A_406[%gather3A] in [0] : vector<16xf32>, vector<16xi32> -> vector<16xf32>
      %select_n3A_413 = arith.select %eq3A_90, %add3A_277, %gather3A_412 : vector<16xi1>, vector<16xf32>
      %lt3A_414 = arith.constant 0 : i32
      %lt3A_415 = vector.broadcast %lt3A_414 : i32 to vector<16xi32>
      %lt3A_416 = arith.cmpi slt, %xor3A_110, %lt3A_415 : vector<16xi32>
      %add3A_417 = arith.constant 16 : i32
      %add3A_418 = vector.broadcast %add3A_417 : i32 to vector<16xi32>
      %add3A_419 = arith.addi %xor3A_110, %add3A_418 : vector<16xi32>
      %select_n3A_420 = arith.select %lt3A_416, %add3A_419, %xor3A_110 : vector<16xi1>, vector<16xi32>
      %broadcast_in_dim3A_421 = vector.shape_cast %select_n3A_420 : vector<16xi32> to vector<16x1xi32>
      %gather3A_422 = vector.shape_cast %broadcast_in_dim3A_421 : vector<16x1xi32> to vector<16xi32>
      %gather3A_423 = tpu.dynamic_gather %add3A_277[%gather3A_422] in [0] : vector<16xf32>, vector<16xi32> -> vector<16xf32>
      %select_n3A_424 = arith.select %eq3A_90, %gather3A_423, %add3A_406 : vector<16xi1>, vector<16xf32>
      %add3A_425 = arith.addf %select_n3A_413, %select_n3A_424 : vector<16xf32>
      %add3A_426 = arith.constant 4 : i32
      %add3A_427 = arith.addi %shift_left3A_146, %add3A_426 : i32
      %get3A_428 = arith.index_cast %shift_right_arithmetic3A_143 : i32 to index
      %get3A_429 = arith.index_cast %add3A_427 : i32 to index
      %get3A_430 = arith.constant 0 : index
      %get3A_431 = tpu.vector_load %arg6[%get3A_428, %get3A_429, %get3A_430] {strides = array<i32>} : memref<1x64x256xf32, #tpu.memory_space<vmem>>, vector<1x1x16xf32>,
      %get3A_432 = vector.shape_cast %get3A_431 : vector<1x1x16xf32> to vector<16xf32>
      %sub3A_433 = arith.subf %get3A_432, %get3A_41 : vector<16xf32>
      %mul3A_434 = arith.mulf %sub3A_433, %sub3A_433 : vector<16xf32>
      %get3A_435 = arith.index_cast %shift_right_arithmetic3A_143 : i32 to index
      %get3A_436 = arith.index_cast %add3A_427 : i32 to index
      %get3A_437 = arith.constant 16 : index
      %get3A_438 = tpu.vector_load %arg6[%get3A_435, %get3A_436, %get3A_437] {strides = array<i32>} : memref<1x64x256xf32, #tpu.memory_space<vmem>>, vector<1x1x16xf32>,
      %get3A_439 = vector.shape_cast %get3A_438 : vector<1x1x16xf32> to vector<16xf32>
      %sub3A_440 = arith.subf %get3A_439, %get3A_44 : vector<16xf32>
      %mul3A_441 = arith.mulf %sub3A_440, %sub3A_440 : vector<16xf32>
      %add3A_442 = arith.addf %mul3A_434, %mul3A_441 : vector<16xf32>
      %get3A_443 = arith.index_cast %shift_right_arithmetic3A_143 : i32 to index
      %get3A_444 = arith.index_cast %add3A_427 : i32 to index
      %get3A_445 = arith.constant 32 : index
      %get3A_446 = tpu.vector_load %arg6[%get3A_443, %get3A_444, %get3A_445] {strides = array<i32>} : memref<1x64x256xf32, #tpu.memory_space<vmem>>, vector<1x1x16xf32>,
      %get3A_447 = vector.shape_cast %get3A_446 : vector<1x1x16xf32> to vector<16xf32>
      %sub3A_448 = arith.subf %get3A_447, %get3A_47 : vector<16xf32>
      %mul3A_449 = arith.mulf %sub3A_448, %sub3A_448 : vector<16xf32>
      %add3A_450 = arith.addf %add3A_442, %mul3A_449 : vector<16xf32>
      %get3A_451 = arith.index_cast %shift_right_arithmetic3A_143 : i32 to index
      %get3A_452 = arith.index_cast %add3A_427 : i32 to index
      %get3A_453 = arith.constant 48 : index
      %get3A_454 = tpu.vector_load %arg6[%get3A_451, %get3A_452, %get3A_453] {strides = array<i32>} : memref<1x64x256xf32, #tpu.memory_space<vmem>>, vector<1x1x16xf32>,
      %get3A_455 = vector.shape_cast %get3A_454 : vector<1x1x16xf32> to vector<16xf32>
      %sub3A_456 = arith.subf %get3A_455, %get3A_50 : vector<16xf32>
      %mul3A_457 = arith.mulf %sub3A_456, %sub3A_456 : vector<16xf32>
      %add3A_458 = arith.addf %add3A_450, %mul3A_457 : vector<16xf32>
      %get3A_459 = arith.index_cast %shift_right_arithmetic3A_143 : i32 to index
      %get3A_460 = arith.index_cast %add3A_427 : i32 to index
      %get3A_461 = arith.constant 64 : index
      %get3A_462 = tpu.vector_load %arg6[%get3A_459, %get3A_460, %get3A_461] {strides = array<i32>} : memref<1x64x256xf32, #tpu.memory_space<vmem>>, vector<1x1x16xf32>,
      %get3A_463 = vector.shape_cast %get3A_462 : vector<1x1x16xf32> to vector<16xf32>
      %sub3A_464 = arith.subf %get3A_463, %get3A_53 : vector<16xf32>
      %mul3A_465 = arith.mulf %sub3A_464, %sub3A_464 : vector<16xf32>
      %add3A_466 = arith.addf %add3A_458, %mul3A_465 : vector<16xf32>
      %get3A_467 = arith.index_cast %shift_right_arithmetic3A_143 : i32 to index
      %get3A_468 = arith.index_cast %add3A_427 : i32 to index
      %get3A_469 = arith.constant 80 : index
      %get3A_470 = tpu.vector_load %arg6[%get3A_467, %get3A_468, %get3A_469] {strides = array<i32>} : memref<1x64x256xf32, #tpu.memory_space<vmem>>, vector<1x1x16xf32>,
      %get3A_471 = vector.shape_cast %get3A_470 : vector<1x1x16xf32> to vector<16xf32>
      %sub3A_472 = arith.subf %get3A_471, %get3A_56 : vector<16xf32>
      %mul3A_473 = arith.mulf %sub3A_472, %sub3A_472 : vector<16xf32>
      %add3A_474 = arith.addf %add3A_466, %mul3A_473 : vector<16xf32>
      %get3A_475 = arith.index_cast %shift_right_arithmetic3A_143 : i32 to index
      %get3A_476 = arith.index_cast %add3A_427 : i32 to index
      %get3A_477 = arith.constant 96 : index
      %get3A_478 = tpu.vector_load %arg6[%get3A_475, %get3A_476, %get3A_477] {strides = array<i32>} : memref<1x64x256xf32, #tpu.memory_space<vmem>>, vector<1x1x16xf32>,
      %get3A_479 = vector.shape_cast %get3A_478 : vector<1x1x16xf32> to vector<16xf32>
      %sub3A_480 = arith.subf %get3A_479, %get3A_59 : vector<16xf32>
      %mul3A_481 = arith.mulf %sub3A_480, %sub3A_480 : vector<16xf32>
      %add3A_482 = arith.addf %add3A_474, %mul3A_481 : vector<16xf32>
      %get3A_483 = arith.index_cast %shift_right_arithmetic3A_143 : i32 to index
      %get3A_484 = arith.index_cast %add3A_427 : i32 to index
      %get3A_485 = arith.constant 112 : index
      %get3A_486 = tpu.vector_load %arg6[%get3A_483, %get3A_484, %get3A_485] {strides = array<i32>} : memref<1x64x256xf32, #tpu.memory_space<vmem>>, vector<1x1x16xf32>,
      %get3A_487 = vector.shape_cast %get3A_486 : vector<1x1x16xf32> to vector<16xf32>
      %sub3A_488 = arith.subf %get3A_487, %get3A_62 : vector<16xf32>
      %mul3A_489 = arith.mulf %sub3A_488, %sub3A_488 : vector<16xf32>
      %add3A_490 = arith.addf %add3A_482, %mul3A_489 : vector<16xf32>
      %get3A_491 = arith.index_cast %shift_right_arithmetic3A_143 : i32 to index
      %get3A_492 = arith.index_cast %add3A_427 : i32 to index
      %get3A_493 = arith.constant 128 : index
      %get3A_494 = tpu.vector_load %arg6[%get3A_491, %get3A_492, %get3A_493] {strides = array<i32>} : memref<1x64x256xf32, #tpu.memory_space<vmem>>, vector<1x1x16xf32>,
      %get3A_495 = vector.shape_cast %get3A_494 : vector<1x1x16xf32> to vector<16xf32>
      %sub3A_496 = arith.subf %get3A_495, %get3A_65 : vector<16xf32>
      %mul3A_497 = arith.mulf %sub3A_496, %sub3A_496 : vector<16xf32>
      %add3A_498 = arith.addf %add3A_490, %mul3A_497 : vector<16xf32>
      %get3A_499 = arith.index_cast %shift_right_arithmetic3A_143 : i32 to index
      %get3A_500 = arith.index_cast %add3A_427 : i32 to index
      %get3A_501 = arith.constant 144 : index
      %get3A_502 = tpu.vector_load %arg6[%get3A_499, %get3A_500, %get3A_501] {strides = array<i32>} : memref<1x64x256xf32, #tpu.memory_space<vmem>>, vector<1x1x16xf32>,
      %get3A_503 = vector.shape_cast %get3A_502 : vector<1x1x16xf32> to vector<16xf32>
      %sub3A_504 = arith.subf %get3A_503, %get3A_68 : vector<16xf32>
      %mul3A_505 = arith.mulf %sub3A_504, %sub3A_504 : vector<16xf32>
      %add3A_506 = arith.addf %add3A_498, %mul3A_505 : vector<16xf32>
      %get3A_507 = arith.index_cast %shift_right_arithmetic3A_143 : i32 to index
      %get3A_508 = arith.index_cast %add3A_427 : i32 to index
      %get3A_509 = arith.constant 160 : index
      %get3A_510 = tpu.vector_load %arg6[%get3A_507, %get3A_508, %get3A_509] {strides = array<i32>} : memref<1x64x256xf32, #tpu.memory_space<vmem>>, vector<1x1x16xf32>,
      %get3A_511 = vector.shape_cast %get3A_510 : vector<1x1x16xf32> to vector<16xf32>
      %sub3A_512 = arith.subf %get3A_511, %get3A_71 : vector<16xf32>
      %mul3A_513 = arith.mulf %sub3A_512, %sub3A_512 : vector<16xf32>
      %add3A_514 = arith.addf %add3A_506, %mul3A_513 : vector<16xf32>
      %get3A_515 = arith.index_cast %shift_right_arithmetic3A_143 : i32 to index
      %get3A_516 = arith.index_cast %add3A_427 : i32 to index
      %get3A_517 = arith.constant 176 : index
      %get3A_518 = tpu.vector_load %arg6[%get3A_515, %get3A_516, %get3A_517] {strides = array<i32>} : memref<1x64x256xf32, #tpu.memory_space<vmem>>, vector<1x1x16xf32>,
      %get3A_519 = vector.shape_cast %get3A_518 : vector<1x1x16xf32> to vector<16xf32>
      %sub3A_520 = arith.subf %get3A_519, %get3A_74 : vector<16xf32>
      %mul3A_521 = arith.mulf %sub3A_520, %sub3A_520 : vector<16xf32>
      %add3A_522 = arith.addf %add3A_514, %mul3A_521 : vector<16xf32>
      %get3A_523 = arith.index_cast %shift_right_arithmetic3A_143 : i32 to index
      %get3A_524 = arith.index_cast %add3A_427 : i32 to index
      %get3A_525 = arith.constant 192 : index
      %get3A_526 = tpu.vector_load %arg6[%get3A_523, %get3A_524, %get3A_525] {strides = array<i32>} : memref<1x64x256xf32, #tpu.memory_space<vmem>>, vector<1x1x16xf32>,
      %get3A_527 = vector.shape_cast %get3A_526 : vector<1x1x16xf32> to vector<16xf32>
      %sub3A_528 = arith.subf %get3A_527, %get3A_77 : vector<16xf32>
      %mul3A_529 = arith.mulf %sub3A_528, %sub3A_528 : vector<16xf32>
      %add3A_530 = arith.addf %add3A_522, %mul3A_529 : vector<16xf32>
      %get3A_531 = arith.index_cast %shift_right_arithmetic3A_143 : i32 to index
      %get3A_532 = arith.index_cast %add3A_427 : i32 to index
      %get3A_533 = arith.constant 208 : index
      %get3A_534 = tpu.vector_load %arg6[%get3A_531, %get3A_532, %get3A_533] {strides = array<i32>} : memref<1x64x256xf32, #tpu.memory_space<vmem>>, vector<1x1x16xf32>,
      %get3A_535 = vector.shape_cast %get3A_534 : vector<1x1x16xf32> to vector<16xf32>
      %sub3A_536 = arith.subf %get3A_535, %get3A_80 : vector<16xf32>
      %mul3A_537 = arith.mulf %sub3A_536, %sub3A_536 : vector<16xf32>
      %add3A_538 = arith.addf %add3A_530, %mul3A_537 : vector<16xf32>
      %get3A_539 = arith.index_cast %shift_right_arithmetic3A_143 : i32 to index
      %get3A_540 = arith.index_cast %add3A_427 : i32 to index
      %get3A_541 = arith.constant 224 : index
      %get3A_542 = tpu.vector_load %arg6[%get3A_539, %get3A_540, %get3A_541] {strides = array<i32>} : memref<1x64x256xf32, #tpu.memory_space<vmem>>, vector<1x1x16xf32>,
      %get3A_543 = vector.shape_cast %get3A_542 : vector<1x1x16xf32> to vector<16xf32>
      %sub3A_544 = arith.subf %get3A_543, %get3A_83 : vector<16xf32>
      %mul3A_545 = arith.mulf %sub3A_544, %sub3A_544 : vector<16xf32>
      %add3A_546 = arith.addf %add3A_538, %mul3A_545 : vector<16xf32>
      %get3A_547 = arith.index_cast %shift_right_arithmetic3A_143 : i32 to index
      %get3A_548 = arith.index_cast %add3A_427 : i32 to index
      %get3A_549 = arith.constant 240 : index
      %get3A_550 = tpu.vector_load %arg6[%get3A_547, %get3A_548, %get3A_549] {strides = array<i32>} : memref<1x64x256xf32, #tpu.memory_space<vmem>>, vector<1x1x16xf32>,
      %get3A_551 = vector.shape_cast %get3A_550 : vector<1x1x16xf32> to vector<16xf32>
      %sub3A_552 = arith.subf %get3A_551, %get3A_86 : vector<16xf32>
      %mul3A_553 = arith.mulf %sub3A_552, %sub3A_552 : vector<16xf32>
      %add3A_554 = arith.addf %add3A_546, %mul3A_553 : vector<16xf32>
      %add3A_555 = arith.constant 12 : i32
      %add3A_556 = arith.addi %shift_left3A_146, %add3A_555 : i32
      %get3A_557 = arith.index_cast %shift_right_arithmetic3A_143 : i32 to index
      %get3A_558 = arith.index_cast %add3A_556 : i32 to index
      %get3A_559 = arith.constant 0 : index
      %get3A_560 = tpu.vector_load %arg6[%get3A_557, %get3A_558, %get3A_559] {strides = array<i32>} : memref<1x64x256xf32, #tpu.memory_space<vmem>>, vector<1x1x16xf32>,
      %get3A_561 = vector.shape_cast %get3A_560 : vector<1x1x16xf32> to vector<16xf32>
      %sub3A_562 = arith.subf %get3A_561, %get3A_41 : vector<16xf32>
      %mul3A_563 = arith.mulf %sub3A_562, %sub3A_562 : vector<16xf32>
      %get3A_564 = arith.index_cast %shift_right_arithmetic3A_143 : i32 to index
      %get3A_565 = arith.index_cast %add3A_556 : i32 to index
      %get3A_566 = arith.constant 16 : index
      %get3A_567 = tpu.vector_load %arg6[%get3A_564, %get3A_565, %get3A_566] {strides = array<i32>} : memref<1x64x256xf32, #tpu.memory_space<vmem>>, vector<1x1x16xf32>,
      %get3A_568 = vector.shape_cast %get3A_567 : vector<1x1x16xf32> to vector<16xf32>
      %sub3A_569 = arith.subf %get3A_568, %get3A_44 : vector<16xf32>
      %mul3A_570 = arith.mulf %sub3A_569, %sub3A_569 : vector<16xf32>
      %add3A_571 = arith.addf %mul3A_563, %mul3A_570 : vector<16xf32>
      %get3A_572 = arith.index_cast %shift_right_arithmetic3A_143 : i32 to index
      %get3A_573 = arith.index_cast %add3A_556 : i32 to index
      %get3A_574 = arith.constant 32 : index
      %get3A_575 = tpu.vector_load %arg6[%get3A_572, %get3A_573, %get3A_574] {strides = array<i32>} : memref<1x64x256xf32, #tpu.memory_space<vmem>>, vector<1x1x16xf32>,
      %get3A_576 = vector.shape_cast %get3A_575 : vector<1x1x16xf32> to vector<16xf32>
      %sub3A_577 = arith.subf %get3A_576, %get3A_47 : vector<16xf32>
      %mul3A_578 = arith.mulf %sub3A_577, %sub3A_577 : vector<16xf32>
      %add3A_579 = arith.addf %add3A_571, %mul3A_578 : vector<16xf32>
      %get3A_580 = arith.index_cast %shift_right_arithmetic3A_143 : i32 to index
      %get3A_581 = arith.index_cast %add3A_556 : i32 to index
      %get3A_582 = arith.constant 48 : index
      %get3A_583 = tpu.vector_load %arg6[%get3A_580, %get3A_581, %get3A_582] {strides = array<i32>} : memref<1x64x256xf32, #tpu.memory_space<vmem>>, vector<1x1x16xf32>,
      %get3A_584 = vector.shape_cast %get3A_583 : vector<1x1x16xf32> to vector<16xf32>
      %sub3A_585 = arith.subf %get3A_584, %get3A_50 : vector<16xf32>
      %mul3A_586 = arith.mulf %sub3A_585, %sub3A_585 : vector<16xf32>
      %add3A_587 = arith.addf %add3A_579, %mul3A_586 : vector<16xf32>
      %get3A_588 = arith.index_cast %shift_right_arithmetic3A_143 : i32 to index
      %get3A_589 = arith.index_cast %add3A_556 : i32 to index
      %get3A_590 = arith.constant 64 : index
      %get3A_591 = tpu.vector_load %arg6[%get3A_588, %get3A_589, %get3A_590] {strides = array<i32>} : memref<1x64x256xf32, #tpu.memory_space<vmem>>, vector<1x1x16xf32>,
      %get3A_592 = vector.shape_cast %get3A_591 : vector<1x1x16xf32> to vector<16xf32>
      %sub3A_593 = arith.subf %get3A_592, %get3A_53 : vector<16xf32>
      %mul3A_594 = arith.mulf %sub3A_593, %sub3A_593 : vector<16xf32>
      %add3A_595 = arith.addf %add3A_587, %mul3A_594 : vector<16xf32>
      %get3A_596 = arith.index_cast %shift_right_arithmetic3A_143 : i32 to index
      %get3A_597 = arith.index_cast %add3A_556 : i32 to index
      %get3A_598 = arith.constant 80 : index
      %get3A_599 = tpu.vector_load %arg6[%get3A_596, %get3A_597, %get3A_598] {strides = array<i32>} : memref<1x64x256xf32, #tpu.memory_space<vmem>>, vector<1x1x16xf32>,
      %get3A_600 = vector.shape_cast %get3A_599 : vector<1x1x16xf32> to vector<16xf32>
      %sub3A_601 = arith.subf %get3A_600, %get3A_56 : vector<16xf32>
      %mul3A_602 = arith.mulf %sub3A_601, %sub3A_601 : vector<16xf32>
      %add3A_603 = arith.addf %add3A_595, %mul3A_602 : vector<16xf32>
      %get3A_604 = arith.index_cast %shift_right_arithmetic3A_143 : i32 to index
      %get3A_605 = arith.index_cast %add3A_556 : i32 to index
      %get3A_606 = arith.constant 96 : index
      %get3A_607 = tpu.vector_load %arg6[%get3A_604, %get3A_605, %get3A_606] {strides = array<i32>} : memref<1x64x256xf32, #tpu.memory_space<vmem>>, vector<1x1x16xf32>,
      %get3A_608 = vector.shape_cast %get3A_607 : vector<1x1x16xf32> to vector<16xf32>
      %sub3A_609 = arith.subf %get3A_608, %get3A_59 : vector<16xf32>
      %mul3A_610 = arith.mulf %sub3A_609, %sub3A_609 : vector<16xf32>
      %add3A_611 = arith.addf %add3A_603, %mul3A_610 : vector<16xf32>
      %get3A_612 = arith.index_cast %shift_right_arithmetic3A_143 : i32 to index
      %get3A_613 = arith.index_cast %add3A_556 : i32 to index
      %get3A_614 = arith.constant 112 : index
      %get3A_615 = tpu.vector_load %arg6[%get3A_612, %get3A_613, %get3A_614] {strides = array<i32>} : memref<1x64x256xf32, #tpu.memory_space<vmem>>, vector<1x1x16xf32>,
      %get3A_616 = vector.shape_cast %get3A_615 : vector<1x1x16xf32> to vector<16xf32>
      %sub3A_617 = arith.subf %get3A_616, %get3A_62 : vector<16xf32>
      %mul3A_618 = arith.mulf %sub3A_617, %sub3A_617 : vector<16xf32>
      %add3A_619 = arith.addf %add3A_611, %mul3A_618 : vector<16xf32>
      %get3A_620 = arith.index_cast %shift_right_arithmetic3A_143 : i32 to index
      %get3A_621 = arith.index_cast %add3A_556 : i32 to index
      %get3A_622 = arith.constant 128 : index
      %get3A_623 = tpu.vector_load %arg6[%get3A_620, %get3A_621, %get3A_622] {strides = array<i32>} : memref<1x64x256xf32, #tpu.memory_space<vmem>>, vector<1x1x16xf32>,
      %get3A_624 = vector.shape_cast %get3A_623 : vector<1x1x16xf32> to vector<16xf32>
      %sub3A_625 = arith.subf %get3A_624, %get3A_65 : vector<16xf32>
      %mul3A_626 = arith.mulf %sub3A_625, %sub3A_625 : vector<16xf32>
      %add3A_627 = arith.addf %add3A_619, %mul3A_626 : vector<16xf32>
      %get3A_628 = arith.index_cast %shift_right_arithmetic3A_143 : i32 to index
      %get3A_629 = arith.index_cast %add3A_556 : i32 to index
      %get3A_630 = arith.constant 144 : index
      %get3A_631 = tpu.vector_load %arg6[%get3A_628, %get3A_629, %get3A_630] {strides = array<i32>} : memref<1x64x256xf32, #tpu.memory_space<vmem>>, vector<1x1x16xf32>,
      %get3A_632 = vector.shape_cast %get3A_631 : vector<1x1x16xf32> to vector<16xf32>
      %sub3A_633 = arith.subf %get3A_632, %get3A_68 : vector<16xf32>
      %mul3A_634 = arith.mulf %sub3A_633, %sub3A_633 : vector<16xf32>
      %add3A_635 = arith.addf %add3A_627, %mul3A_634 : vector<16xf32>
      %get3A_636 = arith.index_cast %shift_right_arithmetic3A_143 : i32 to index
      %get3A_637 = arith.index_cast %add3A_556 : i32 to index
      %get3A_638 = arith.constant 160 : index
      %get3A_639 = tpu.vector_load %arg6[%get3A_636, %get3A_637, %get3A_638] {strides = array<i32>} : memref<1x64x256xf32, #tpu.memory_space<vmem>>, vector<1x1x16xf32>,
      %get3A_640 = vector.shape_cast %get3A_639 : vector<1x1x16xf32> to vector<16xf32>
      %sub3A_641 = arith.subf %get3A_640, %get3A_71 : vector<16xf32>
      %mul3A_642 = arith.mulf %sub3A_641, %sub3A_641 : vector<16xf32>
      %add3A_643 = arith.addf %add3A_635, %mul3A_642 : vector<16xf32>
      %get3A_644 = arith.index_cast %shift_right_arithmetic3A_143 : i32 to index
      %get3A_645 = arith.index_cast %add3A_556 : i32 to index
      %get3A_646 = arith.constant 176 : index
      %get3A_647 = tpu.vector_load %arg6[%get3A_644, %get3A_645, %get3A_646] {strides = array<i32>} : memref<1x64x256xf32, #tpu.memory_space<vmem>>, vector<1x1x16xf32>,
      %get3A_648 = vector.shape_cast %get3A_647 : vector<1x1x16xf32> to vector<16xf32>
      %sub3A_649 = arith.subf %get3A_648, %get3A_74 : vector<16xf32>
      %mul3A_650 = arith.mulf %sub3A_649, %sub3A_649 : vector<16xf32>
      %add3A_651 = arith.addf %add3A_643, %mul3A_650 : vector<16xf32>
      %get3A_652 = arith.index_cast %shift_right_arithmetic3A_143 : i32 to index
      %get3A_653 = arith.index_cast %add3A_556 : i32 to index
      %get3A_654 = arith.constant 192 : index
      %get3A_655 = tpu.vector_load %arg6[%get3A_652, %get3A_653, %get3A_654] {strides = array<i32>} : memref<1x64x256xf32, #tpu.memory_space<vmem>>, vector<1x1x16xf32>,
      %get3A_656 = vector.shape_cast %get3A_655 : vector<1x1x16xf32> to vector<16xf32>
      %sub3A_657 = arith.subf %get3A_656, %get3A_77 : vector<16xf32>
      %mul3A_658 = arith.mulf %sub3A_657, %sub3A_657 : vector<16xf32>
      %add3A_659 = arith.addf %add3A_651, %mul3A_658 : vector<16xf32>
      %get3A_660 = arith.index_cast %shift_right_arithmetic3A_143 : i32 to index
      %get3A_661 = arith.index_cast %add3A_556 : i32 to index
      %get3A_662 = arith.constant 208 : index
      %get3A_663 = tpu.vector_load %arg6[%get3A_660, %get3A_661, %get3A_662] {strides = array<i32>} : memref<1x64x256xf32, #tpu.memory_space<vmem>>, vector<1x1x16xf32>,
      %get3A_664 = vector.shape_cast %get3A_663 : vector<1x1x16xf32> to vector<16xf32>
      %sub3A_665 = arith.subf %get3A_664, %get3A_80 : vector<16xf32>
      %mul3A_666 = arith.mulf %sub3A_665, %sub3A_665 : vector<16xf32>
      %add3A_667 = arith.addf %add3A_659, %mul3A_666 : vector<16xf32>
      %get3A_668 = arith.index_cast %shift_right_arithmetic3A_143 : i32 to index
      %get3A_669 = arith.index_cast %add3A_556 : i32 to index
      %get3A_670 = arith.constant 224 : index
      %get3A_671 = tpu.vector_load %arg6[%get3A_668, %get3A_669, %get3A_670] {strides = array<i32>} : memref<1x64x256xf32, #tpu.memory_space<vmem>>, vector<1x1x16xf32>,
      %get3A_672 = vector.shape_cast %get3A_671 : vector<1x1x16xf32> to vector<16xf32>
      %sub3A_673 = arith.subf %get3A_672, %get3A_83 : vector<16xf32>
      %mul3A_674 = arith.mulf %sub3A_673, %sub3A_673 : vector<16xf32>
      %add3A_675 = arith.addf %add3A_667, %mul3A_674 : vector<16xf32>
      %get3A_676 = arith.index_cast %shift_right_arithmetic3A_143 : i32 to index
      %get3A_677 = arith.index_cast %add3A_556 : i32 to index
      %get3A_678 = arith.constant 240 : index
      %get3A_679 = tpu.vector_load %arg6[%get3A_676, %get3A_677, %get3A_678] {strides = array<i32>} : memref<1x64x256xf32, #tpu.memory_space<vmem>>, vector<1x1x16xf32>,
      %get3A_680 = vector.shape_cast %get3A_679 : vector<1x1x16xf32> to vector<16xf32>
      %sub3A_681 = arith.subf %get3A_680, %get3A_86 : vector<16xf32>
      %mul3A_682 = arith.mulf %sub3A_681, %sub3A_681 : vector<16xf32>
      %add3A_683 = arith.addf %add3A_675, %mul3A_682 : vector<16xf32>
      %lt3A_684 = arith.constant 0 : i32
      %lt3A_685 = vector.broadcast %lt3A_684 : i32 to vector<16xi32>
      %lt3A_686 = arith.cmpi slt, %xor3A_110, %lt3A_685 : vector<16xi32>
      %add3A_687 = arith.constant 16 : i32
      %add3A_688 = vector.broadcast %add3A_687 : i32 to vector<16xi32>
      %add3A_689 = arith.addi %xor3A_110, %add3A_688 : vector<16xi32>
      %select_n3A_690 = arith.select %lt3A_686, %add3A_689, %xor3A_110 : vector<16xi1>, vector<16xi32>
      %broadcast_in_dim3A_691 = vector.shape_cast %select_n3A_690 : vector<16xi32> to vector<16x1xi32>
      %gather3A_692 = vector.shape_cast %broadcast_in_dim3A_691 : vector<16x1xi32> to vector<16xi32>
      %gather3A_693 = tpu.dynamic_gather %add3A_683[%gather3A_692] in [0] : vector<16xf32>, vector<16xi32> -> vector<16xf32>
      %select_n3A_694 = arith.select %eq3A_90, %add3A_554, %gather3A_693 : vector<16xi1>, vector<16xf32>
      %lt3A_695 = arith.constant 0 : i32
      %lt3A_696 = vector.broadcast %lt3A_695 : i32 to vector<16xi32>
      %lt3A_697 = arith.cmpi slt, %xor3A_110, %lt3A_696 : vector<16xi32>
      %add3A_698 = arith.constant 16 : i32
      %add3A_699 = vector.broadcast %add3A_698 : i32 to vector<16xi32>
      %add3A_700 = arith.addi %xor3A_110, %add3A_699 : vector<16xi32>
      %select_n3A_701 = arith.select %lt3A_697, %add3A_700, %xor3A_110 : vector<16xi1>, vector<16xi32>
      %broadcast_in_dim3A_702 = vector.shape_cast %select_n3A_701 : vector<16xi32> to vector<16x1xi32>
      %gather3A_703 = vector.shape_cast %broadcast_in_dim3A_702 : vector<16x1xi32> to vector<16xi32>
      %gather3A_704 = tpu.dynamic_gather %add3A_554[%gather3A_703] in [0] : vector<16xf32>, vector<16xi32> -> vector<16xf32>
      %select_n3A_705 = arith.select %eq3A_90, %gather3A_704, %add3A_683 : vector<16xi1>, vector<16xf32>
      %add3A_706 = arith.addf %select_n3A_694, %select_n3A_705 : vector<16xf32>
      %lt3A_707 = arith.constant 0 : i32
      %lt3A_708 = vector.broadcast %lt3A_707 : i32 to vector<16xi32>
      %lt3A_709 = arith.cmpi slt, %xor3A_113, %lt3A_708 : vector<16xi32>
      %add3A_710 = arith.constant 16 : i32
      %add3A_711 = vector.broadcast %add3A_710 : i32 to vector<16xi32>
      %add3A_712 = arith.addi %xor3A_113, %add3A_711 : vector<16xi32>
      %select_n3A_713 = arith.select %lt3A_709, %add3A_712, %xor3A_113 : vector<16xi1>, vector<16xi32>
      %broadcast_in_dim3A_714 = vector.shape_cast %select_n3A_713 : vector<16xi32> to vector<16x1xi32>
      %gather3A_715 = vector.shape_cast %broadcast_in_dim3A_714 : vector<16x1xi32> to vector<16xi32>
      %gather3A_716 = tpu.dynamic_gather %add3A_706[%gather3A_715] in [0] : vector<16xf32>, vector<16xi32> -> vector<16xf32>
      %select_n3A_717 = arith.select %eq3A_96, %add3A_425, %gather3A_716 : vector<16xi1>, vector<16xf32>
      %lt3A_718 = arith.constant 0 : i32
      %lt3A_719 = vector.broadcast %lt3A_718 : i32 to vector<16xi32>
      %lt3A_720 = arith.cmpi slt, %xor3A_113, %lt3A_719 : vector<16xi32>
      %add3A_721 = arith.constant 16 : i32
      %add3A_722 = vector.broadcast %add3A_721 : i32 to vector<16xi32>
      %add3A_723 = arith.addi %xor3A_113, %add3A_722 : vector<16xi32>
      %select_n3A_724 = arith.select %lt3A_720, %add3A_723, %xor3A_113 : vector<16xi1>, vector<16xi32>
      %broadcast_in_dim3A_725 = vector.shape_cast %select_n3A_724 : vector<16xi32> to vector<16x1xi32>
      %gather3A_726 = vector.shape_cast %broadcast_in_dim3A_725 : vector<16x1xi32> to vector<16xi32>
      %gather3A_727 = tpu.dynamic_gather %add3A_425[%gather3A_726] in [0] : vector<16xf32>, vector<16xi32> -> vector<16xf32>
      %select_n3A_728 = arith.select %eq3A_96, %gather3A_727, %add3A_706 : vector<16xi1>, vector<16xf32>
      %add3A_729 = arith.addf %select_n3A_717, %select_n3A_728 : vector<16xf32>
      %add3A_730 = arith.constant 2 : i32
      %add3A_731 = arith.addi %shift_left3A_146, %add3A_730 : i32
      %get3A_732 = arith.index_cast %shift_right_arithmetic3A_143 : i32 to index
      %get3A_733 = arith.index_cast %add3A_731 : i32 to index
      %get3A_734 = arith.constant 0 : index
      %get3A_735 = tpu.vector_load %arg6[%get3A_732, %get3A_733, %get3A_734] {strides = array<i32>} : memref<1x64x256xf32, #tpu.memory_space<vmem>>, vector<1x1x16xf32>,
      %get3A_736 = vector.shape_cast %get3A_735 : vector<1x1x16xf32> to vector<16xf32>
      %sub3A_737 = arith.subf %get3A_736, %get3A_41 : vector<16xf32>
      %mul3A_738 = arith.mulf %sub3A_737, %sub3A_737 : vector<16xf32>
      %get3A_739 = arith.index_cast %shift_right_arithmetic3A_143 : i32 to index
      %get3A_740 = arith.index_cast %add3A_731 : i32 to index
      %get3A_741 = arith.constant 16 : index
      %get3A_742 = tpu.vector_load %arg6[%get3A_739, %get3A_740, %get3A_741] {strides = array<i32>} : memref<1x64x256xf32, #tpu.memory_space<vmem>>, vector<1x1x16xf32>,
      %get3A_743 = vector.shape_cast %get3A_742 : vector<1x1x16xf32> to vector<16xf32>
      %sub3A_744 = arith.subf %get3A_743, %get3A_44 : vector<16xf32>
      %mul3A_745 = arith.mulf %sub3A_744, %sub3A_744 : vector<16xf32>
      %add3A_746 = arith.addf %mul3A_738, %mul3A_745 : vector<16xf32>
      %get3A_747 = arith.index_cast %shift_right_arithmetic3A_143 : i32 to index
      %get3A_748 = arith.index_cast %add3A_731 : i32 to index
      %get3A_749 = arith.constant 32 : index
      %get3A_750 = tpu.vector_load %arg6[%get3A_747, %get3A_748, %get3A_749] {strides = array<i32>} : memref<1x64x256xf32, #tpu.memory_space<vmem>>, vector<1x1x16xf32>,
      %get3A_751 = vector.shape_cast %get3A_750 : vector<1x1x16xf32> to vector<16xf32>
      %sub3A_752 = arith.subf %get3A_751, %get3A_47 : vector<16xf32>
      %mul3A_753 = arith.mulf %sub3A_752, %sub3A_752 : vector<16xf32>
      %add3A_754 = arith.addf %add3A_746, %mul3A_753 : vector<16xf32>
      %get3A_755 = arith.index_cast %shift_right_arithmetic3A_143 : i32 to index
      %get3A_756 = arith.index_cast %add3A_731 : i32 to index
      %get3A_757 = arith.constant 48 : index
      %get3A_758 = tpu.vector_load %arg6[%get3A_755, %get3A_756, %get3A_757] {strides = array<i32>} : memref<1x64x256xf32, #tpu.memory_space<vmem>>, vector<1x1x16xf32>,
      %get3A_759 = vector.shape_cast %get3A_758 : vector<1x1x16xf32> to vector<16xf32>
      %sub3A_760 = arith.subf %get3A_759, %get3A_50 : vector<16xf32>
      %mul3A_761 = arith.mulf %sub3A_760, %sub3A_760 : vector<16xf32>
      %add3A_762 = arith.addf %add3A_754, %mul3A_761 : vector<16xf32>
      %get3A_763 = arith.index_cast %shift_right_arithmetic3A_143 : i32 to index
      %get3A_764 = arith.index_cast %add3A_731 : i32 to index
      %get3A_765 = arith.constant 64 : index
      %get3A_766 = tpu.vector_load %arg6[%get3A_763, %get3A_764, %get3A_765] {strides = array<i32>} : memref<1x64x256xf32, #tpu.memory_space<vmem>>, vector<1x1x16xf32>,
      %get3A_767 = vector.shape_cast %get3A_766 : vector<1x1x16xf32> to vector<16xf32>
      %sub3A_768 = arith.subf %get3A_767, %get3A_53 : vector<16xf32>
      %mul3A_769 = arith.mulf %sub3A_768, %sub3A_768 : vector<16xf32>
      %add3A_770 = arith.addf %add3A_762, %mul3A_769 : vector<16xf32>
      %get3A_771 = arith.index_cast %shift_right_arithmetic3A_143 : i32 to index
      %get3A_772 = arith.index_cast %add3A_731 : i32 to index
      %get3A_773 = arith.constant 80 : index
      %get3A_774 = tpu.vector_load %arg6[%get3A_771, %get3A_772, %get3A_773] {strides = array<i32>} : memref<1x64x256xf32, #tpu.memory_space<vmem>>, vector<1x1x16xf32>,
      %get3A_775 = vector.shape_cast %get3A_774 : vector<1x1x16xf32> to vector<16xf32>
      %sub3A_776 = arith.subf %get3A_775, %get3A_56 : vector<16xf32>
      %mul3A_777 = arith.mulf %sub3A_776, %sub3A_776 : vector<16xf32>
      %add3A_778 = arith.addf %add3A_770, %mul3A_777 : vector<16xf32>
      %get3A_779 = arith.index_cast %shift_right_arithmetic3A_143 : i32 to index
      %get3A_780 = arith.index_cast %add3A_731 : i32 to index
      %get3A_781 = arith.constant 96 : index
      %get3A_782 = tpu.vector_load %arg6[%get3A_779, %get3A_780, %get3A_781] {strides = array<i32>} : memref<1x64x256xf32, #tpu.memory_space<vmem>>, vector<1x1x16xf32>,
      %get3A_783 = vector.shape_cast %get3A_782 : vector<1x1x16xf32> to vector<16xf32>
      %sub3A_784 = arith.subf %get3A_783, %get3A_59 : vector<16xf32>
      %mul3A_785 = arith.mulf %sub3A_784, %sub3A_784 : vector<16xf32>
      %add3A_786 = arith.addf %add3A_778, %mul3A_785 : vector<16xf32>
      %get3A_787 = arith.index_cast %shift_right_arithmetic3A_143 : i32 to index
      %get3A_788 = arith.index_cast %add3A_731 : i32 to index
      %get3A_789 = arith.constant 112 : index
      %get3A_790 = tpu.vector_load %arg6[%get3A_787, %get3A_788, %get3A_789] {strides = array<i32>} : memref<1x64x256xf32, #tpu.memory_space<vmem>>, vector<1x1x16xf32>,
      %get3A_791 = vector.shape_cast %get3A_790 : vector<1x1x16xf32> to vector<16xf32>
      %sub3A_792 = arith.subf %get3A_791, %get3A_62 : vector<16xf32>
      %mul3A_793 = arith.mulf %sub3A_792, %sub3A_792 : vector<16xf32>
      %add3A_794 = arith.addf %add3A_786, %mul3A_793 : vector<16xf32>
      %get3A_795 = arith.index_cast %shift_right_arithmetic3A_143 : i32 to index
      %get3A_796 = arith.index_cast %add3A_731 : i32 to index
      %get3A_797 = arith.constant 128 : index
      %get3A_798 = tpu.vector_load %arg6[%get3A_795, %get3A_796, %get3A_797] {strides = array<i32>} : memref<1x64x256xf32, #tpu.memory_space<vmem>>, vector<1x1x16xf32>,
      %get3A_799 = vector.shape_cast %get3A_798 : vector<1x1x16xf32> to vector<16xf32>
      %sub3A_800 = arith.subf %get3A_799, %get3A_65 : vector<16xf32>
      %mul3A_801 = arith.mulf %sub3A_800, %sub3A_800 : vector<16xf32>
      %add3A_802 = arith.addf %add3A_794, %mul3A_801 : vector<16xf32>
      %get3A_803 = arith.index_cast %shift_right_arithmetic3A_143 : i32 to index
      %get3A_804 = arith.index_cast %add3A_731 : i32 to index
      %get3A_805 = arith.constant 144 : index
      %get3A_806 = tpu.vector_load %arg6[%get3A_803, %get3A_804, %get3A_805] {strides = array<i32>} : memref<1x64x256xf32, #tpu.memory_space<vmem>>, vector<1x1x16xf32>,
      %get3A_807 = vector.shape_cast %get3A_806 : vector<1x1x16xf32> to vector<16xf32>
      %sub3A_808 = arith.subf %get3A_807, %get3A_68 : vector<16xf32>
      %mul3A_809 = arith.mulf %sub3A_808, %sub3A_808 : vector<16xf32>
      %add3A_810 = arith.addf %add3A_802, %mul3A_809 : vector<16xf32>
      %get3A_811 = arith.index_cast %shift_right_arithmetic3A_143 : i32 to index
      %get3A_812 = arith.index_cast %add3A_731 : i32 to index
      %get3A_813 = arith.constant 160 : index
      %get3A_814 = tpu.vector_load %arg6[%get3A_811, %get3A_812, %get3A_813] {strides = array<i32>} : memref<1x64x256xf32, #tpu.memory_space<vmem>>, vector<1x1x16xf32>,
      %get3A_815 = vector.shape_cast %get3A_814 : vector<1x1x16xf32> to vector<16xf32>
      %sub3A_816 = arith.subf %get3A_815, %get3A_71 : vector<16xf32>
      %mul3A_817 = arith.mulf %sub3A_816, %sub3A_816 : vector<16xf32>
      %add3A_818 = arith.addf %add3A_810, %mul3A_817 : vector<16xf32>
      %get3A_819 = arith.index_cast %shift_right_arithmetic3A_143 : i32 to index
      %get3A_820 = arith.index_cast %add3A_731 : i32 to index
      %get3A_821 = arith.constant 176 : index
      %get3A_822 = tpu.vector_load %arg6[%get3A_819, %get3A_820, %get3A_821] {strides = array<i32>} : memref<1x64x256xf32, #tpu.memory_space<vmem>>, vector<1x1x16xf32>,
      %get3A_823 = vector.shape_cast %get3A_822 : vector<1x1x16xf32> to vector<16xf32>
      %sub3A_824 = arith.subf %get3A_823, %get3A_74 : vector<16xf32>
      %mul3A_825 = arith.mulf %sub3A_824, %sub3A_824 : vector<16xf32>
      %add3A_826 = arith.addf %add3A_818, %mul3A_825 : vector<16xf32>
      %get3A_827 = arith.index_cast %shift_right_arithmetic3A_143 : i32 to index
      %get3A_828 = arith.index_cast %add3A_731 : i32 to index
      %get3A_829 = arith.constant 192 : index
      %get3A_830 = tpu.vector_load %arg6[%get3A_827, %get3A_828, %get3A_829] {strides = array<i32>} : memref<1x64x256xf32, #tpu.memory_space<vmem>>, vector<1x1x16xf32>,
      %get3A_831 = vector.shape_cast %get3A_830 : vector<1x1x16xf32> to vector<16xf32>
      %sub3A_832 = arith.subf %get3A_831, %get3A_77 : vector<16xf32>
      %mul3A_833 = arith.mulf %sub3A_832, %sub3A_832 : vector<16xf32>
      %add3A_834 = arith.addf %add3A_826, %mul3A_833 : vector<16xf32>
      %get3A_835 = arith.index_cast %shift_right_arithmetic3A_143 : i32 to index
      %get3A_836 = arith.index_cast %add3A_731 : i32 to index
      %get3A_837 = arith.constant 208 : index
      %get3A_838 = tpu.vector_load %arg6[%get3A_835, %get3A_836, %get3A_837] {strides = array<i32>} : memref<1x64x256xf32, #tpu.memory_space<vmem>>, vector<1x1x16xf32>,
      %get3A_839 = vector.shape_cast %get3A_838 : vector<1x1x16xf32> to vector<16xf32>
      %sub3A_840 = arith.subf %get3A_839, %get3A_80 : vector<16xf32>
      %mul3A_841 = arith.mulf %sub3A_840, %sub3A_840 : vector<16xf32>
      %add3A_842 = arith.addf %add3A_834, %mul3A_841 : vector<16xf32>
      %get3A_843 = arith.index_cast %shift_right_arithmetic3A_143 : i32 to index
      %get3A_844 = arith.index_cast %add3A_731 : i32 to index
      %get3A_845 = arith.constant 224 : index
      %get3A_846 = tpu.vector_load %arg6[%get3A_843, %get3A_844, %get3A_845] {strides = array<i32>} : memref<1x64x256xf32, #tpu.memory_space<vmem>>, vector<1x1x16xf32>,
      %get3A_847 = vector.shape_cast %get3A_846 : vector<1x1x16xf32> to vector<16xf32>
      %sub3A_848 = arith.subf %get3A_847, %get3A_83 : vector<16xf32>
      %mul3A_849 = arith.mulf %sub3A_848, %sub3A_848 : vector<16xf32>
      %add3A_850 = arith.addf %add3A_842, %mul3A_849 : vector<16xf32>
      %get3A_851 = arith.index_cast %shift_right_arithmetic3A_143 : i32 to index
      %get3A_852 = arith.index_cast %add3A_731 : i32 to index
      %get3A_853 = arith.constant 240 : index
      %get3A_854 = tpu.vector_load %arg6[%get3A_851, %get3A_852, %get3A_853] {strides = array<i32>} : memref<1x64x256xf32, #tpu.memory_space<vmem>>, vector<1x1x16xf32>,
      %get3A_855 = vector.shape_cast %get3A_854 : vector<1x1x16xf32> to vector<16xf32>
      %sub3A_856 = arith.subf %get3A_855, %get3A_86 : vector<16xf32>
      %mul3A_857 = arith.mulf %sub3A_856, %sub3A_856 : vector<16xf32>
      %add3A_858 = arith.addf %add3A_850, %mul3A_857 : vector<16xf32>
      %add3A_859 = arith.constant 10 : i32
      %add3A_860 = arith.addi %shift_left3A_146, %add3A_859 : i32
      %get3A_861 = arith.index_cast %shift_right_arithmetic3A_143 : i32 to index
      %get3A_862 = arith.index_cast %add3A_860 : i32 to index
      %get3A_863 = arith.constant 0 : index
      %get3A_864 = tpu.vector_load %arg6[%get3A_861, %get3A_862, %get3A_863] {strides = array<i32>} : memref<1x64x256xf32, #tpu.memory_space<vmem>>, vector<1x1x16xf32>,
      %get3A_865 = vector.shape_cast %get3A_864 : vector<1x1x16xf32> to vector<16xf32>
      %sub3A_866 = arith.subf %get3A_865, %get3A_41 : vector<16xf32>
      %mul3A_867 = arith.mulf %sub3A_866, %sub3A_866 : vector<16xf32>
      %get3A_868 = arith.index_cast %shift_right_arithmetic3A_143 : i32 to index
      %get3A_869 = arith.index_cast %add3A_860 : i32 to index
      %get3A_870 = arith.constant 16 : index
      %get3A_871 = tpu.vector_load %arg6[%get3A_868, %get3A_869, %get3A_870] {strides = array<i32>} : memref<1x64x256xf32, #tpu.memory_space<vmem>>, vector<1x1x16xf32>,
      %get3A_872 = vector.shape_cast %get3A_871 : vector<1x1x16xf32> to vector<16xf32>
      %sub3A_873 = arith.subf %get3A_872, %get3A_44 : vector<16xf32>
      %mul3A_874 = arith.mulf %sub3A_873, %sub3A_873 : vector<16xf32>
      %add3A_875 = arith.addf %mul3A_867, %mul3A_874 : vector<16xf32>
      %get3A_876 = arith.index_cast %shift_right_arithmetic3A_143 : i32 to index
      %get3A_877 = arith.index_cast %add3A_860 : i32 to index
      %get3A_878 = arith.constant 32 : index
      %get3A_879 = tpu.vector_load %arg6[%get3A_876, %get3A_877, %get3A_878] {strides = array<i32>} : memref<1x64x256xf32, #tpu.memory_space<vmem>>, vector<1x1x16xf32>,
      %get3A_880 = vector.shape_cast %get3A_879 : vector<1x1x16xf32> to vector<16xf32>
      %sub3A_881 = arith.subf %get3A_880, %get3A_47 : vector<16xf32>
      %mul3A_882 = arith.mulf %sub3A_881, %sub3A_881 : vector<16xf32>
      %add3A_883 = arith.addf %add3A_875, %mul3A_882 : vector<16xf32>
      %get3A_884 = arith.index_cast %shift_right_arithmetic3A_143 : i32 to index
      %get3A_885 = arith.index_cast %add3A_860 : i32 to index
      %get3A_886 = arith.constant 48 : index
      %get3A_887 = tpu.vector_load %arg6[%get3A_884, %get3A_885, %get3A_886] {strides = array<i32>} : memref<1x64x256xf32, #tpu.memory_space<vmem>>, vector<1x1x16xf32>,
      %get3A_888 = vector.shape_cast %get3A_887 : vector<1x1x16xf32> to vector<16xf32>
      %sub3A_889 = arith.subf %get3A_888, %get3A_50 : vector<16xf32>
      %mul3A_890 = arith.mulf %sub3A_889, %sub3A_889 : vector<16xf32>
      %add3A_891 = arith.addf %add3A_883, %mul3A_890 : vector<16xf32>
      %get3A_892 = arith.index_cast %shift_right_arithmetic3A_143 : i32 to index
      %get3A_893 = arith.index_cast %add3A_860 : i32 to index
      %get3A_894 = arith.constant 64 : index
      %get3A_895 = tpu.vector_load %arg6[%get3A_892, %get3A_893, %get3A_894] {strides = array<i32>} : memref<1x64x256xf32, #tpu.memory_space<vmem>>, vector<1x1x16xf32>,
      %get3A_896 = vector.shape_cast %get3A_895 : vector<1x1x16xf32> to vector<16xf32>
      %sub3A_897 = arith.subf %get3A_896, %get3A_53 : vector<16xf32>
      %mul3A_898 = arith.mulf %sub3A_897, %sub3A_897 : vector<16xf32>
      %add3A_899 = arith.addf %add3A_891, %mul3A_898 : vector<16xf32>
      %get3A_900 = arith.index_cast %shift_right_arithmetic3A_143 : i32 to index
      %get3A_901 = arith.index_cast %add3A_860 : i32 to index
      %get3A_902 = arith.constant 80 : index
      %get3A_903 = tpu.vector_load %arg6[%get3A_900, %get3A_901, %get3A_902] {strides = array<i32>} : memref<1x64x256xf32, #tpu.memory_space<vmem>>, vector<1x1x16xf32>,
      %get3A_904 = vector.shape_cast %get3A_903 : vector<1x1x16xf32> to vector<16xf32>
      %sub3A_905 = arith.subf %get3A_904, %get3A_56 : vector<16xf32>
      %mul3A_906 = arith.mulf %sub3A_905, %sub3A_905 : vector<16xf32>
      %add3A_907 = arith.addf %add3A_899, %mul3A_906 : vector<16xf32>
      %get3A_908 = arith.index_cast %shift_right_arithmetic3A_143 : i32 to index
      %get3A_909 = arith.index_cast %add3A_860 : i32 to index
      %get3A_910 = arith.constant 96 : index
      %get3A_911 = tpu.vector_load %arg6[%get3A_908, %get3A_909, %get3A_910] {strides = array<i32>} : memref<1x64x256xf32, #tpu.memory_space<vmem>>, vector<1x1x16xf32>,
      %get3A_912 = vector.shape_cast %get3A_911 : vector<1x1x16xf32> to vector<16xf32>
      %sub3A_913 = arith.subf %get3A_912, %get3A_59 : vector<16xf32>
      %mul3A_914 = arith.mulf %sub3A_913, %sub3A_913 : vector<16xf32>
      %add3A_915 = arith.addf %add3A_907, %mul3A_914 : vector<16xf32>
      %get3A_916 = arith.index_cast %shift_right_arithmetic3A_143 : i32 to index
      %get3A_917 = arith.index_cast %add3A_860 : i32 to index
      %get3A_918 = arith.constant 112 : index
      %get3A_919 = tpu.vector_load %arg6[%get3A_916, %get3A_917, %get3A_918] {strides = array<i32>} : memref<1x64x256xf32, #tpu.memory_space<vmem>>, vector<1x1x16xf32>,
      %get3A_920 = vector.shape_cast %get3A_919 : vector<1x1x16xf32> to vector<16xf32>
      %sub3A_921 = arith.subf %get3A_920, %get3A_62 : vector<16xf32>
      %mul3A_922 = arith.mulf %sub3A_921, %sub3A_921 : vector<16xf32>
      %add3A_923 = arith.addf %add3A_915, %mul3A_922 : vector<16xf32>
      %get3A_924 = arith.index_cast %shift_right_arithmetic3A_143 : i32 to index
      %get3A_925 = arith.index_cast %add3A_860 : i32 to index
      %get3A_926 = arith.constant 128 : index
      %get3A_927 = tpu.vector_load %arg6[%get3A_924, %get3A_925, %get3A_926] {strides = array<i32>} : memref<1x64x256xf32, #tpu.memory_space<vmem>>, vector<1x1x16xf32>,
      %get3A_928 = vector.shape_cast %get3A_927 : vector<1x1x16xf32> to vector<16xf32>
      %sub3A_929 = arith.subf %get3A_928, %get3A_65 : vector<16xf32>
      %mul3A_930 = arith.mulf %sub3A_929, %sub3A_929 : vector<16xf32>
      %add3A_931 = arith.addf %add3A_923, %mul3A_930 : vector<16xf32>
      %get3A_932 = arith.index_cast %shift_right_arithmetic3A_143 : i32 to index
      %get3A_933 = arith.index_cast %add3A_860 : i32 to index
      %get3A_934 = arith.constant 144 : index
      %get3A_935 = tpu.vector_load %arg6[%get3A_932, %get3A_933, %get3A_934] {strides = array<i32>} : memref<1x64x256xf32, #tpu.memory_space<vmem>>, vector<1x1x16xf32>,
      %get3A_936 = vector.shape_cast %get3A_935 : vector<1x1x16xf32> to vector<16xf32>
      %sub3A_937 = arith.subf %get3A_936, %get3A_68 : vector<16xf32>
      %mul3A_938 = arith.mulf %sub3A_937, %sub3A_937 : vector<16xf32>
      %add3A_939 = arith.addf %add3A_931, %mul3A_938 : vector<16xf32>
      %get3A_940 = arith.index_cast %shift_right_arithmetic3A_143 : i32 to index
      %get3A_941 = arith.index_cast %add3A_860 : i32 to index
      %get3A_942 = arith.constant 160 : index
      %get3A_943 = tpu.vector_load %arg6[%get3A_940, %get3A_941, %get3A_942] {strides = array<i32>} : memref<1x64x256xf32, #tpu.memory_space<vmem>>, vector<1x1x16xf32>,
      %get3A_944 = vector.shape_cast %get3A_943 : vector<1x1x16xf32> to vector<16xf32>
      %sub3A_945 = arith.subf %get3A_944, %get3A_71 : vector<16xf32>
      %mul3A_946 = arith.mulf %sub3A_945, %sub3A_945 : vector<16xf32>
      %add3A_947 = arith.addf %add3A_939, %mul3A_946 : vector<16xf32>
      %get3A_948 = arith.index_cast %shift_right_arithmetic3A_143 : i32 to index
      %get3A_949 = arith.index_cast %add3A_860 : i32 to index
      %get3A_950 = arith.constant 176 : index
      %get3A_951 = tpu.vector_load %arg6[%get3A_948, %get3A_949, %get3A_950] {strides = array<i32>} : memref<1x64x256xf32, #tpu.memory_space<vmem>>, vector<1x1x16xf32>,
      %get3A_952 = vector.shape_cast %get3A_951 : vector<1x1x16xf32> to vector<16xf32>
      %sub3A_953 = arith.subf %get3A_952, %get3A_74 : vector<16xf32>
      %mul3A_954 = arith.mulf %sub3A_953, %sub3A_953 : vector<16xf32>
      %add3A_955 = arith.addf %add3A_947, %mul3A_954 : vector<16xf32>
      %get3A_956 = arith.index_cast %shift_right_arithmetic3A_143 : i32 to index
      %get3A_957 = arith.index_cast %add3A_860 : i32 to index
      %get3A_958 = arith.constant 192 : index
      %get3A_959 = tpu.vector_load %arg6[%get3A_956, %get3A_957, %get3A_958] {strides = array<i32>} : memref<1x64x256xf32, #tpu.memory_space<vmem>>, vector<1x1x16xf32>,
      %get3A_960 = vector.shape_cast %get3A_959 : vector<1x1x16xf32> to vector<16xf32>
      %sub3A_961 = arith.subf %get3A_960, %get3A_77 : vector<16xf32>
      %mul3A_962 = arith.mulf %sub3A_961, %sub3A_961 : vector<16xf32>
      %add3A_963 = arith.addf %add3A_955, %mul3A_962 : vector<16xf32>
      %get3A_964 = arith.index_cast %shift_right_arithmetic3A_143 : i32 to index
      %get3A_965 = arith.index_cast %add3A_860 : i32 to index
      %get3A_966 = arith.constant 208 : index
      %get3A_967 = tpu.vector_load %arg6[%get3A_964, %get3A_965, %get3A_966] {strides = array<i32>} : memref<1x64x256xf32, #tpu.memory_space<vmem>>, vector<1x1x16xf32>,
      %get3A_968 = vector.shape_cast %get3A_967 : vector<1x1x16xf32> to vector<16xf32>
      %sub3A_969 = arith.subf %get3A_968, %get3A_80 : vector<16xf32>
      %mul3A_970 = arith.mulf %sub3A_969, %sub3A_969 : vector<16xf32>
      %add3A_971 = arith.addf %add3A_963, %mul3A_970 : vector<16xf32>
      %get3A_972 = arith.index_cast %shift_right_arithmetic3A_143 : i32 to index
      %get3A_973 = arith.index_cast %add3A_860 : i32 to index
      %get3A_974 = arith.constant 224 : index
      %get3A_975 = tpu.vector_load %arg6[%get3A_972, %get3A_973, %get3A_974] {strides = array<i32>} : memref<1x64x256xf32, #tpu.memory_space<vmem>>, vector<1x1x16xf32>,
      %get3A_976 = vector.shape_cast %get3A_975 : vector<1x1x16xf32> to vector<16xf32>
      %sub3A_977 = arith.subf %get3A_976, %get3A_83 : vector<16xf32>
      %mul3A_978 = arith.mulf %sub3A_977, %sub3A_977 : vector<16xf32>
      %add3A_979 = arith.addf %add3A_971, %mul3A_978 : vector<16xf32>
      %get3A_980 = arith.index_cast %shift_right_arithmetic3A_143 : i32 to index
      %get3A_981 = arith.index_cast %add3A_860 : i32 to index
      %get3A_982 = arith.constant 240 : index
      %get3A_983 = tpu.vector_load %arg6[%get3A_980, %get3A_981, %get3A_982] {strides = array<i32>} : memref<1x64x256xf32, #tpu.memory_space<vmem>>, vector<1x1x16xf32>,
      %get3A_984 = vector.shape_cast %get3A_983 : vector<1x1x16xf32> to vector<16xf32>
      %sub3A_985 = arith.subf %get3A_984, %get3A_86 : vector<16xf32>
      %mul3A_986 = arith.mulf %sub3A_985, %sub3A_985 : vector<16xf32>
      %add3A_987 = arith.addf %add3A_979, %mul3A_986 : vector<16xf32>
      %lt3A_988 = arith.constant 0 : i32
      %lt3A_989 = vector.broadcast %lt3A_988 : i32 to vector<16xi32>
      %lt3A_990 = arith.cmpi slt, %xor3A_110, %lt3A_989 : vector<16xi32>
      %add3A_991 = arith.constant 16 : i32
      %add3A_992 = vector.broadcast %add3A_991 : i32 to vector<16xi32>
      %add3A_993 = arith.addi %xor3A_110, %add3A_992 : vector<16xi32>
      %select_n3A_994 = arith.select %lt3A_990, %add3A_993, %xor3A_110 : vector<16xi1>, vector<16xi32>
      %broadcast_in_dim3A_995 = vector.shape_cast %select_n3A_994 : vector<16xi32> to vector<16x1xi32>
      %gather3A_996 = vector.shape_cast %broadcast_in_dim3A_995 : vector<16x1xi32> to vector<16xi32>
      %gather3A_997 = tpu.dynamic_gather %add3A_987[%gather3A_996] in [0] : vector<16xf32>, vector<16xi32> -> vector<16xf32>
      %select_n3A_998 = arith.select %eq3A_90, %add3A_858, %gather3A_997 : vector<16xi1>, vector<16xf32>
      %lt3A_999 = arith.constant 0 : i32
      %lt3A_1000 = vector.broadcast %lt3A_999 : i32 to vector<16xi32>
      %lt3A_1001 = arith.cmpi slt, %xor3A_110, %lt3A_1000 : vector<16xi32>
      %add3A_1002 = arith.constant 16 : i32
      %add3A_1003 = vector.broadcast %add3A_1002 : i32 to vector<16xi32>
      %add3A_1004 = arith.addi %xor3A_110, %add3A_1003 : vector<16xi32>
      %select_n3A_1005 = arith.select %lt3A_1001, %add3A_1004, %xor3A_110 : vector<16xi1>, vector<16xi32>
      %broadcast_in_dim3A_1006 = vector.shape_cast %select_n3A_1005 : vector<16xi32> to vector<16x1xi32>
      %gather3A_1007 = vector.shape_cast %broadcast_in_dim3A_1006 : vector<16x1xi32> to vector<16xi32>
      %gather3A_1008 = tpu.dynamic_gather %add3A_858[%gather3A_1007] in [0] : vector<16xf32>, vector<16xi32> -> vector<16xf32>
      %select_n3A_1009 = arith.select %eq3A_90, %gather3A_1008, %add3A_987 : vector<16xi1>, vector<16xf32>
      %add3A_1010 = arith.addf %select_n3A_998, %select_n3A_1009 : vector<16xf32>
      %add3A_1011 = arith.constant 6 : i32
      %add3A_1012 = arith.addi %shift_left3A_146, %add3A_1011 : i32
      %get3A_1013 = arith.index_cast %shift_right_arithmetic3A_143 : i32 to index
      %get3A_1014 = arith.index_cast %add3A_1012 : i32 to index
      %get3A_1015 = arith.constant 0 : index
      %get3A_1016 = tpu.vector_load %arg6[%get3A_1013, %get3A_1014, %get3A_1015] {strides = array<i32>} : memref<1x64x256xf32, #tpu.memory_space<vmem>>, vector<1x1x16xf32>,
      %get3A_1017 = vector.shape_cast %get3A_1016 : vector<1x1x16xf32> to vector<16xf32>
      %sub3A_1018 = arith.subf %get3A_1017, %get3A_41 : vector<16xf32>
      %mul3A_1019 = arith.mulf %sub3A_1018, %sub3A_1018 : vector<16xf32>
      %get3A_1020 = arith.index_cast %shift_right_arithmetic3A_143 : i32 to index
      %get3A_1021 = arith.index_cast %add3A_1012 : i32 to index
      %get3A_1022 = arith.constant 16 : index
      %get3A_1023 = tpu.vector_load %arg6[%get3A_1020, %get3A_1021, %get3A_1022] {strides = array<i32>} : memref<1x64x256xf32, #tpu.memory_space<vmem>>, vector<1x1x16xf32>,
      %get3A_1024 = vector.shape_cast %get3A_1023 : vector<1x1x16xf32> to vector<16xf32>
      %sub3A_1025 = arith.subf %get3A_1024, %get3A_44 : vector<16xf32>
      %mul3A_1026 = arith.mulf %sub3A_1025, %sub3A_1025 : vector<16xf32>
      %add3A_1027 = arith.addf %mul3A_1019, %mul3A_1026 : vector<16xf32>
      %get3A_1028 = arith.index_cast %shift_right_arithmetic3A_143 : i32 to index
      %get3A_1029 = arith.index_cast %add3A_1012 : i32 to index
      %get3A_1030 = arith.constant 32 : index
      %get3A_1031 = tpu.vector_load %arg6[%get3A_1028, %get3A_1029, %get3A_1030] {strides = array<i32>} : memref<1x64x256xf32, #tpu.memory_space<vmem>>, vector<1x1x16xf32>,
      %get3A_1032 = vector.shape_cast %get3A_1031 : vector<1x1x16xf32> to vector<16xf32>
      %sub3A_1033 = arith.subf %get3A_1032, %get3A_47 : vector<16xf32>
      %mul3A_1034 = arith.mulf %sub3A_1033, %sub3A_1033 : vector<16xf32>
      %add3A_1035 = arith.addf %add3A_1027, %mul3A_1034 : vector<16xf32>
      %get3A_1036 = arith.index_cast %shift_right_arithmetic3A_143 : i32 to index
      %get3A_1037 = arith.index_cast %add3A_1012 : i32 to index
      %get3A_1038 = arith.constant 48 : index
      %get3A_1039 = tpu.vector_load %arg6[%get3A_1036, %get3A_1037, %get3A_1038] {strides = array<i32>} : memref<1x64x256xf32, #tpu.memory_space<vmem>>, vector<1x1x16xf32>,
      %get3A_1040 = vector.shape_cast %get3A_1039 : vector<1x1x16xf32> to vector<16xf32>
      %sub3A_1041 = arith.subf %get3A_1040, %get3A_50 : vector<16xf32>
      %mul3A_1042 = arith.mulf %sub3A_1041, %sub3A_1041 : vector<16xf32>
      %add3A_1043 = arith.addf %add3A_1035, %mul3A_1042 : vector<16xf32>
      %get3A_1044 = arith.index_cast %shift_right_arithmetic3A_143 : i32 to index
      %get3A_1045 = arith.index_cast %add3A_1012 : i32 to index
      %get3A_1046 = arith.constant 64 : index
      %get3A_1047 = tpu.vector_load %arg6[%get3A_1044, %get3A_1045, %get3A_1046] {strides = array<i32>} : memref<1x64x256xf32, #tpu.memory_space<vmem>>, vector<1x1x16xf32>,
      %get3A_1048 = vector.shape_cast %get3A_1047 : vector<1x1x16xf32> to vector<16xf32>
      %sub3A_1049 = arith.subf %get3A_1048, %get3A_53 : vector<16xf32>
      %mul3A_1050 = arith.mulf %sub3A_1049, %sub3A_1049 : vector<16xf32>
      %add3A_1051 = arith.addf %add3A_1043, %mul3A_1050 : vector<16xf32>
      %get3A_1052 = arith.index_cast %shift_right_arithmetic3A_143 : i32 to index
      %get3A_1053 = arith.index_cast %add3A_1012 : i32 to index
      %get3A_1054 = arith.constant 80 : index
      %get3A_1055 = tpu.vector_load %arg6[%get3A_1052, %get3A_1053, %get3A_1054] {strides = array<i32>} : memref<1x64x256xf32, #tpu.memory_space<vmem>>, vector<1x1x16xf32>,
      %get3A_1056 = vector.shape_cast %get3A_1055 : vector<1x1x16xf32> to vector<16xf32>
      %sub3A_1057 = arith.subf %get3A_1056, %get3A_56 : vector<16xf32>
      %mul3A_1058 = arith.mulf %sub3A_1057, %sub3A_1057 : vector<16xf32>
      %add3A_1059 = arith.addf %add3A_1051, %mul3A_1058 : vector<16xf32>
      %get3A_1060 = arith.index_cast %shift_right_arithmetic3A_143 : i32 to index
      %get3A_1061 = arith.index_cast %add3A_1012 : i32 to index
      %get3A_1062 = arith.constant 96 : index
      %get3A_1063 = tpu.vector_load %arg6[%get3A_1060, %get3A_1061, %get3A_1062] {strides = array<i32>} : memref<1x64x256xf32, #tpu.memory_space<vmem>>, vector<1x1x16xf32>,
      %get3A_1064 = vector.shape_cast %get3A_1063 : vector<1x1x16xf32> to vector<16xf32>
      %sub3A_1065 = arith.subf %get3A_1064, %get3A_59 : vector<16xf32>
      %mul3A_1066 = arith.mulf %sub3A_1065, %sub3A_1065 : vector<16xf32>
      %add3A_1067 = arith.addf %add3A_1059, %mul3A_1066 : vector<16xf32>
      %get3A_1068 = arith.index_cast %shift_right_arithmetic3A_143 : i32 to index
      %get3A_1069 = arith.index_cast %add3A_1012 : i32 to index
      %get3A_1070 = arith.constant 112 : index
      %get3A_1071 = tpu.vector_load %arg6[%get3A_1068, %get3A_1069, %get3A_1070] {strides = array<i32>} : memref<1x64x256xf32, #tpu.memory_space<vmem>>, vector<1x1x16xf32>,
      %get3A_1072 = vector.shape_cast %get3A_1071 : vector<1x1x16xf32> to vector<16xf32>
      %sub3A_1073 = arith.subf %get3A_1072, %get3A_62 : vector<16xf32>
      %mul3A_1074 = arith.mulf %sub3A_1073, %sub3A_1073 : vector<16xf32>
      %add3A_1075 = arith.addf %add3A_1067, %mul3A_1074 : vector<16xf32>
      %get3A_1076 = arith.index_cast %shift_right_arithmetic3A_143 : i32 to index
      %get3A_1077 = arith.index_cast %add3A_1012 : i32 to index
      %get3A_1078 = arith.constant 128 : index
      %get3A_1079 = tpu.vector_load %arg6[%get3A_1076, %get3A_1077, %get3A_1078] {strides = array<i32>} : memref<1x64x256xf32, #tpu.memory_space<vmem>>, vector<1x1x16xf32>,
      %get3A_1080 = vector.shape_cast %get3A_1079 : vector<1x1x16xf32> to vector<16xf32>
      %sub3A_1081 = arith.subf %get3A_1080, %get3A_65 : vector<16xf32>
      %mul3A_1082 = arith.mulf %sub3A_1081, %sub3A_1081 : vector<16xf32>
      %add3A_1083 = arith.addf %add3A_1075, %mul3A_1082 : vector<16xf32>
      %get3A_1084 = arith.index_cast %shift_right_arithmetic3A_143 : i32 to index
      %get3A_1085 = arith.index_cast %add3A_1012 : i32 to index
      %get3A_1086 = arith.constant 144 : index
      %get3A_1087 = tpu.vector_load %arg6[%get3A_1084, %get3A_1085, %get3A_1086] {strides = array<i32>} : memref<1x64x256xf32, #tpu.memory_space<vmem>>, vector<1x1x16xf32>,
      %get3A_1088 = vector.shape_cast %get3A_1087 : vector<1x1x16xf32> to vector<16xf32>
      %sub3A_1089 = arith.subf %get3A_1088, %get3A_68 : vector<16xf32>
      %mul3A_1090 = arith.mulf %sub3A_1089, %sub3A_1089 : vector<16xf32>
      %add3A_1091 = arith.addf %add3A_1083, %mul3A_1090 : vector<16xf32>
      %get3A_1092 = arith.index_cast %shift_right_arithmetic3A_143 : i32 to index
      %get3A_1093 = arith.index_cast %add3A_1012 : i32 to index
      %get3A_1094 = arith.constant 160 : index
      %get3A_1095 = tpu.vector_load %arg6[%get3A_1092, %get3A_1093, %get3A_1094] {strides = array<i32>} : memref<1x64x256xf32, #tpu.memory_space<vmem>>, vector<1x1x16xf32>,
      %get3A_1096 = vector.shape_cast %get3A_1095 : vector<1x1x16xf32> to vector<16xf32>
      %sub3A_1097 = arith.subf %get3A_1096, %get3A_71 : vector<16xf32>
      %mul3A_1098 = arith.mulf %sub3A_1097, %sub3A_1097 : vector<16xf32>
      %add3A_1099 = arith.addf %add3A_1091, %mul3A_1098 : vector<16xf32>
      %get3A_1100 = arith.index_cast %shift_right_arithmetic3A_143 : i32 to index
      %get3A_1101 = arith.index_cast %add3A_1012 : i32 to index
      %get3A_1102 = arith.constant 176 : index
      %get3A_1103 = tpu.vector_load %arg6[%get3A_1100, %get3A_1101, %get3A_1102] {strides = array<i32>} : memref<1x64x256xf32, #tpu.memory_space<vmem>>, vector<1x1x16xf32>,
      %get3A_1104 = vector.shape_cast %get3A_1103 : vector<1x1x16xf32> to vector<16xf32>
      %sub3A_1105 = arith.subf %get3A_1104, %get3A_74 : vector<16xf32>
      %mul3A_1106 = arith.mulf %sub3A_1105, %sub3A_1105 : vector<16xf32>
      %add3A_1107 = arith.addf %add3A_1099, %mul3A_1106 : vector<16xf32>
      %get3A_1108 = arith.index_cast %shift_right_arithmetic3A_143 : i32 to index
      %get3A_1109 = arith.index_cast %add3A_1012 : i32 to index
      %get3A_1110 = arith.constant 192 : index
      %get3A_1111 = tpu.vector_load %arg6[%get3A_1108, %get3A_1109, %get3A_1110] {strides = array<i32>} : memref<1x64x256xf32, #tpu.memory_space<vmem>>, vector<1x1x16xf32>,
      %get3A_1112 = vector.shape_cast %get3A_1111 : vector<1x1x16xf32> to vector<16xf32>
      %sub3A_1113 = arith.subf %get3A_1112, %get3A_77 : vector<16xf32>
      %mul3A_1114 = arith.mulf %sub3A_1113, %sub3A_1113 : vector<16xf32>
      %add3A_1115 = arith.addf %add3A_1107, %mul3A_1114 : vector<16xf32>
      %get3A_1116 = arith.index_cast %shift_right_arithmetic3A_143 : i32 to index
      %get3A_1117 = arith.index_cast %add3A_1012 : i32 to index
      %get3A_1118 = arith.constant 208 : index
      %get3A_1119 = tpu.vector_load %arg6[%get3A_1116, %get3A_1117, %get3A_1118] {strides = array<i32>} : memref<1x64x256xf32, #tpu.memory_space<vmem>>, vector<1x1x16xf32>,
      %get3A_1120 = vector.shape_cast %get3A_1119 : vector<1x1x16xf32> to vector<16xf32>
      %sub3A_1121 = arith.subf %get3A_1120, %get3A_80 : vector<16xf32>
      %mul3A_1122 = arith.mulf %sub3A_1121, %sub3A_1121 : vector<16xf32>
      %add3A_1123 = arith.addf %add3A_1115, %mul3A_1122 : vector<16xf32>
      %get3A_1124 = arith.index_cast %shift_right_arithmetic3A_143 : i32 to index
      %get3A_1125 = arith.index_cast %add3A_1012 : i32 to index
      %get3A_1126 = arith.constant 224 : index
      %get3A_1127 = tpu.vector_load %arg6[%get3A_1124, %get3A_1125, %get3A_1126] {strides = array<i32>} : memref<1x64x256xf32, #tpu.memory_space<vmem>>, vector<1x1x16xf32>,
      %get3A_1128 = vector.shape_cast %get3A_1127 : vector<1x1x16xf32> to vector<16xf32>
      %sub3A_1129 = arith.subf %get3A_1128, %get3A_83 : vector<16xf32>
      %mul3A_1130 = arith.mulf %sub3A_1129, %sub3A_1129 : vector<16xf32>
      %add3A_1131 = arith.addf %add3A_1123, %mul3A_1130 : vector<16xf32>
      %get3A_1132 = arith.index_cast %shift_right_arithmetic3A_143 : i32 to index
      %get3A_1133 = arith.index_cast %add3A_1012 : i32 to index
      %get3A_1134 = arith.constant 240 : index
      %get3A_1135 = tpu.vector_load %arg6[%get3A_1132, %get3A_1133, %get3A_1134] {strides = array<i32>} : memref<1x64x256xf32, #tpu.memory_space<vmem>>, vector<1x1x16xf32>,
      %get3A_1136 = vector.shape_cast %get3A_1135 : vector<1x1x16xf32> to vector<16xf32>
      %sub3A_1137 = arith.subf %get3A_1136, %get3A_86 : vector<16xf32>
      %mul3A_1138 = arith.mulf %sub3A_1137, %sub3A_1137 : vector<16xf32>
      %add3A_1139 = arith.addf %add3A_1131, %mul3A_1138 : vector<16xf32>
      %add3A_1140 = arith.constant 14 : i32
      %add3A_1141 = arith.addi %shift_left3A_146, %add3A_1140 : i32
      %get3A_1142 = arith.index_cast %shift_right_arithmetic3A_143 : i32 to index
      %get3A_1143 = arith.index_cast %add3A_1141 : i32 to index
      %get3A_1144 = arith.constant 0 : index
      %get3A_1145 = tpu.vector_load %arg6[%get3A_1142, %get3A_1143, %get3A_1144] {strides = array<i32>} : memref<1x64x256xf32, #tpu.memory_space<vmem>>, vector<1x1x16xf32>,
      %get3A_1146 = vector.shape_cast %get3A_1145 : vector<1x1x16xf32> to vector<16xf32>
      %sub3A_1147 = arith.subf %get3A_1146, %get3A_41 : vector<16xf32>
      %mul3A_1148 = arith.mulf %sub3A_1147, %sub3A_1147 : vector<16xf32>
      %get3A_1149 = arith.index_cast %shift_right_arithmetic3A_143 : i32 to index
      %get3A_1150 = arith.index_cast %add3A_1141 : i32 to index
      %get3A_1151 = arith.constant 16 : index
      %get3A_1152 = tpu.vector_load %arg6[%get3A_1149, %get3A_1150, %get3A_1151] {strides = array<i32>} : memref<1x64x256xf32, #tpu.memory_space<vmem>>, vector<1x1x16xf32>,
      %get3A_1153 = vector.shape_cast %get3A_1152 : vector<1x1x16xf32> to vector<16xf32>
      %sub3A_1154 = arith.subf %get3A_1153, %get3A_44 : vector<16xf32>
      %mul3A_1155 = arith.mulf %sub3A_1154, %sub3A_1154 : vector<16xf32>
      %add3A_1156 = arith.addf %mul3A_1148, %mul3A_1155 : vector<16xf32>
      %get3A_1157 = arith.index_cast %shift_right_arithmetic3A_143 : i32 to index
      %get3A_1158 = arith.index_cast %add3A_1141 : i32 to index
      %get3A_1159 = arith.constant 32 : index
      %get3A_1160 = tpu.vector_load %arg6[%get3A_1157, %get3A_1158, %get3A_1159] {strides = array<i32>} : memref<1x64x256xf32, #tpu.memory_space<vmem>>, vector<1x1x16xf32>,
      %get3A_1161 = vector.shape_cast %get3A_1160 : vector<1x1x16xf32> to vector<16xf32>
      %sub3A_1162 = arith.subf %get3A_1161, %get3A_47 : vector<16xf32>
      %mul3A_1163 = arith.mulf %sub3A_1162, %sub3A_1162 : vector<16xf32>
      %add3A_1164 = arith.addf %add3A_1156, %mul3A_1163 : vector<16xf32>
      %get3A_1165 = arith.index_cast %shift_right_arithmetic3A_143 : i32 to index
      %get3A_1166 = arith.index_cast %add3A_1141 : i32 to index
      %get3A_1167 = arith.constant 48 : index
      %get3A_1168 = tpu.vector_load %arg6[%get3A_1165, %get3A_1166, %get3A_1167] {strides = array<i32>} : memref<1x64x256xf32, #tpu.memory_space<vmem>>, vector<1x1x16xf32>,
      %get3A_1169 = vector.shape_cast %get3A_1168 : vector<1x1x16xf32> to vector<16xf32>
      %sub3A_1170 = arith.subf %get3A_1169, %get3A_50 : vector<16xf32>
      %mul3A_1171 = arith.mulf %sub3A_1170, %sub3A_1170 : vector<16xf32>
      %add3A_1172 = arith.addf %add3A_1164, %mul3A_1171 : vector<16xf32>
      %get3A_1173 = arith.index_cast %shift_right_arithmetic3A_143 : i32 to index
      %get3A_1174 = arith.index_cast %add3A_1141 : i32 to index
      %get3A_1175 = arith.constant 64 : index
      %get3A_1176 = tpu.vector_load %arg6[%get3A_1173, %get3A_1174, %get3A_1175] {strides = array<i32>} : memref<1x64x256xf32, #tpu.memory_space<vmem>>, vector<1x1x16xf32>,
      %get3A_1177 = vector.shape_cast %get3A_1176 : vector<1x1x16xf32> to vector<16xf32>
      %sub3A_1178 = arith.subf %get3A_1177, %get3A_53 : vector<16xf32>
      %mul3A_1179 = arith.mulf %sub3A_1178, %sub3A_1178 : vector<16xf32>
      %add3A_1180 = arith.addf %add3A_1172, %mul3A_1179 : vector<16xf32>
      %get3A_1181 = arith.index_cast %shift_right_arithmetic3A_143 : i32 to index
      %get3A_1182 = arith.index_cast %add3A_1141 : i32 to index
      %get3A_1183 = arith.constant 80 : index
      %get3A_1184 = tpu.vector_load %arg6[%get3A_1181, %get3A_1182, %get3A_1183] {strides = array<i32>} : memref<1x64x256xf32, #tpu.memory_space<vmem>>, vector<1x1x16xf32>,
      %get3A_1185 = vector.shape_cast %get3A_1184 : vector<1x1x16xf32> to vector<16xf32>
      %sub3A_1186 = arith.subf %get3A_1185, %get3A_56 : vector<16xf32>
      %mul3A_1187 = arith.mulf %sub3A_1186, %sub3A_1186 : vector<16xf32>
      %add3A_1188 = arith.addf %add3A_1180, %mul3A_1187 : vector<16xf32>
      %get3A_1189 = arith.index_cast %shift_right_arithmetic3A_143 : i32 to index
      %get3A_1190 = arith.index_cast %add3A_1141 : i32 to index
      %get3A_1191 = arith.constant 96 : index
      %get3A_1192 = tpu.vector_load %arg6[%get3A_1189, %get3A_1190, %get3A_1191] {strides = array<i32>} : memref<1x64x256xf32, #tpu.memory_space<vmem>>, vector<1x1x16xf32>,
      %get3A_1193 = vector.shape_cast %get3A_1192 : vector<1x1x16xf32> to vector<16xf32>
      %sub3A_1194 = arith.subf %get3A_1193, %get3A_59 : vector<16xf32>
      %mul3A_1195 = arith.mulf %sub3A_1194, %sub3A_1194 : vector<16xf32>
      %add3A_1196 = arith.addf %add3A_1188, %mul3A_1195 : vector<16xf32>
      %get3A_1197 = arith.index_cast %shift_right_arithmetic3A_143 : i32 to index
      %get3A_1198 = arith.index_cast %add3A_1141 : i32 to index
      %get3A_1199 = arith.constant 112 : index
      %get3A_1200 = tpu.vector_load %arg6[%get3A_1197, %get3A_1198, %get3A_1199] {strides = array<i32>} : memref<1x64x256xf32, #tpu.memory_space<vmem>>, vector<1x1x16xf32>,
      %get3A_1201 = vector.shape_cast %get3A_1200 : vector<1x1x16xf32> to vector<16xf32>
      %sub3A_1202 = arith.subf %get3A_1201, %get3A_62 : vector<16xf32>
      %mul3A_1203 = arith.mulf %sub3A_1202, %sub3A_1202 : vector<16xf32>
      %add3A_1204 = arith.addf %add3A_1196, %mul3A_1203 : vector<16xf32>
      %get3A_1205 = arith.index_cast %shift_right_arithmetic3A_143 : i32 to index
      %get3A_1206 = arith.index_cast %add3A_1141 : i32 to index
      %get3A_1207 = arith.constant 128 : index
      %get3A_1208 = tpu.vector_load %arg6[%get3A_1205, %get3A_1206, %get3A_1207] {strides = array<i32>} : memref<1x64x256xf32, #tpu.memory_space<vmem>>, vector<1x1x16xf32>,
      %get3A_1209 = vector.shape_cast %get3A_1208 : vector<1x1x16xf32> to vector<16xf32>
      %sub3A_1210 = arith.subf %get3A_1209, %get3A_65 : vector<16xf32>
      %mul3A_1211 = arith.mulf %sub3A_1210, %sub3A_1210 : vector<16xf32>
      %add3A_1212 = arith.addf %add3A_1204, %mul3A_1211 : vector<16xf32>
      %get3A_1213 = arith.index_cast %shift_right_arithmetic3A_143 : i32 to index
      %get3A_1214 = arith.index_cast %add3A_1141 : i32 to index
      %get3A_1215 = arith.constant 144 : index
      %get3A_1216 = tpu.vector_load %arg6[%get3A_1213, %get3A_1214, %get3A_1215] {strides = array<i32>} : memref<1x64x256xf32, #tpu.memory_space<vmem>>, vector<1x1x16xf32>,
      %get3A_1217 = vector.shape_cast %get3A_1216 : vector<1x1x16xf32> to vector<16xf32>
      %sub3A_1218 = arith.subf %get3A_1217, %get3A_68 : vector<16xf32>
      %mul3A_1219 = arith.mulf %sub3A_1218, %sub3A_1218 : vector<16xf32>
      %add3A_1220 = arith.addf %add3A_1212, %mul3A_1219 : vector<16xf32>
      %get3A_1221 = arith.index_cast %shift_right_arithmetic3A_143 : i32 to index
      %get3A_1222 = arith.index_cast %add3A_1141 : i32 to index
      %get3A_1223 = arith.constant 160 : index
      %get3A_1224 = tpu.vector_load %arg6[%get3A_1221, %get3A_1222, %get3A_1223] {strides = array<i32>} : memref<1x64x256xf32, #tpu.memory_space<vmem>>, vector<1x1x16xf32>,
      %get3A_1225 = vector.shape_cast %get3A_1224 : vector<1x1x16xf32> to vector<16xf32>
      %sub3A_1226 = arith.subf %get3A_1225, %get3A_71 : vector<16xf32>
      %mul3A_1227 = arith.mulf %sub3A_1226, %sub3A_1226 : vector<16xf32>
      %add3A_1228 = arith.addf %add3A_1220, %mul3A_1227 : vector<16xf32>
      %get3A_1229 = arith.index_cast %shift_right_arithmetic3A_143 : i32 to index
      %get3A_1230 = arith.index_cast %add3A_1141 : i32 to index
      %get3A_1231 = arith.constant 176 : index
      %get3A_1232 = tpu.vector_load %arg6[%get3A_1229, %get3A_1230, %get3A_1231] {strides = array<i32>} : memref<1x64x256xf32, #tpu.memory_space<vmem>>, vector<1x1x16xf32>,
      %get3A_1233 = vector.shape_cast %get3A_1232 : vector<1x1x16xf32> to vector<16xf32>
      %sub3A_1234 = arith.subf %get3A_1233, %get3A_74 : vector<16xf32>
      %mul3A_1235 = arith.mulf %sub3A_1234, %sub3A_1234 : vector<16xf32>
      %add3A_1236 = arith.addf %add3A_1228, %mul3A_1235 : vector<16xf32>
      %get3A_1237 = arith.index_cast %shift_right_arithmetic3A_143 : i32 to index
      %get3A_1238 = arith.index_cast %add3A_1141 : i32 to index
      %get3A_1239 = arith.constant 192 : index
      %get3A_1240 = tpu.vector_load %arg6[%get3A_1237, %get3A_1238, %get3A_1239] {strides = array<i32>} : memref<1x64x256xf32, #tpu.memory_space<vmem>>, vector<1x1x16xf32>,
      %get3A_1241 = vector.shape_cast %get3A_1240 : vector<1x1x16xf32> to vector<16xf32>
      %sub3A_1242 = arith.subf %get3A_1241, %get3A_77 : vector<16xf32>
      %mul3A_1243 = arith.mulf %sub3A_1242, %sub3A_1242 : vector<16xf32>
      %add3A_1244 = arith.addf %add3A_1236, %mul3A_1243 : vector<16xf32>
      %get3A_1245 = arith.index_cast %shift_right_arithmetic3A_143 : i32 to index
      %get3A_1246 = arith.index_cast %add3A_1141 : i32 to index
      %get3A_1247 = arith.constant 208 : index
      %get3A_1248 = tpu.vector_load %arg6[%get3A_1245, %get3A_1246, %get3A_1247] {strides = array<i32>} : memref<1x64x256xf32, #tpu.memory_space<vmem>>, vector<1x1x16xf32>,
      %get3A_1249 = vector.shape_cast %get3A_1248 : vector<1x1x16xf32> to vector<16xf32>
      %sub3A_1250 = arith.subf %get3A_1249, %get3A_80 : vector<16xf32>
      %mul3A_1251 = arith.mulf %sub3A_1250, %sub3A_1250 : vector<16xf32>
      %add3A_1252 = arith.addf %add3A_1244, %mul3A_1251 : vector<16xf32>
      %get3A_1253 = arith.index_cast %shift_right_arithmetic3A_143 : i32 to index
      %get3A_1254 = arith.index_cast %add3A_1141 : i32 to index
      %get3A_1255 = arith.constant 224 : index
      %get3A_1256 = tpu.vector_load %arg6[%get3A_1253, %get3A_1254, %get3A_1255] {strides = array<i32>} : memref<1x64x256xf32, #tpu.memory_space<vmem>>, vector<1x1x16xf32>,
      %get3A_1257 = vector.shape_cast %get3A_1256 : vector<1x1x16xf32> to vector<16xf32>
      %sub3A_1258 = arith.subf %get3A_1257, %get3A_83 : vector<16xf32>
      %mul3A_1259 = arith.mulf %sub3A_1258, %sub3A_1258 : vector<16xf32>
      %add3A_1260 = arith.addf %add3A_1252, %mul3A_1259 : vector<16xf32>
      %get3A_1261 = arith.index_cast %shift_right_arithmetic3A_143 : i32 to index
      %get3A_1262 = arith.index_cast %add3A_1141 : i32 to index
      %get3A_1263 = arith.constant 240 : index
      %get3A_1264 = tpu.vector_load %arg6[%get3A_1261, %get3A_1262, %get3A_1263] {strides = array<i32>} : memref<1x64x256xf32, #tpu.memory_space<vmem>>, vector<1x1x16xf32>,
      %get3A_1265 = vector.shape_cast %get3A_1264 : vector<1x1x16xf32> to vector<16xf32>
      %sub3A_1266 = arith.subf %get3A_1265, %get3A_86 : vector<16xf32>
      %mul3A_1267 = arith.mulf %sub3A_1266, %sub3A_1266 : vector<16xf32>
      %add3A_1268 = arith.addf %add3A_1260, %mul3A_1267 : vector<16xf32>
      %lt3A_1269 = arith.constant 0 : i32
      %lt3A_1270 = vector.broadcast %lt3A_1269 : i32 to vector<16xi32>
      %lt3A_1271 = arith.cmpi slt, %xor3A_110, %lt3A_1270 : vector<16xi32>
      %add3A_1272 = arith.constant 16 : i32
      %add3A_1273 = vector.broadcast %add3A_1272 : i32 to vector<16xi32>
      %add3A_1274 = arith.addi %xor3A_110, %add3A_1273 : vector<16xi32>
      %select_n3A_1275 = arith.select %lt3A_1271, %add3A_1274, %xor3A_110 : vector<16xi1>, vector<16xi32>
      %broadcast_in_dim3A_1276 = vector.shape_cast %select_n3A_1275 : vector<16xi32> to vector<16x1xi32>
      %gather3A_1277 = vector.shape_cast %broadcast_in_dim3A_1276 : vector<16x1xi32> to vector<16xi32>
      %gather3A_1278 = tpu.dynamic_gather %add3A_1268[%gather3A_1277] in [0] : vector<16xf32>, vector<16xi32> -> vector<16xf32>
      %select_n3A_1279 = arith.select %eq3A_90, %add3A_1139, %gather3A_1278 : vector<16xi1>, vector<16xf32>
      %lt3A_1280 = arith.constant 0 : i32
      %lt3A_1281 = vector.broadcast %lt3A_1280 : i32 to vector<16xi32>
      %lt3A_1282 = arith.cmpi slt, %xor3A_110, %lt3A_1281 : vector<16xi32>
      %add3A_1283 = arith.constant 16 : i32
      %add3A_1284 = vector.broadcast %add3A_1283 : i32 to vector<16xi32>
      %add3A_1285 = arith.addi %xor3A_110, %add3A_1284 : vector<16xi32>
      %select_n3A_1286 = arith.select %lt3A_1282, %add3A_1285, %xor3A_110 : vector<16xi1>, vector<16xi32>
      %broadcast_in_dim3A_1287 = vector.shape_cast %select_n3A_1286 : vector<16xi32> to vector<16x1xi32>
      %gather3A_1288 = vector.shape_cast %broadcast_in_dim3A_1287 : vector<16x1xi32> to vector<16xi32>
      %gather3A_1289 = tpu.dynamic_gather %add3A_1139[%gather3A_1288] in [0] : vector<16xf32>, vector<16xi32> -> vector<16xf32>
      %select_n3A_1290 = arith.select %eq3A_90, %gather3A_1289, %add3A_1268 : vector<16xi1>, vector<16xf32>
      %add3A_1291 = arith.addf %select_n3A_1279, %select_n3A_1290 : vector<16xf32>
      %lt3A_1292 = arith.constant 0 : i32
      %lt3A_1293 = vector.broadcast %lt3A_1292 : i32 to vector<16xi32>
      %lt3A_1294 = arith.cmpi slt, %xor3A_113, %lt3A_1293 : vector<16xi32>
      %add3A_1295 = arith.constant 16 : i32
      %add3A_1296 = vector.broadcast %add3A_1295 : i32 to vector<16xi32>
      %add3A_1297 = arith.addi %xor3A_113, %add3A_1296 : vector<16xi32>
      %select_n3A_1298 = arith.select %lt3A_1294, %add3A_1297, %xor3A_113 : vector<16xi1>, vector<16xi32>
      %broadcast_in_dim3A_1299 = vector.shape_cast %select_n3A_1298 : vector<16xi32> to vector<16x1xi32>
      %gather3A_1300 = vector.shape_cast %broadcast_in_dim3A_1299 : vector<16x1xi32> to vector<16xi32>
      %gather3A_1301 = tpu.dynamic_gather %add3A_1291[%gather3A_1300] in [0] : vector<16xf32>, vector<16xi32> -> vector<16xf32>
      %select_n3A_1302 = arith.select %eq3A_96, %add3A_1010, %gather3A_1301 : vector<16xi1>, vector<16xf32>
      %lt3A_1303 = arith.constant 0 : i32
      %lt3A_1304 = vector.broadcast %lt3A_1303 : i32 to vector<16xi32>
      %lt3A_1305 = arith.cmpi slt, %xor3A_113, %lt3A_1304 : vector<16xi32>
      %add3A_1306 = arith.constant 16 : i32
      %add3A_1307 = vector.broadcast %add3A_1306 : i32 to vector<16xi32>
      %add3A_1308 = arith.addi %xor3A_113, %add3A_1307 : vector<16xi32>
      %select_n3A_1309 = arith.select %lt3A_1305, %add3A_1308, %xor3A_113 : vector<16xi1>, vector<16xi32>
      %broadcast_in_dim3A_1310 = vector.shape_cast %select_n3A_1309 : vector<16xi32> to vector<16x1xi32>
      %gather3A_1311 = vector.shape_cast %broadcast_in_dim3A_1310 : vector<16x1xi32> to vector<16xi32>
      %gather3A_1312 = tpu.dynamic_gather %add3A_1010[%gather3A_1311] in [0] : vector<16xf32>, vector<16xi32> -> vector<16xf32>
      %select_n3A_1313 = arith.select %eq3A_96, %gather3A_1312, %add3A_1291 : vector<16xi1>, vector<16xf32>
      %add3A_1314 = arith.addf %select_n3A_1302, %select_n3A_1313 : vector<16xf32>
      %lt3A_1315 = arith.constant 0 : i32
      %lt3A_1316 = vector.broadcast %lt3A_1315 : i32 to vector<16xi32>
      %lt3A_1317 = arith.cmpi slt, %xor3A_116, %lt3A_1316 : vector<16xi32>
      %add3A_1318 = arith.constant 16 : i32
      %add3A_1319 = vector.broadcast %add3A_1318 : i32 to vector<16xi32>
      %add3A_1320 = arith.addi %xor3A_116, %add3A_1319 : vector<16xi32>
      %select_n3A_1321 = arith.select %lt3A_1317, %add3A_1320, %xor3A_116 : vector<16xi1>, vector<16xi32>
      %broadcast_in_dim3A_1322 = vector.shape_cast %select_n3A_1321 : vector<16xi32> to vector<16x1xi32>
      %gather3A_1323 = vector.shape_cast %broadcast_in_dim3A_1322 : vector<16x1xi32> to vector<16xi32>
      %gather3A_1324 = tpu.dynamic_gather %add3A_1314[%gather3A_1323] in [0] : vector<16xf32>, vector<16xi32> -> vector<16xf32>
      %select_n3A_1325 = arith.select %eq3A_102, %add3A_729, %gather3A_1324 : vector<16xi1>, vector<16xf32>
      %lt3A_1326 = arith.constant 0 : i32
      %lt3A_1327 = vector.broadcast %lt3A_1326 : i32 to vector<16xi32>
      %lt3A_1328 = arith.cmpi slt, %xor3A_116, %lt3A_1327 : vector<16xi32>
      %add3A_1329 = arith.constant 16 : i32
      %add3A_1330 = vector.broadcast %add3A_1329 : i32 to vector<16xi32>
      %add3A_1331 = arith.addi %xor3A_116, %add3A_1330 : vector<16xi32>
      %select_n3A_1332 = arith.select %lt3A_1328, %add3A_1331, %xor3A_116 : vector<16xi1>, vector<16xi32>
      %broadcast_in_dim3A_1333 = vector.shape_cast %select_n3A_1332 : vector<16xi32> to vector<16x1xi32>
      %gather3A_1334 = vector.shape_cast %broadcast_in_dim3A_1333 : vector<16x1xi32> to vector<16xi32>
      %gather3A_1335 = tpu.dynamic_gather %add3A_729[%gather3A_1334] in [0] : vector<16xf32>, vector<16xi32> -> vector<16xf32>
      %select_n3A_1336 = arith.select %eq3A_102, %gather3A_1335, %add3A_1314 : vector<16xi1>, vector<16xf32>
      %add3A_1337 = arith.addf %select_n3A_1325, %select_n3A_1336 : vector<16xf32>
      %add3A_1338 = arith.constant 1 : i32
      %add3A_1339 = arith.addi %shift_left3A_146, %add3A_1338 : i32
      %get3A_1340 = arith.index_cast %shift_right_arithmetic3A_143 : i32 to index
      %get3A_1341 = arith.index_cast %add3A_1339 : i32 to index
      %get3A_1342 = arith.constant 0 : index
      %get3A_1343 = tpu.vector_load %arg6[%get3A_1340, %get3A_1341, %get3A_1342] {strides = array<i32>} : memref<1x64x256xf32, #tpu.memory_space<vmem>>, vector<1x1x16xf32>,
      %get3A_1344 = vector.shape_cast %get3A_1343 : vector<1x1x16xf32> to vector<16xf32>
      %sub3A_1345 = arith.subf %get3A_1344, %get3A_41 : vector<16xf32>
      %mul3A_1346 = arith.mulf %sub3A_1345, %sub3A_1345 : vector<16xf32>
      %get3A_1347 = arith.index_cast %shift_right_arithmetic3A_143 : i32 to index
      %get3A_1348 = arith.index_cast %add3A_1339 : i32 to index
      %get3A_1349 = arith.constant 16 : index
      %get3A_1350 = tpu.vector_load %arg6[%get3A_1347, %get3A_1348, %get3A_1349] {strides = array<i32>} : memref<1x64x256xf32, #tpu.memory_space<vmem>>, vector<1x1x16xf32>,
      %get3A_1351 = vector.shape_cast %get3A_1350 : vector<1x1x16xf32> to vector<16xf32>
      %sub3A_1352 = arith.subf %get3A_1351, %get3A_44 : vector<16xf32>
      %mul3A_1353 = arith.mulf %sub3A_1352, %sub3A_1352 : vector<16xf32>
      %add3A_1354 = arith.addf %mul3A_1346, %mul3A_1353 : vector<16xf32>
      %get3A_1355 = arith.index_cast %shift_right_arithmetic3A_143 : i32 to index
      %get3A_1356 = arith.index_cast %add3A_1339 : i32 to index
      %get3A_1357 = arith.constant 32 : index
      %get3A_1358 = tpu.vector_load %arg6[%get3A_1355, %get3A_1356, %get3A_1357] {strides = array<i32>} : memref<1x64x256xf32, #tpu.memory_space<vmem>>, vector<1x1x16xf32>,
      %get3A_1359 = vector.shape_cast %get3A_1358 : vector<1x1x16xf32> to vector<16xf32>
      %sub3A_1360 = arith.subf %get3A_1359, %get3A_47 : vector<16xf32>
      %mul3A_1361 = arith.mulf %sub3A_1360, %sub3A_1360 : vector<16xf32>
      %add3A_1362 = arith.addf %add3A_1354, %mul3A_1361 : vector<16xf32>
      %get3A_1363 = arith.index_cast %shift_right_arithmetic3A_143 : i32 to index
      %get3A_1364 = arith.index_cast %add3A_1339 : i32 to index
      %get3A_1365 = arith.constant 48 : index
      %get3A_1366 = tpu.vector_load %arg6[%get3A_1363, %get3A_1364, %get3A_1365] {strides = array<i32>} : memref<1x64x256xf32, #tpu.memory_space<vmem>>, vector<1x1x16xf32>,
      %get3A_1367 = vector.shape_cast %get3A_1366 : vector<1x1x16xf32> to vector<16xf32>
      %sub3A_1368 = arith.subf %get3A_1367, %get3A_50 : vector<16xf32>
      %mul3A_1369 = arith.mulf %sub3A_1368, %sub3A_1368 : vector<16xf32>
      %add3A_1370 = arith.addf %add3A_1362, %mul3A_1369 : vector<16xf32>
      %get3A_1371 = arith.index_cast %shift_right_arithmetic3A_143 : i32 to index
      %get3A_1372 = arith.index_cast %add3A_1339 : i32 to index
      %get3A_1373 = arith.constant 64 : index
      %get3A_1374 = tpu.vector_load %arg6[%get3A_1371, %get3A_1372, %get3A_1373] {strides = array<i32>} : memref<1x64x256xf32, #tpu.memory_space<vmem>>, vector<1x1x16xf32>,
      %get3A_1375 = vector.shape_cast %get3A_1374 : vector<1x1x16xf32> to vector<16xf32>
      %sub3A_1376 = arith.subf %get3A_1375, %get3A_53 : vector<16xf32>
      %mul3A_1377 = arith.mulf %sub3A_1376, %sub3A_1376 : vector<16xf32>
      %add3A_1378 = arith.addf %add3A_1370, %mul3A_1377 : vector<16xf32>
      %get3A_1379 = arith.index_cast %shift_right_arithmetic3A_143 : i32 to index
      %get3A_1380 = arith.index_cast %add3A_1339 : i32 to index
      %get3A_1381 = arith.constant 80 : index
      %get3A_1382 = tpu.vector_load %arg6[%get3A_1379, %get3A_1380, %get3A_1381] {strides = array<i32>} : memref<1x64x256xf32, #tpu.memory_space<vmem>>, vector<1x1x16xf32>,
      %get3A_1383 = vector.shape_cast %get3A_1382 : vector<1x1x16xf32> to vector<16xf32>
      %sub3A_1384 = arith.subf %get3A_1383, %get3A_56 : vector<16xf32>
      %mul3A_1385 = arith.mulf %sub3A_1384, %sub3A_1384 : vector<16xf32>
      %add3A_1386 = arith.addf %add3A_1378, %mul3A_1385 : vector<16xf32>
      %get3A_1387 = arith.index_cast %shift_right_arithmetic3A_143 : i32 to index
      %get3A_1388 = arith.index_cast %add3A_1339 : i32 to index
      %get3A_1389 = arith.constant 96 : index
      %get3A_1390 = tpu.vector_load %arg6[%get3A_1387, %get3A_1388, %get3A_1389] {strides = array<i32>} : memref<1x64x256xf32, #tpu.memory_space<vmem>>, vector<1x1x16xf32>,
      %get3A_1391 = vector.shape_cast %get3A_1390 : vector<1x1x16xf32> to vector<16xf32>
      %sub3A_1392 = arith.subf %get3A_1391, %get3A_59 : vector<16xf32>
      %mul3A_1393 = arith.mulf %sub3A_1392, %sub3A_1392 : vector<16xf32>
      %add3A_1394 = arith.addf %add3A_1386, %mul3A_1393 : vector<16xf32>
      %get3A_1395 = arith.index_cast %shift_right_arithmetic3A_143 : i32 to index
      %get3A_1396 = arith.index_cast %add3A_1339 : i32 to index
      %get3A_1397 = arith.constant 112 : index
      %get3A_1398 = tpu.vector_load %arg6[%get3A_1395, %get3A_1396, %get3A_1397] {strides = array<i32>} : memref<1x64x256xf32, #tpu.memory_space<vmem>>, vector<1x1x16xf32>,
      %get3A_1399 = vector.shape_cast %get3A_1398 : vector<1x1x16xf32> to vector<16xf32>
      %sub3A_1400 = arith.subf %get3A_1399, %get3A_62 : vector<16xf32>
      %mul3A_1401 = arith.mulf %sub3A_1400, %sub3A_1400 : vector<16xf32>
      %add3A_1402 = arith.addf %add3A_1394, %mul3A_1401 : vector<16xf32>
      %get3A_1403 = arith.index_cast %shift_right_arithmetic3A_143 : i32 to index
      %get3A_1404 = arith.index_cast %add3A_1339 : i32 to index
      %get3A_1405 = arith.constant 128 : index
      %get3A_1406 = tpu.vector_load %arg6[%get3A_1403, %get3A_1404, %get3A_1405] {strides = array<i32>} : memref<1x64x256xf32, #tpu.memory_space<vmem>>, vector<1x1x16xf32>,
      %get3A_1407 = vector.shape_cast %get3A_1406 : vector<1x1x16xf32> to vector<16xf32>
      %sub3A_1408 = arith.subf %get3A_1407, %get3A_65 : vector<16xf32>
      %mul3A_1409 = arith.mulf %sub3A_1408, %sub3A_1408 : vector<16xf32>
      %add3A_1410 = arith.addf %add3A_1402, %mul3A_1409 : vector<16xf32>
      %get3A_1411 = arith.index_cast %shift_right_arithmetic3A_143 : i32 to index
      %get3A_1412 = arith.index_cast %add3A_1339 : i32 to index
      %get3A_1413 = arith.constant 144 : index
      %get3A_1414 = tpu.vector_load %arg6[%get3A_1411, %get3A_1412, %get3A_1413] {strides = array<i32>} : memref<1x64x256xf32, #tpu.memory_space<vmem>>, vector<1x1x16xf32>,
      %get3A_1415 = vector.shape_cast %get3A_1414 : vector<1x1x16xf32> to vector<16xf32>
      %sub3A_1416 = arith.subf %get3A_1415, %get3A_68 : vector<16xf32>
      %mul3A_1417 = arith.mulf %sub3A_1416, %sub3A_1416 : vector<16xf32>
      %add3A_1418 = arith.addf %add3A_1410, %mul3A_1417 : vector<16xf32>
      %get3A_1419 = arith.index_cast %shift_right_arithmetic3A_143 : i32 to index
      %get3A_1420 = arith.index_cast %add3A_1339 : i32 to index
      %get3A_1421 = arith.constant 160 : index
      %get3A_1422 = tpu.vector_load %arg6[%get3A_1419, %get3A_1420, %get3A_1421] {strides = array<i32>} : memref<1x64x256xf32, #tpu.memory_space<vmem>>, vector<1x1x16xf32>,
      %get3A_1423 = vector.shape_cast %get3A_1422 : vector<1x1x16xf32> to vector<16xf32>
      %sub3A_1424 = arith.subf %get3A_1423, %get3A_71 : vector<16xf32>
      %mul3A_1425 = arith.mulf %sub3A_1424, %sub3A_1424 : vector<16xf32>
      %add3A_1426 = arith.addf %add3A_1418, %mul3A_1425 : vector<16xf32>
      %get3A_1427 = arith.index_cast %shift_right_arithmetic3A_143 : i32 to index
      %get3A_1428 = arith.index_cast %add3A_1339 : i32 to index
      %get3A_1429 = arith.constant 176 : index
      %get3A_1430 = tpu.vector_load %arg6[%get3A_1427, %get3A_1428, %get3A_1429] {strides = array<i32>} : memref<1x64x256xf32, #tpu.memory_space<vmem>>, vector<1x1x16xf32>,
      %get3A_1431 = vector.shape_cast %get3A_1430 : vector<1x1x16xf32> to vector<16xf32>
      %sub3A_1432 = arith.subf %get3A_1431, %get3A_74 : vector<16xf32>
      %mul3A_1433 = arith.mulf %sub3A_1432, %sub3A_1432 : vector<16xf32>
      %add3A_1434 = arith.addf %add3A_1426, %mul3A_1433 : vector<16xf32>
      %get3A_1435 = arith.index_cast %shift_right_arithmetic3A_143 : i32 to index
      %get3A_1436 = arith.index_cast %add3A_1339 : i32 to index
      %get3A_1437 = arith.constant 192 : index
      %get3A_1438 = tpu.vector_load %arg6[%get3A_1435, %get3A_1436, %get3A_1437] {strides = array<i32>} : memref<1x64x256xf32, #tpu.memory_space<vmem>>, vector<1x1x16xf32>,
      %get3A_1439 = vector.shape_cast %get3A_1438 : vector<1x1x16xf32> to vector<16xf32>
      %sub3A_1440 = arith.subf %get3A_1439, %get3A_77 : vector<16xf32>
      %mul3A_1441 = arith.mulf %sub3A_1440, %sub3A_1440 : vector<16xf32>
      %add3A_1442 = arith.addf %add3A_1434, %mul3A_1441 : vector<16xf32>
      %get3A_1443 = arith.index_cast %shift_right_arithmetic3A_143 : i32 to index
      %get3A_1444 = arith.index_cast %add3A_1339 : i32 to index
      %get3A_1445 = arith.constant 208 : index
      %get3A_1446 = tpu.vector_load %arg6[%get3A_1443, %get3A_1444, %get3A_1445] {strides = array<i32>} : memref<1x64x256xf32, #tpu.memory_space<vmem>>, vector<1x1x16xf32>,
      %get3A_1447 = vector.shape_cast %get3A_1446 : vector<1x1x16xf32> to vector<16xf32>
      %sub3A_1448 = arith.subf %get3A_1447, %get3A_80 : vector<16xf32>
      %mul3A_1449 = arith.mulf %sub3A_1448, %sub3A_1448 : vector<16xf32>
      %add3A_1450 = arith.addf %add3A_1442, %mul3A_1449 : vector<16xf32>
      %get3A_1451 = arith.index_cast %shift_right_arithmetic3A_143 : i32 to index
      %get3A_1452 = arith.index_cast %add3A_1339 : i32 to index
      %get3A_1453 = arith.constant 224 : index
      %get3A_1454 = tpu.vector_load %arg6[%get3A_1451, %get3A_1452, %get3A_1453] {strides = array<i32>} : memref<1x64x256xf32, #tpu.memory_space<vmem>>, vector<1x1x16xf32>,
      %get3A_1455 = vector.shape_cast %get3A_1454 : vector<1x1x16xf32> to vector<16xf32>
      %sub3A_1456 = arith.subf %get3A_1455, %get3A_83 : vector<16xf32>
      %mul3A_1457 = arith.mulf %sub3A_1456, %sub3A_1456 : vector<16xf32>
      %add3A_1458 = arith.addf %add3A_1450, %mul3A_1457 : vector<16xf32>
      %get3A_1459 = arith.index_cast %shift_right_arithmetic3A_143 : i32 to index
      %get3A_1460 = arith.index_cast %add3A_1339 : i32 to index
      %get3A_1461 = arith.constant 240 : index
      %get3A_1462 = tpu.vector_load %arg6[%get3A_1459, %get3A_1460, %get3A_1461] {strides = array<i32>} : memref<1x64x256xf32, #tpu.memory_space<vmem>>, vector<1x1x16xf32>,
      %get3A_1463 = vector.shape_cast %get3A_1462 : vector<1x1x16xf32> to vector<16xf32>
      %sub3A_1464 = arith.subf %get3A_1463, %get3A_86 : vector<16xf32>
      %mul3A_1465 = arith.mulf %sub3A_1464, %sub3A_1464 : vector<16xf32>
      %add3A_1466 = arith.addf %add3A_1458, %mul3A_1465 : vector<16xf32>
      %add3A_1467 = arith.constant 9 : i32
      %add3A_1468 = arith.addi %shift_left3A_146, %add3A_1467 : i32
      %get3A_1469 = arith.index_cast %shift_right_arithmetic3A_143 : i32 to index
      %get3A_1470 = arith.index_cast %add3A_1468 : i32 to index
      %get3A_1471 = arith.constant 0 : index
      %get3A_1472 = tpu.vector_load %arg6[%get3A_1469, %get3A_1470, %get3A_1471] {strides = array<i32>} : memref<1x64x256xf32, #tpu.memory_space<vmem>>, vector<1x1x16xf32>,
      %get3A_1473 = vector.shape_cast %get3A_1472 : vector<1x1x16xf32> to vector<16xf32>
      %sub3A_1474 = arith.subf %get3A_1473, %get3A_41 : vector<16xf32>
      %mul3A_1475 = arith.mulf %sub3A_1474, %sub3A_1474 : vector<16xf32>
      %get3A_1476 = arith.index_cast %shift_right_arithmetic3A_143 : i32 to index
      %get3A_1477 = arith.index_cast %add3A_1468 : i32 to index
      %get3A_1478 = arith.constant 16 : index
      %get3A_1479 = tpu.vector_load %arg6[%get3A_1476, %get3A_1477, %get3A_1478] {strides = array<i32>} : memref<1x64x256xf32, #tpu.memory_space<vmem>>, vector<1x1x16xf32>,
      %get3A_1480 = vector.shape_cast %get3A_1479 : vector<1x1x16xf32> to vector<16xf32>
      %sub3A_1481 = arith.subf %get3A_1480, %get3A_44 : vector<16xf32>
      %mul3A_1482 = arith.mulf %sub3A_1481, %sub3A_1481 : vector<16xf32>
      %add3A_1483 = arith.addf %mul3A_1475, %mul3A_1482 : vector<16xf32>
      %get3A_1484 = arith.index_cast %shift_right_arithmetic3A_143 : i32 to index
      %get3A_1485 = arith.index_cast %add3A_1468 : i32 to index
      %get3A_1486 = arith.constant 32 : index
      %get3A_1487 = tpu.vector_load %arg6[%get3A_1484, %get3A_1485, %get3A_1486] {strides = array<i32>} : memref<1x64x256xf32, #tpu.memory_space<vmem>>, vector<1x1x16xf32>,
      %get3A_1488 = vector.shape_cast %get3A_1487 : vector<1x1x16xf32> to vector<16xf32>
      %sub3A_1489 = arith.subf %get3A_1488, %get3A_47 : vector<16xf32>
      %mul3A_1490 = arith.mulf %sub3A_1489, %sub3A_1489 : vector<16xf32>
      %add3A_1491 = arith.addf %add3A_1483, %mul3A_1490 : vector<16xf32>
      %get3A_1492 = arith.index_cast %shift_right_arithmetic3A_143 : i32 to index
      %get3A_1493 = arith.index_cast %add3A_1468 : i32 to index
      %get3A_1494 = arith.constant 48 : index
      %get3A_1495 = tpu.vector_load %arg6[%get3A_1492, %get3A_1493, %get3A_1494] {strides = array<i32>} : memref<1x64x256xf32, #tpu.memory_space<vmem>>, vector<1x1x16xf32>,
      %get3A_1496 = vector.shape_cast %get3A_1495 : vector<1x1x16xf32> to vector<16xf32>
      %sub3A_1497 = arith.subf %get3A_1496, %get3A_50 : vector<16xf32>
      %mul3A_1498 = arith.mulf %sub3A_1497, %sub3A_1497 : vector<16xf32>
      %add3A_1499 = arith.addf %add3A_1491, %mul3A_1498 : vector<16xf32>
      %get3A_1500 = arith.index_cast %shift_right_arithmetic3A_143 : i32 to index
      %get3A_1501 = arith.index_cast %add3A_1468 : i32 to index
      %get3A_1502 = arith.constant 64 : index
      %get3A_1503 = tpu.vector_load %arg6[%get3A_1500, %get3A_1501, %get3A_1502] {strides = array<i32>} : memref<1x64x256xf32, #tpu.memory_space<vmem>>, vector<1x1x16xf32>,
      %get3A_1504 = vector.shape_cast %get3A_1503 : vector<1x1x16xf32> to vector<16xf32>
      %sub3A_1505 = arith.subf %get3A_1504, %get3A_53 : vector<16xf32>
      %mul3A_1506 = arith.mulf %sub3A_1505, %sub3A_1505 : vector<16xf32>
      %add3A_1507 = arith.addf %add3A_1499, %mul3A_1506 : vector<16xf32>
      %get3A_1508 = arith.index_cast %shift_right_arithmetic3A_143 : i32 to index
      %get3A_1509 = arith.index_cast %add3A_1468 : i32 to index
      %get3A_1510 = arith.constant 80 : index
      %get3A_1511 = tpu.vector_load %arg6[%get3A_1508, %get3A_1509, %get3A_1510] {strides = array<i32>} : memref<1x64x256xf32, #tpu.memory_space<vmem>>, vector<1x1x16xf32>,
      %get3A_1512 = vector.shape_cast %get3A_1511 : vector<1x1x16xf32> to vector<16xf32>
      %sub3A_1513 = arith.subf %get3A_1512, %get3A_56 : vector<16xf32>
      %mul3A_1514 = arith.mulf %sub3A_1513, %sub3A_1513 : vector<16xf32>
      %add3A_1515 = arith.addf %add3A_1507, %mul3A_1514 : vector<16xf32>
      %get3A_1516 = arith.index_cast %shift_right_arithmetic3A_143 : i32 to index
      %get3A_1517 = arith.index_cast %add3A_1468 : i32 to index
      %get3A_1518 = arith.constant 96 : index
      %get3A_1519 = tpu.vector_load %arg6[%get3A_1516, %get3A_1517, %get3A_1518] {strides = array<i32>} : memref<1x64x256xf32, #tpu.memory_space<vmem>>, vector<1x1x16xf32>,
      %get3A_1520 = vector.shape_cast %get3A_1519 : vector<1x1x16xf32> to vector<16xf32>
      %sub3A_1521 = arith.subf %get3A_1520, %get3A_59 : vector<16xf32>
      %mul3A_1522 = arith.mulf %sub3A_1521, %sub3A_1521 : vector<16xf32>
      %add3A_1523 = arith.addf %add3A_1515, %mul3A_1522 : vector<16xf32>
      %get3A_1524 = arith.index_cast %shift_right_arithmetic3A_143 : i32 to index
      %get3A_1525 = arith.index_cast %add3A_1468 : i32 to index
      %get3A_1526 = arith.constant 112 : index
      %get3A_1527 = tpu.vector_load %arg6[%get3A_1524, %get3A_1525, %get3A_1526] {strides = array<i32>} : memref<1x64x256xf32, #tpu.memory_space<vmem>>, vector<1x1x16xf32>,
      %get3A_1528 = vector.shape_cast %get3A_1527 : vector<1x1x16xf32> to vector<16xf32>
      %sub3A_1529 = arith.subf %get3A_1528, %get3A_62 : vector<16xf32>
      %mul3A_1530 = arith.mulf %sub3A_1529, %sub3A_1529 : vector<16xf32>
      %add3A_1531 = arith.addf %add3A_1523, %mul3A_1530 : vector<16xf32>
      %get3A_1532 = arith.index_cast %shift_right_arithmetic3A_143 : i32 to index
      %get3A_1533 = arith.index_cast %add3A_1468 : i32 to index
      %get3A_1534 = arith.constant 128 : index
      %get3A_1535 = tpu.vector_load %arg6[%get3A_1532, %get3A_1533, %get3A_1534] {strides = array<i32>} : memref<1x64x256xf32, #tpu.memory_space<vmem>>, vector<1x1x16xf32>,
      %get3A_1536 = vector.shape_cast %get3A_1535 : vector<1x1x16xf32> to vector<16xf32>
      %sub3A_1537 = arith.subf %get3A_1536, %get3A_65 : vector<16xf32>
      %mul3A_1538 = arith.mulf %sub3A_1537, %sub3A_1537 : vector<16xf32>
      %add3A_1539 = arith.addf %add3A_1531, %mul3A_1538 : vector<16xf32>
      %get3A_1540 = arith.index_cast %shift_right_arithmetic3A_143 : i32 to index
      %get3A_1541 = arith.index_cast %add3A_1468 : i32 to index
      %get3A_1542 = arith.constant 144 : index
      %get3A_1543 = tpu.vector_load %arg6[%get3A_1540, %get3A_1541, %get3A_1542] {strides = array<i32>} : memref<1x64x256xf32, #tpu.memory_space<vmem>>, vector<1x1x16xf32>,
      %get3A_1544 = vector.shape_cast %get3A_1543 : vector<1x1x16xf32> to vector<16xf32>
      %sub3A_1545 = arith.subf %get3A_1544, %get3A_68 : vector<16xf32>
      %mul3A_1546 = arith.mulf %sub3A_1545, %sub3A_1545 : vector<16xf32>
      %add3A_1547 = arith.addf %add3A_1539, %mul3A_1546 : vector<16xf32>
      %get3A_1548 = arith.index_cast %shift_right_arithmetic3A_143 : i32 to index
      %get3A_1549 = arith.index_cast %add3A_1468 : i32 to index
      %get3A_1550 = arith.constant 160 : index
      %get3A_1551 = tpu.vector_load %arg6[%get3A_1548, %get3A_1549, %get3A_1550] {strides = array<i32>} : memref<1x64x256xf32, #tpu.memory_space<vmem>>, vector<1x1x16xf32>,
      %get3A_1552 = vector.shape_cast %get3A_1551 : vector<1x1x16xf32> to vector<16xf32>
      %sub3A_1553 = arith.subf %get3A_1552, %get3A_71 : vector<16xf32>
      %mul3A_1554 = arith.mulf %sub3A_1553, %sub3A_1553 : vector<16xf32>
      %add3A_1555 = arith.addf %add3A_1547, %mul3A_1554 : vector<16xf32>
      %get3A_1556 = arith.index_cast %shift_right_arithmetic3A_143 : i32 to index
      %get3A_1557 = arith.index_cast %add3A_1468 : i32 to index
      %get3A_1558 = arith.constant 176 : index
      %get3A_1559 = tpu.vector_load %arg6[%get3A_1556, %get3A_1557, %get3A_1558] {strides = array<i32>} : memref<1x64x256xf32, #tpu.memory_space<vmem>>, vector<1x1x16xf32>,
      %get3A_1560 = vector.shape_cast %get3A_1559 : vector<1x1x16xf32> to vector<16xf32>
      %sub3A_1561 = arith.subf %get3A_1560, %get3A_74 : vector<16xf32>
      %mul3A_1562 = arith.mulf %sub3A_1561, %sub3A_1561 : vector<16xf32>
      %add3A_1563 = arith.addf %add3A_1555, %mul3A_1562 : vector<16xf32>
      %get3A_1564 = arith.index_cast %shift_right_arithmetic3A_143 : i32 to index
      %get3A_1565 = arith.index_cast %add3A_1468 : i32 to index
      %get3A_1566 = arith.constant 192 : index
      %get3A_1567 = tpu.vector_load %arg6[%get3A_1564, %get3A_1565, %get3A_1566] {strides = array<i32>} : memref<1x64x256xf32, #tpu.memory_space<vmem>>, vector<1x1x16xf32>,
      %get3A_1568 = vector.shape_cast %get3A_1567 : vector<1x1x16xf32> to vector<16xf32>
      %sub3A_1569 = arith.subf %get3A_1568, %get3A_77 : vector<16xf32>
      %mul3A_1570 = arith.mulf %sub3A_1569, %sub3A_1569 : vector<16xf32>
      %add3A_1571 = arith.addf %add3A_1563, %mul3A_1570 : vector<16xf32>
      %get3A_1572 = arith.index_cast %shift_right_arithmetic3A_143 : i32 to index
      %get3A_1573 = arith.index_cast %add3A_1468 : i32 to index
      %get3A_1574 = arith.constant 208 : index
      %get3A_1575 = tpu.vector_load %arg6[%get3A_1572, %get3A_1573, %get3A_1574] {strides = array<i32>} : memref<1x64x256xf32, #tpu.memory_space<vmem>>, vector<1x1x16xf32>,
      %get3A_1576 = vector.shape_cast %get3A_1575 : vector<1x1x16xf32> to vector<16xf32>
      %sub3A_1577 = arith.subf %get3A_1576, %get3A_80 : vector<16xf32>
      %mul3A_1578 = arith.mulf %sub3A_1577, %sub3A_1577 : vector<16xf32>
      %add3A_1579 = arith.addf %add3A_1571, %mul3A_1578 : vector<16xf32>
      %get3A_1580 = arith.index_cast %shift_right_arithmetic3A_143 : i32 to index
      %get3A_1581 = arith.index_cast %add3A_1468 : i32 to index
      %get3A_1582 = arith.constant 224 : index
      %get3A_1583 = tpu.vector_load %arg6[%get3A_1580, %get3A_1581, %get3A_1582] {strides = array<i32>} : memref<1x64x256xf32, #tpu.memory_space<vmem>>, vector<1x1x16xf32>,
      %get3A_1584 = vector.shape_cast %get3A_1583 : vector<1x1x16xf32> to vector<16xf32>
      %sub3A_1585 = arith.subf %get3A_1584, %get3A_83 : vector<16xf32>
      %mul3A_1586 = arith.mulf %sub3A_1585, %sub3A_1585 : vector<16xf32>
      %add3A_1587 = arith.addf %add3A_1579, %mul3A_1586 : vector<16xf32>
      %get3A_1588 = arith.index_cast %shift_right_arithmetic3A_143 : i32 to index
      %get3A_1589 = arith.index_cast %add3A_1468 : i32 to index
      %get3A_1590 = arith.constant 240 : index
      %get3A_1591 = tpu.vector_load %arg6[%get3A_1588, %get3A_1589, %get3A_1590] {strides = array<i32>} : memref<1x64x256xf32, #tpu.memory_space<vmem>>, vector<1x1x16xf32>,
      %get3A_1592 = vector.shape_cast %get3A_1591 : vector<1x1x16xf32> to vector<16xf32>
      %sub3A_1593 = arith.subf %get3A_1592, %get3A_86 : vector<16xf32>
      %mul3A_1594 = arith.mulf %sub3A_1593, %sub3A_1593 : vector<16xf32>
      %add3A_1595 = arith.addf %add3A_1587, %mul3A_1594 : vector<16xf32>
      %lt3A_1596 = arith.constant 0 : i32
      %lt3A_1597 = vector.broadcast %lt3A_1596 : i32 to vector<16xi32>
      %lt3A_1598 = arith.cmpi slt, %xor3A_110, %lt3A_1597 : vector<16xi32>
      %add3A_1599 = arith.constant 16 : i32
      %add3A_1600 = vector.broadcast %add3A_1599 : i32 to vector<16xi32>
      %add3A_1601 = arith.addi %xor3A_110, %add3A_1600 : vector<16xi32>
      %select_n3A_1602 = arith.select %lt3A_1598, %add3A_1601, %xor3A_110 : vector<16xi1>, vector<16xi32>
      %broadcast_in_dim3A_1603 = vector.shape_cast %select_n3A_1602 : vector<16xi32> to vector<16x1xi32>
      %gather3A_1604 = vector.shape_cast %broadcast_in_dim3A_1603 : vector<16x1xi32> to vector<16xi32>
      %gather3A_1605 = tpu.dynamic_gather %add3A_1595[%gather3A_1604] in [0] : vector<16xf32>, vector<16xi32> -> vector<16xf32>
      %select_n3A_1606 = arith.select %eq3A_90, %add3A_1466, %gather3A_1605 : vector<16xi1>, vector<16xf32>
      %lt3A_1607 = arith.constant 0 : i32
      %lt3A_1608 = vector.broadcast %lt3A_1607 : i32 to vector<16xi32>
      %lt3A_1609 = arith.cmpi slt, %xor3A_110, %lt3A_1608 : vector<16xi32>
      %add3A_1610 = arith.constant 16 : i32
      %add3A_1611 = vector.broadcast %add3A_1610 : i32 to vector<16xi32>
      %add3A_1612 = arith.addi %xor3A_110, %add3A_1611 : vector<16xi32>
      %select_n3A_1613 = arith.select %lt3A_1609, %add3A_1612, %xor3A_110 : vector<16xi1>, vector<16xi32>
      %broadcast_in_dim3A_1614 = vector.shape_cast %select_n3A_1613 : vector<16xi32> to vector<16x1xi32>
      %gather3A_1615 = vector.shape_cast %broadcast_in_dim3A_1614 : vector<16x1xi32> to vector<16xi32>
      %gather3A_1616 = tpu.dynamic_gather %add3A_1466[%gather3A_1615] in [0] : vector<16xf32>, vector<16xi32> -> vector<16xf32>
      %select_n3A_1617 = arith.select %eq3A_90, %gather3A_1616, %add3A_1595 : vector<16xi1>, vector<16xf32>
      %add3A_1618 = arith.addf %select_n3A_1606, %select_n3A_1617 : vector<16xf32>
      %add3A_1619 = arith.constant 5 : i32
      %add3A_1620 = arith.addi %shift_left3A_146, %add3A_1619 : i32
      %get3A_1621 = arith.index_cast %shift_right_arithmetic3A_143 : i32 to index
      %get3A_1622 = arith.index_cast %add3A_1620 : i32 to index
      %get3A_1623 = arith.constant 0 : index
      %get3A_1624 = tpu.vector_load %arg6[%get3A_1621, %get3A_1622, %get3A_1623] {strides = array<i32>} : memref<1x64x256xf32, #tpu.memory_space<vmem>>, vector<1x1x16xf32>,
      %get3A_1625 = vector.shape_cast %get3A_1624 : vector<1x1x16xf32> to vector<16xf32>
      %sub3A_1626 = arith.subf %get3A_1625, %get3A_41 : vector<16xf32>
      %mul3A_1627 = arith.mulf %sub3A_1626, %sub3A_1626 : vector<16xf32>
      %get3A_1628 = arith.index_cast %shift_right_arithmetic3A_143 : i32 to index
      %get3A_1629 = arith.index_cast %add3A_1620 : i32 to index
      %get3A_1630 = arith.constant 16 : index
      %get3A_1631 = tpu.vector_load %arg6[%get3A_1628, %get3A_1629, %get3A_1630] {strides = array<i32>} : memref<1x64x256xf32, #tpu.memory_space<vmem>>, vector<1x1x16xf32>,
      %get3A_1632 = vector.shape_cast %get3A_1631 : vector<1x1x16xf32> to vector<16xf32>
      %sub3A_1633 = arith.subf %get3A_1632, %get3A_44 : vector<16xf32>
      %mul3A_1634 = arith.mulf %sub3A_1633, %sub3A_1633 : vector<16xf32>
      %add3A_1635 = arith.addf %mul3A_1627, %mul3A_1634 : vector<16xf32>
      %get3A_1636 = arith.index_cast %shift_right_arithmetic3A_143 : i32 to index
      %get3A_1637 = arith.index_cast %add3A_1620 : i32 to index
      %get3A_1638 = arith.constant 32 : index
      %get3A_1639 = tpu.vector_load %arg6[%get3A_1636, %get3A_1637, %get3A_1638] {strides = array<i32>} : memref<1x64x256xf32, #tpu.memory_space<vmem>>, vector<1x1x16xf32>,
      %get3A_1640 = vector.shape_cast %get3A_1639 : vector<1x1x16xf32> to vector<16xf32>
      %sub3A_1641 = arith.subf %get3A_1640, %get3A_47 : vector<16xf32>
      %mul3A_1642 = arith.mulf %sub3A_1641, %sub3A_1641 : vector<16xf32>
      %add3A_1643 = arith.addf %add3A_1635, %mul3A_1642 : vector<16xf32>
      %get3A_1644 = arith.index_cast %shift_right_arithmetic3A_143 : i32 to index
      %get3A_1645 = arith.index_cast %add3A_1620 : i32 to index
      %get3A_1646 = arith.constant 48 : index
      %get3A_1647 = tpu.vector_load %arg6[%get3A_1644, %get3A_1645, %get3A_1646] {strides = array<i32>} : memref<1x64x256xf32, #tpu.memory_space<vmem>>, vector<1x1x16xf32>,
      %get3A_1648 = vector.shape_cast %get3A_1647 : vector<1x1x16xf32> to vector<16xf32>
      %sub3A_1649 = arith.subf %get3A_1648, %get3A_50 : vector<16xf32>
      %mul3A_1650 = arith.mulf %sub3A_1649, %sub3A_1649 : vector<16xf32>
      %add3A_1651 = arith.addf %add3A_1643, %mul3A_1650 : vector<16xf32>
      %get3A_1652 = arith.index_cast %shift_right_arithmetic3A_143 : i32 to index
      %get3A_1653 = arith.index_cast %add3A_1620 : i32 to index
      %get3A_1654 = arith.constant 64 : index
      %get3A_1655 = tpu.vector_load %arg6[%get3A_1652, %get3A_1653, %get3A_1654] {strides = array<i32>} : memref<1x64x256xf32, #tpu.memory_space<vmem>>, vector<1x1x16xf32>,
      %get3A_1656 = vector.shape_cast %get3A_1655 : vector<1x1x16xf32> to vector<16xf32>
      %sub3A_1657 = arith.subf %get3A_1656, %get3A_53 : vector<16xf32>
      %mul3A_1658 = arith.mulf %sub3A_1657, %sub3A_1657 : vector<16xf32>
      %add3A_1659 = arith.addf %add3A_1651, %mul3A_1658 : vector<16xf32>
      %get3A_1660 = arith.index_cast %shift_right_arithmetic3A_143 : i32 to index
      %get3A_1661 = arith.index_cast %add3A_1620 : i32 to index
      %get3A_1662 = arith.constant 80 : index
      %get3A_1663 = tpu.vector_load %arg6[%get3A_1660, %get3A_1661, %get3A_1662] {strides = array<i32>} : memref<1x64x256xf32, #tpu.memory_space<vmem>>, vector<1x1x16xf32>,
      %get3A_1664 = vector.shape_cast %get3A_1663 : vector<1x1x16xf32> to vector<16xf32>
      %sub3A_1665 = arith.subf %get3A_1664, %get3A_56 : vector<16xf32>
      %mul3A_1666 = arith.mulf %sub3A_1665, %sub3A_1665 : vector<16xf32>
      %add3A_1667 = arith.addf %add3A_1659, %mul3A_1666 : vector<16xf32>
      %get3A_1668 = arith.index_cast %shift_right_arithmetic3A_143 : i32 to index
      %get3A_1669 = arith.index_cast %add3A_1620 : i32 to index
      %get3A_1670 = arith.constant 96 : index
      %get3A_1671 = tpu.vector_load %arg6[%get3A_1668, %get3A_1669, %get3A_1670] {strides = array<i32>} : memref<1x64x256xf32, #tpu.memory_space<vmem>>, vector<1x1x16xf32>,
      %get3A_1672 = vector.shape_cast %get3A_1671 : vector<1x1x16xf32> to vector<16xf32>
      %sub3A_1673 = arith.subf %get3A_1672, %get3A_59 : vector<16xf32>
      %mul3A_1674 = arith.mulf %sub3A_1673, %sub3A_1673 : vector<16xf32>
      %add3A_1675 = arith.addf %add3A_1667, %mul3A_1674 : vector<16xf32>
      %get3A_1676 = arith.index_cast %shift_right_arithmetic3A_143 : i32 to index
      %get3A_1677 = arith.index_cast %add3A_1620 : i32 to index
      %get3A_1678 = arith.constant 112 : index
      %get3A_1679 = tpu.vector_load %arg6[%get3A_1676, %get3A_1677, %get3A_1678] {strides = array<i32>} : memref<1x64x256xf32, #tpu.memory_space<vmem>>, vector<1x1x16xf32>,
      %get3A_1680 = vector.shape_cast %get3A_1679 : vector<1x1x16xf32> to vector<16xf32>
      %sub3A_1681 = arith.subf %get3A_1680, %get3A_62 : vector<16xf32>
      %mul3A_1682 = arith.mulf %sub3A_1681, %sub3A_1681 : vector<16xf32>
      %add3A_1683 = arith.addf %add3A_1675, %mul3A_1682 : vector<16xf32>
      %get3A_1684 = arith.index_cast %shift_right_arithmetic3A_143 : i32 to index
      %get3A_1685 = arith.index_cast %add3A_1620 : i32 to index
      %get3A_1686 = arith.constant 128 : index
      %get3A_1687 = tpu.vector_load %arg6[%get3A_1684, %get3A_1685, %get3A_1686] {strides = array<i32>} : memref<1x64x256xf32, #tpu.memory_space<vmem>>, vector<1x1x16xf32>,
      %get3A_1688 = vector.shape_cast %get3A_1687 : vector<1x1x16xf32> to vector<16xf32>
      %sub3A_1689 = arith.subf %get3A_1688, %get3A_65 : vector<16xf32>
      %mul3A_1690 = arith.mulf %sub3A_1689, %sub3A_1689 : vector<16xf32>
      %add3A_1691 = arith.addf %add3A_1683, %mul3A_1690 : vector<16xf32>
      %get3A_1692 = arith.index_cast %shift_right_arithmetic3A_143 : i32 to index
      %get3A_1693 = arith.index_cast %add3A_1620 : i32 to index
      %get3A_1694 = arith.constant 144 : index
      %get3A_1695 = tpu.vector_load %arg6[%get3A_1692, %get3A_1693, %get3A_1694] {strides = array<i32>} : memref<1x64x256xf32, #tpu.memory_space<vmem>>, vector<1x1x16xf32>,
      %get3A_1696 = vector.shape_cast %get3A_1695 : vector<1x1x16xf32> to vector<16xf32>
      %sub3A_1697 = arith.subf %get3A_1696, %get3A_68 : vector<16xf32>
      %mul3A_1698 = arith.mulf %sub3A_1697, %sub3A_1697 : vector<16xf32>
      %add3A_1699 = arith.addf %add3A_1691, %mul3A_1698 : vector<16xf32>
      %get3A_1700 = arith.index_cast %shift_right_arithmetic3A_143 : i32 to index
      %get3A_1701 = arith.index_cast %add3A_1620 : i32 to index
      %get3A_1702 = arith.constant 160 : index
      %get3A_1703 = tpu.vector_load %arg6[%get3A_1700, %get3A_1701, %get3A_1702] {strides = array<i32>} : memref<1x64x256xf32, #tpu.memory_space<vmem>>, vector<1x1x16xf32>,
      %get3A_1704 = vector.shape_cast %get3A_1703 : vector<1x1x16xf32> to vector<16xf32>
      %sub3A_1705 = arith.subf %get3A_1704, %get3A_71 : vector<16xf32>
      %mul3A_1706 = arith.mulf %sub3A_1705, %sub3A_1705 : vector<16xf32>
      %add3A_1707 = arith.addf %add3A_1699, %mul3A_1706 : vector<16xf32>
      %get3A_1708 = arith.index_cast %shift_right_arithmetic3A_143 : i32 to index
      %get3A_1709 = arith.index_cast %add3A_1620 : i32 to index
      %get3A_1710 = arith.constant 176 : index
      %get3A_1711 = tpu.vector_load %arg6[%get3A_1708, %get3A_1709, %get3A_1710] {strides = array<i32>} : memref<1x64x256xf32, #tpu.memory_space<vmem>>, vector<1x1x16xf32>,
      %get3A_1712 = vector.shape_cast %get3A_1711 : vector<1x1x16xf32> to vector<16xf32>
      %sub3A_1713 = arith.subf %get3A_1712, %get3A_74 : vector<16xf32>
      %mul3A_1714 = arith.mulf %sub3A_1713, %sub3A_1713 : vector<16xf32>
      %add3A_1715 = arith.addf %add3A_1707, %mul3A_1714 : vector<16xf32>
      %get3A_1716 = arith.index_cast %shift_right_arithmetic3A_143 : i32 to index
      %get3A_1717 = arith.index_cast %add3A_1620 : i32 to index
      %get3A_1718 = arith.constant 192 : index
      %get3A_1719 = tpu.vector_load %arg6[%get3A_1716, %get3A_1717, %get3A_1718] {strides = array<i32>} : memref<1x64x256xf32, #tpu.memory_space<vmem>>, vector<1x1x16xf32>,
      %get3A_1720 = vector.shape_cast %get3A_1719 : vector<1x1x16xf32> to vector<16xf32>
      %sub3A_1721 = arith.subf %get3A_1720, %get3A_77 : vector<16xf32>
      %mul3A_1722 = arith.mulf %sub3A_1721, %sub3A_1721 : vector<16xf32>
      %add3A_1723 = arith.addf %add3A_1715, %mul3A_1722 : vector<16xf32>
      %get3A_1724 = arith.index_cast %shift_right_arithmetic3A_143 : i32 to index
      %get3A_1725 = arith.index_cast %add3A_1620 : i32 to index
      %get3A_1726 = arith.constant 208 : index
      %get3A_1727 = tpu.vector_load %arg6[%get3A_1724, %get3A_1725, %get3A_1726] {strides = array<i32>} : memref<1x64x256xf32, #tpu.memory_space<vmem>>, vector<1x1x16xf32>,
      %get3A_1728 = vector.shape_cast %get3A_1727 : vector<1x1x16xf32> to vector<16xf32>
      %sub3A_1729 = arith.subf %get3A_1728, %get3A_80 : vector<16xf32>
      %mul3A_1730 = arith.mulf %sub3A_1729, %sub3A_1729 : vector<16xf32>
      %add3A_1731 = arith.addf %add3A_1723, %mul3A_1730 : vector<16xf32>
      %get3A_1732 = arith.index_cast %shift_right_arithmetic3A_143 : i32 to index
      %get3A_1733 = arith.index_cast %add3A_1620 : i32 to index
      %get3A_1734 = arith.constant 224 : index
      %get3A_1735 = tpu.vector_load %arg6[%get3A_1732, %get3A_1733, %get3A_1734] {strides = array<i32>} : memref<1x64x256xf32, #tpu.memory_space<vmem>>, vector<1x1x16xf32>,
      %get3A_1736 = vector.shape_cast %get3A_1735 : vector<1x1x16xf32> to vector<16xf32>
      %sub3A_1737 = arith.subf %get3A_1736, %get3A_83 : vector<16xf32>
      %mul3A_1738 = arith.mulf %sub3A_1737, %sub3A_1737 : vector<16xf32>
      %add3A_1739 = arith.addf %add3A_1731, %mul3A_1738 : vector<16xf32>
      %get3A_1740 = arith.index_cast %shift_right_arithmetic3A_143 : i32 to index
      %get3A_1741 = arith.index_cast %add3A_1620 : i32 to index
      %get3A_1742 = arith.constant 240 : index
      %get3A_1743 = tpu.vector_load %arg6[%get3A_1740, %get3A_1741, %get3A_1742] {strides = array<i32>} : memref<1x64x256xf32, #tpu.memory_space<vmem>>, vector<1x1x16xf32>,
      %get3A_1744 = vector.shape_cast %get3A_1743 : vector<1x1x16xf32> to vector<16xf32>
      %sub3A_1745 = arith.subf %get3A_1744, %get3A_86 : vector<16xf32>
      %mul3A_1746 = arith.mulf %sub3A_1745, %sub3A_1745 : vector<16xf32>
      %add3A_1747 = arith.addf %add3A_1739, %mul3A_1746 : vector<16xf32>
      %add3A_1748 = arith.constant 13 : i32
      %add3A_1749 = arith.addi %shift_left3A_146, %add3A_1748 : i32
      %get3A_1750 = arith.index_cast %shift_right_arithmetic3A_143 : i32 to index
      %get3A_1751 = arith.index_cast %add3A_1749 : i32 to index
      %get3A_1752 = arith.constant 0 : index
      %get3A_1753 = tpu.vector_load %arg6[%get3A_1750, %get3A_1751, %get3A_1752] {strides = array<i32>} : memref<1x64x256xf32, #tpu.memory_space<vmem>>, vector<1x1x16xf32>,
      %get3A_1754 = vector.shape_cast %get3A_1753 : vector<1x1x16xf32> to vector<16xf32>
      %sub3A_1755 = arith.subf %get3A_1754, %get3A_41 : vector<16xf32>
      %mul3A_1756 = arith.mulf %sub3A_1755, %sub3A_1755 : vector<16xf32>
      %get3A_1757 = arith.index_cast %shift_right_arithmetic3A_143 : i32 to index
      %get3A_1758 = arith.index_cast %add3A_1749 : i32 to index
      %get3A_1759 = arith.constant 16 : index
      %get3A_1760 = tpu.vector_load %arg6[%get3A_1757, %get3A_1758, %get3A_1759] {strides = array<i32>} : memref<1x64x256xf32, #tpu.memory_space<vmem>>, vector<1x1x16xf32>,
      %get3A_1761 = vector.shape_cast %get3A_1760 : vector<1x1x16xf32> to vector<16xf32>
      %sub3A_1762 = arith.subf %get3A_1761, %get3A_44 : vector<16xf32>
      %mul3A_1763 = arith.mulf %sub3A_1762, %sub3A_1762 : vector<16xf32>
      %add3A_1764 = arith.addf %mul3A_1756, %mul3A_1763 : vector<16xf32>
      %get3A_1765 = arith.index_cast %shift_right_arithmetic3A_143 : i32 to index
      %get3A_1766 = arith.index_cast %add3A_1749 : i32 to index
      %get3A_1767 = arith.constant 32 : index
      %get3A_1768 = tpu.vector_load %arg6[%get3A_1765, %get3A_1766, %get3A_1767] {strides = array<i32>} : memref<1x64x256xf32, #tpu.memory_space<vmem>>, vector<1x1x16xf32>,
      %get3A_1769 = vector.shape_cast %get3A_1768 : vector<1x1x16xf32> to vector<16xf32>
      %sub3A_1770 = arith.subf %get3A_1769, %get3A_47 : vector<16xf32>
      %mul3A_1771 = arith.mulf %sub3A_1770, %sub3A_1770 : vector<16xf32>
      %add3A_1772 = arith.addf %add3A_1764, %mul3A_1771 : vector<16xf32>
      %get3A_1773 = arith.index_cast %shift_right_arithmetic3A_143 : i32 to index
      %get3A_1774 = arith.index_cast %add3A_1749 : i32 to index
      %get3A_1775 = arith.constant 48 : index
      %get3A_1776 = tpu.vector_load %arg6[%get3A_1773, %get3A_1774, %get3A_1775] {strides = array<i32>} : memref<1x64x256xf32, #tpu.memory_space<vmem>>, vector<1x1x16xf32>,
      %get3A_1777 = vector.shape_cast %get3A_1776 : vector<1x1x16xf32> to vector<16xf32>
      %sub3A_1778 = arith.subf %get3A_1777, %get3A_50 : vector<16xf32>
      %mul3A_1779 = arith.mulf %sub3A_1778, %sub3A_1778 : vector<16xf32>
      %add3A_1780 = arith.addf %add3A_1772, %mul3A_1779 : vector<16xf32>
      %get3A_1781 = arith.index_cast %shift_right_arithmetic3A_143 : i32 to index
      %get3A_1782 = arith.index_cast %add3A_1749 : i32 to index
      %get3A_1783 = arith.constant 64 : index
      %get3A_1784 = tpu.vector_load %arg6[%get3A_1781, %get3A_1782, %get3A_1783] {strides = array<i32>} : memref<1x64x256xf32, #tpu.memory_space<vmem>>, vector<1x1x16xf32>,
      %get3A_1785 = vector.shape_cast %get3A_1784 : vector<1x1x16xf32> to vector<16xf32>
      %sub3A_1786 = arith.subf %get3A_1785, %get3A_53 : vector<16xf32>
      %mul3A_1787 = arith.mulf %sub3A_1786, %sub3A_1786 : vector<16xf32>
      %add3A_1788 = arith.addf %add3A_1780, %mul3A_1787 : vector<16xf32>
      %get3A_1789 = arith.index_cast %shift_right_arithmetic3A_143 : i32 to index
      %get3A_1790 = arith.index_cast %add3A_1749 : i32 to index
      %get3A_1791 = arith.constant 80 : index
      %get3A_1792 = tpu.vector_load %arg6[%get3A_1789, %get3A_1790, %get3A_1791] {strides = array<i32>} : memref<1x64x256xf32, #tpu.memory_space<vmem>>, vector<1x1x16xf32>,
      %get3A_1793 = vector.shape_cast %get3A_1792 : vector<1x1x16xf32> to vector<16xf32>
      %sub3A_1794 = arith.subf %get3A_1793, %get3A_56 : vector<16xf32>
      %mul3A_1795 = arith.mulf %sub3A_1794, %sub3A_1794 : vector<16xf32>
      %add3A_1796 = arith.addf %add3A_1788, %mul3A_1795 : vector<16xf32>
      %get3A_1797 = arith.index_cast %shift_right_arithmetic3A_143 : i32 to index
      %get3A_1798 = arith.index_cast %add3A_1749 : i32 to index
      %get3A_1799 = arith.constant 96 : index
      %get3A_1800 = tpu.vector_load %arg6[%get3A_1797, %get3A_1798, %get3A_1799] {strides = array<i32>} : memref<1x64x256xf32, #tpu.memory_space<vmem>>, vector<1x1x16xf32>,
      %get3A_1801 = vector.shape_cast %get3A_1800 : vector<1x1x16xf32> to vector<16xf32>
      %sub3A_1802 = arith.subf %get3A_1801, %get3A_59 : vector<16xf32>
      %mul3A_1803 = arith.mulf %sub3A_1802, %sub3A_1802 : vector<16xf32>
      %add3A_1804 = arith.addf %add3A_1796, %mul3A_1803 : vector<16xf32>
      %get3A_1805 = arith.index_cast %shift_right_arithmetic3A_143 : i32 to index
      %get3A_1806 = arith.index_cast %add3A_1749 : i32 to index
      %get3A_1807 = arith.constant 112 : index
      %get3A_1808 = tpu.vector_load %arg6[%get3A_1805, %get3A_1806, %get3A_1807] {strides = array<i32>} : memref<1x64x256xf32, #tpu.memory_space<vmem>>, vector<1x1x16xf32>,
      %get3A_1809 = vector.shape_cast %get3A_1808 : vector<1x1x16xf32> to vector<16xf32>
      %sub3A_1810 = arith.subf %get3A_1809, %get3A_62 : vector<16xf32>
      %mul3A_1811 = arith.mulf %sub3A_1810, %sub3A_1810 : vector<16xf32>
      %add3A_1812 = arith.addf %add3A_1804, %mul3A_1811 : vector<16xf32>
      %get3A_1813 = arith.index_cast %shift_right_arithmetic3A_143 : i32 to index
      %get3A_1814 = arith.index_cast %add3A_1749 : i32 to index
      %get3A_1815 = arith.constant 128 : index
      %get3A_1816 = tpu.vector_load %arg6[%get3A_1813, %get3A_1814, %get3A_1815] {strides = array<i32>} : memref<1x64x256xf32, #tpu.memory_space<vmem>>, vector<1x1x16xf32>,
      %get3A_1817 = vector.shape_cast %get3A_1816 : vector<1x1x16xf32> to vector<16xf32>
      %sub3A_1818 = arith.subf %get3A_1817, %get3A_65 : vector<16xf32>
      %mul3A_1819 = arith.mulf %sub3A_1818, %sub3A_1818 : vector<16xf32>
      %add3A_1820 = arith.addf %add3A_1812, %mul3A_1819 : vector<16xf32>
      %get3A_1821 = arith.index_cast %shift_right_arithmetic3A_143 : i32 to index
      %get3A_1822 = arith.index_cast %add3A_1749 : i32 to index
      %get3A_1823 = arith.constant 144 : index
      %get3A_1824 = tpu.vector_load %arg6[%get3A_1821, %get3A_1822, %get3A_1823] {strides = array<i32>} : memref<1x64x256xf32, #tpu.memory_space<vmem>>, vector<1x1x16xf32>,
      %get3A_1825 = vector.shape_cast %get3A_1824 : vector<1x1x16xf32> to vector<16xf32>
      %sub3A_1826 = arith.subf %get3A_1825, %get3A_68 : vector<16xf32>
      %mul3A_1827 = arith.mulf %sub3A_1826, %sub3A_1826 : vector<16xf32>
      %add3A_1828 = arith.addf %add3A_1820, %mul3A_1827 : vector<16xf32>
      %get3A_1829 = arith.index_cast %shift_right_arithmetic3A_143 : i32 to index
      %get3A_1830 = arith.index_cast %add3A_1749 : i32 to index
      %get3A_1831 = arith.constant 160 : index
      %get3A_1832 = tpu.vector_load %arg6[%get3A_1829, %get3A_1830, %get3A_1831] {strides = array<i32>} : memref<1x64x256xf32, #tpu.memory_space<vmem>>, vector<1x1x16xf32>,
      %get3A_1833 = vector.shape_cast %get3A_1832 : vector<1x1x16xf32> to vector<16xf32>
      %sub3A_1834 = arith.subf %get3A_1833, %get3A_71 : vector<16xf32>
      %mul3A_1835 = arith.mulf %sub3A_1834, %sub3A_1834 : vector<16xf32>
      %add3A_1836 = arith.addf %add3A_1828, %mul3A_1835 : vector<16xf32>
      %get3A_1837 = arith.index_cast %shift_right_arithmetic3A_143 : i32 to index
      %get3A_1838 = arith.index_cast %add3A_1749 : i32 to index
      %get3A_1839 = arith.constant 176 : index
      %get3A_1840 = tpu.vector_load %arg6[%get3A_1837, %get3A_1838, %get3A_1839] {strides = array<i32>} : memref<1x64x256xf32, #tpu.memory_space<vmem>>, vector<1x1x16xf32>,
      %get3A_1841 = vector.shape_cast %get3A_1840 : vector<1x1x16xf32> to vector<16xf32>
      %sub3A_1842 = arith.subf %get3A_1841, %get3A_74 : vector<16xf32>
      %mul3A_1843 = arith.mulf %sub3A_1842, %sub3A_1842 : vector<16xf32>
      %add3A_1844 = arith.addf %add3A_1836, %mul3A_1843 : vector<16xf32>
      %get3A_1845 = arith.index_cast %shift_right_arithmetic3A_143 : i32 to index
      %get3A_1846 = arith.index_cast %add3A_1749 : i32 to index
      %get3A_1847 = arith.constant 192 : index
      %get3A_1848 = tpu.vector_load %arg6[%get3A_1845, %get3A_1846, %get3A_1847] {strides = array<i32>} : memref<1x64x256xf32, #tpu.memory_space<vmem>>, vector<1x1x16xf32>,
      %get3A_1849 = vector.shape_cast %get3A_1848 : vector<1x1x16xf32> to vector<16xf32>
      %sub3A_1850 = arith.subf %get3A_1849, %get3A_77 : vector<16xf32>
      %mul3A_1851 = arith.mulf %sub3A_1850, %sub3A_1850 : vector<16xf32>
      %add3A_1852 = arith.addf %add3A_1844, %mul3A_1851 : vector<16xf32>
      %get3A_1853 = arith.index_cast %shift_right_arithmetic3A_143 : i32 to index
      %get3A_1854 = arith.index_cast %add3A_1749 : i32 to index
      %get3A_1855 = arith.constant 208 : index
      %get3A_1856 = tpu.vector_load %arg6[%get3A_1853, %get3A_1854, %get3A_1855] {strides = array<i32>} : memref<1x64x256xf32, #tpu.memory_space<vmem>>, vector<1x1x16xf32>,
      %get3A_1857 = vector.shape_cast %get3A_1856 : vector<1x1x16xf32> to vector<16xf32>
      %sub3A_1858 = arith.subf %get3A_1857, %get3A_80 : vector<16xf32>
      %mul3A_1859 = arith.mulf %sub3A_1858, %sub3A_1858 : vector<16xf32>
      %add3A_1860 = arith.addf %add3A_1852, %mul3A_1859 : vector<16xf32>
      %get3A_1861 = arith.index_cast %shift_right_arithmetic3A_143 : i32 to index
      %get3A_1862 = arith.index_cast %add3A_1749 : i32 to index
      %get3A_1863 = arith.constant 224 : index
      %get3A_1864 = tpu.vector_load %arg6[%get3A_1861, %get3A_1862, %get3A_1863] {strides = array<i32>} : memref<1x64x256xf32, #tpu.memory_space<vmem>>, vector<1x1x16xf32>,
      %get3A_1865 = vector.shape_cast %get3A_1864 : vector<1x1x16xf32> to vector<16xf32>
      %sub3A_1866 = arith.subf %get3A_1865, %get3A_83 : vector<16xf32>
      %mul3A_1867 = arith.mulf %sub3A_1866, %sub3A_1866 : vector<16xf32>
      %add3A_1868 = arith.addf %add3A_1860, %mul3A_1867 : vector<16xf32>
      %get3A_1869 = arith.index_cast %shift_right_arithmetic3A_143 : i32 to index
      %get3A_1870 = arith.index_cast %add3A_1749 : i32 to index
      %get3A_1871 = arith.constant 240 : index
      %get3A_1872 = tpu.vector_load %arg6[%get3A_1869, %get3A_1870, %get3A_1871] {strides = array<i32>} : memref<1x64x256xf32, #tpu.memory_space<vmem>>, vector<1x1x16xf32>,
      %get3A_1873 = vector.shape_cast %get3A_1872 : vector<1x1x16xf32> to vector<16xf32>
      %sub3A_1874 = arith.subf %get3A_1873, %get3A_86 : vector<16xf32>
      %mul3A_1875 = arith.mulf %sub3A_1874, %sub3A_1874 : vector<16xf32>
      %add3A_1876 = arith.addf %add3A_1868, %mul3A_1875 : vector<16xf32>
      %lt3A_1877 = arith.constant 0 : i32
      %lt3A_1878 = vector.broadcast %lt3A_1877 : i32 to vector<16xi32>
      %lt3A_1879 = arith.cmpi slt, %xor3A_110, %lt3A_1878 : vector<16xi32>
      %add3A_1880 = arith.constant 16 : i32
      %add3A_1881 = vector.broadcast %add3A_1880 : i32 to vector<16xi32>
      %add3A_1882 = arith.addi %xor3A_110, %add3A_1881 : vector<16xi32>
      %select_n3A_1883 = arith.select %lt3A_1879, %add3A_1882, %xor3A_110 : vector<16xi1>, vector<16xi32>
      %broadcast_in_dim3A_1884 = vector.shape_cast %select_n3A_1883 : vector<16xi32> to vector<16x1xi32>
      %gather3A_1885 = vector.shape_cast %broadcast_in_dim3A_1884 : vector<16x1xi32> to vector<16xi32>
      %gather3A_1886 = tpu.dynamic_gather %add3A_1876[%gather3A_1885] in [0] : vector<16xf32>, vector<16xi32> -> vector<16xf32>
      %select_n3A_1887 = arith.select %eq3A_90, %add3A_1747, %gather3A_1886 : vector<16xi1>, vector<16xf32>
      %lt3A_1888 = arith.constant 0 : i32
      %lt3A_1889 = vector.broadcast %lt3A_1888 : i32 to vector<16xi32>
      %lt3A_1890 = arith.cmpi slt, %xor3A_110, %lt3A_1889 : vector<16xi32>
      %add3A_1891 = arith.constant 16 : i32
      %add3A_1892 = vector.broadcast %add3A_1891 : i32 to vector<16xi32>
      %add3A_1893 = arith.addi %xor3A_110, %add3A_1892 : vector<16xi32>
      %select_n3A_1894 = arith.select %lt3A_1890, %add3A_1893, %xor3A_110 : vector<16xi1>, vector<16xi32>
      %broadcast_in_dim3A_1895 = vector.shape_cast %select_n3A_1894 : vector<16xi32> to vector<16x1xi32>
      %gather3A_1896 = vector.shape_cast %broadcast_in_dim3A_1895 : vector<16x1xi32> to vector<16xi32>
      %gather3A_1897 = tpu.dynamic_gather %add3A_1747[%gather3A_1896] in [0] : vector<16xf32>, vector<16xi32> -> vector<16xf32>
      %select_n3A_1898 = arith.select %eq3A_90, %gather3A_1897, %add3A_1876 : vector<16xi1>, vector<16xf32>
      %add3A_1899 = arith.addf %select_n3A_1887, %select_n3A_1898 : vector<16xf32>
      %lt3A_1900 = arith.constant 0 : i32
      %lt3A_1901 = vector.broadcast %lt3A_1900 : i32 to vector<16xi32>
      %lt3A_1902 = arith.cmpi slt, %xor3A_113, %lt3A_1901 : vector<16xi32>
      %add3A_1903 = arith.constant 16 : i32
      %add3A_1904 = vector.broadcast %add3A_1903 : i32 to vector<16xi32>
      %add3A_1905 = arith.addi %xor3A_113, %add3A_1904 : vector<16xi32>
      %select_n3A_1906 = arith.select %lt3A_1902, %add3A_1905, %xor3A_113 : vector<16xi1>, vector<16xi32>
      %broadcast_in_dim3A_1907 = vector.shape_cast %select_n3A_1906 : vector<16xi32> to vector<16x1xi32>
      %gather3A_1908 = vector.shape_cast %broadcast_in_dim3A_1907 : vector<16x1xi32> to vector<16xi32>
      %gather3A_1909 = tpu.dynamic_gather %add3A_1899[%gather3A_1908] in [0] : vector<16xf32>, vector<16xi32> -> vector<16xf32>
      %select_n3A_1910 = arith.select %eq3A_96, %add3A_1618, %gather3A_1909 : vector<16xi1>, vector<16xf32>
      %lt3A_1911 = arith.constant 0 : i32
      %lt3A_1912 = vector.broadcast %lt3A_1911 : i32 to vector<16xi32>
      %lt3A_1913 = arith.cmpi slt, %xor3A_113, %lt3A_1912 : vector<16xi32>
      %add3A_1914 = arith.constant 16 : i32
      %add3A_1915 = vector.broadcast %add3A_1914 : i32 to vector<16xi32>
      %add3A_1916 = arith.addi %xor3A_113, %add3A_1915 : vector<16xi32>
      %select_n3A_1917 = arith.select %lt3A_1913, %add3A_1916, %xor3A_113 : vector<16xi1>, vector<16xi32>
      %broadcast_in_dim3A_1918 = vector.shape_cast %select_n3A_1917 : vector<16xi32> to vector<16x1xi32>
      %gather3A_1919 = vector.shape_cast %broadcast_in_dim3A_1918 : vector<16x1xi32> to vector<16xi32>
      %gather3A_1920 = tpu.dynamic_gather %add3A_1618[%gather3A_1919] in [0] : vector<16xf32>, vector<16xi32> -> vector<16xf32>
      %select_n3A_1921 = arith.select %eq3A_96, %gather3A_1920, %add3A_1899 : vector<16xi1>, vector<16xf32>
      %add3A_1922 = arith.addf %select_n3A_1910, %select_n3A_1921 : vector<16xf32>
      %add3A_1923 = arith.constant 3 : i32
      %add3A_1924 = arith.addi %shift_left3A_146, %add3A_1923 : i32
      %get3A_1925 = arith.index_cast %shift_right_arithmetic3A_143 : i32 to index
      %get3A_1926 = arith.index_cast %add3A_1924 : i32 to index
      %get3A_1927 = arith.constant 0 : index
      %get3A_1928 = tpu.vector_load %arg6[%get3A_1925, %get3A_1926, %get3A_1927] {strides = array<i32>} : memref<1x64x256xf32, #tpu.memory_space<vmem>>, vector<1x1x16xf32>,
      %get3A_1929 = vector.shape_cast %get3A_1928 : vector<1x1x16xf32> to vector<16xf32>
      %sub3A_1930 = arith.subf %get3A_1929, %get3A_41 : vector<16xf32>
      %mul3A_1931 = arith.mulf %sub3A_1930, %sub3A_1930 : vector<16xf32>
      %get3A_1932 = arith.index_cast %shift_right_arithmetic3A_143 : i32 to index
      %get3A_1933 = arith.index_cast %add3A_1924 : i32 to index
      %get3A_1934 = arith.constant 16 : index
      %get3A_1935 = tpu.vector_load %arg6[%get3A_1932, %get3A_1933, %get3A_1934] {strides = array<i32>} : memref<1x64x256xf32, #tpu.memory_space<vmem>>, vector<1x1x16xf32>,
      %get3A_1936 = vector.shape_cast %get3A_1935 : vector<1x1x16xf32> to vector<16xf32>
      %sub3A_1937 = arith.subf %get3A_1936, %get3A_44 : vector<16xf32>
      %mul3A_1938 = arith.mulf %sub3A_1937, %sub3A_1937 : vector<16xf32>
      %add3A_1939 = arith.addf %mul3A_1931, %mul3A_1938 : vector<16xf32>
      %get3A_1940 = arith.index_cast %shift_right_arithmetic3A_143 : i32 to index
      %get3A_1941 = arith.index_cast %add3A_1924 : i32 to index
      %get3A_1942 = arith.constant 32 : index
      %get3A_1943 = tpu.vector_load %arg6[%get3A_1940, %get3A_1941, %get3A_1942] {strides = array<i32>} : memref<1x64x256xf32, #tpu.memory_space<vmem>>, vector<1x1x16xf32>,
      %get3A_1944 = vector.shape_cast %get3A_1943 : vector<1x1x16xf32> to vector<16xf32>
      %sub3A_1945 = arith.subf %get3A_1944, %get3A_47 : vector<16xf32>
      %mul3A_1946 = arith.mulf %sub3A_1945, %sub3A_1945 : vector<16xf32>
      %add3A_1947 = arith.addf %add3A_1939, %mul3A_1946 : vector<16xf32>
      %get3A_1948 = arith.index_cast %shift_right_arithmetic3A_143 : i32 to index
      %get3A_1949 = arith.index_cast %add3A_1924 : i32 to index
      %get3A_1950 = arith.constant 48 : index
      %get3A_1951 = tpu.vector_load %arg6[%get3A_1948, %get3A_1949, %get3A_1950] {strides = array<i32>} : memref<1x64x256xf32, #tpu.memory_space<vmem>>, vector<1x1x16xf32>,
      %get3A_1952 = vector.shape_cast %get3A_1951 : vector<1x1x16xf32> to vector<16xf32>
      %sub3A_1953 = arith.subf %get3A_1952, %get3A_50 : vector<16xf32>
      %mul3A_1954 = arith.mulf %sub3A_1953, %sub3A_1953 : vector<16xf32>
      %add3A_1955 = arith.addf %add3A_1947, %mul3A_1954 : vector<16xf32>
      %get3A_1956 = arith.index_cast %shift_right_arithmetic3A_143 : i32 to index
      %get3A_1957 = arith.index_cast %add3A_1924 : i32 to index
      %get3A_1958 = arith.constant 64 : index
      %get3A_1959 = tpu.vector_load %arg6[%get3A_1956, %get3A_1957, %get3A_1958] {strides = array<i32>} : memref<1x64x256xf32, #tpu.memory_space<vmem>>, vector<1x1x16xf32>,
      %get3A_1960 = vector.shape_cast %get3A_1959 : vector<1x1x16xf32> to vector<16xf32>
      %sub3A_1961 = arith.subf %get3A_1960, %get3A_53 : vector<16xf32>
      %mul3A_1962 = arith.mulf %sub3A_1961, %sub3A_1961 : vector<16xf32>
      %add3A_1963 = arith.addf %add3A_1955, %mul3A_1962 : vector<16xf32>
      %get3A_1964 = arith.index_cast %shift_right_arithmetic3A_143 : i32 to index
      %get3A_1965 = arith.index_cast %add3A_1924 : i32 to index
      %get3A_1966 = arith.constant 80 : index
      %get3A_1967 = tpu.vector_load %arg6[%get3A_1964, %get3A_1965, %get3A_1966] {strides = array<i32>} : memref<1x64x256xf32, #tpu.memory_space<vmem>>, vector<1x1x16xf32>,
      %get3A_1968 = vector.shape_cast %get3A_1967 : vector<1x1x16xf32> to vector<16xf32>
      %sub3A_1969 = arith.subf %get3A_1968, %get3A_56 : vector<16xf32>
      %mul3A_1970 = arith.mulf %sub3A_1969, %sub3A_1969 : vector<16xf32>
      %add3A_1971 = arith.addf %add3A_1963, %mul3A_1970 : vector<16xf32>
      %get3A_1972 = arith.index_cast %shift_right_arithmetic3A_143 : i32 to index
      %get3A_1973 = arith.index_cast %add3A_1924 : i32 to index
      %get3A_1974 = arith.constant 96 : index
      %get3A_1975 = tpu.vector_load %arg6[%get3A_1972, %get3A_1973, %get3A_1974] {strides = array<i32>} : memref<1x64x256xf32, #tpu.memory_space<vmem>>, vector<1x1x16xf32>,
      %get3A_1976 = vector.shape_cast %get3A_1975 : vector<1x1x16xf32> to vector<16xf32>
      %sub3A_1977 = arith.subf %get3A_1976, %get3A_59 : vector<16xf32>
      %mul3A_1978 = arith.mulf %sub3A_1977, %sub3A_1977 : vector<16xf32>
      %add3A_1979 = arith.addf %add3A_1971, %mul3A_1978 : vector<16xf32>
      %get3A_1980 = arith.index_cast %shift_right_arithmetic3A_143 : i32 to index
      %get3A_1981 = arith.index_cast %add3A_1924 : i32 to index
      %get3A_1982 = arith.constant 112 : index
      %get3A_1983 = tpu.vector_load %arg6[%get3A_1980, %get3A_1981, %get3A_1982] {strides = array<i32>} : memref<1x64x256xf32, #tpu.memory_space<vmem>>, vector<1x1x16xf32>,
      %get3A_1984 = vector.shape_cast %get3A_1983 : vector<1x1x16xf32> to vector<16xf32>
      %sub3A_1985 = arith.subf %get3A_1984, %get3A_62 : vector<16xf32>
      %mul3A_1986 = arith.mulf %sub3A_1985, %sub3A_1985 : vector<16xf32>
      %add3A_1987 = arith.addf %add3A_1979, %mul3A_1986 : vector<16xf32>
      %get3A_1988 = arith.index_cast %shift_right_arithmetic3A_143 : i32 to index
      %get3A_1989 = arith.index_cast %add3A_1924 : i32 to index
      %get3A_1990 = arith.constant 128 : index
      %get3A_1991 = tpu.vector_load %arg6[%get3A_1988, %get3A_1989, %get3A_1990] {strides = array<i32>} : memref<1x64x256xf32, #tpu.memory_space<vmem>>, vector<1x1x16xf32>,
      %get3A_1992 = vector.shape_cast %get3A_1991 : vector<1x1x16xf32> to vector<16xf32>
      %sub3A_1993 = arith.subf %get3A_1992, %get3A_65 : vector<16xf32>
      %mul3A_1994 = arith.mulf %sub3A_1993, %sub3A_1993 : vector<16xf32>
      %add3A_1995 = arith.addf %add3A_1987, %mul3A_1994 : vector<16xf32>
      %get3A_1996 = arith.index_cast %shift_right_arithmetic3A_143 : i32 to index
      %get3A_1997 = arith.index_cast %add3A_1924 : i32 to index
      %get3A_1998 = arith.constant 144 : index
      %get3A_1999 = tpu.vector_load %arg6[%get3A_1996, %get3A_1997, %get3A_1998] {strides = array<i32>} : memref<1x64x256xf32, #tpu.memory_space<vmem>>, vector<1x1x16xf32>,
      %get3A_2000 = vector.shape_cast %get3A_1999 : vector<1x1x16xf32> to vector<16xf32>
      %sub3A_2001 = arith.subf %get3A_2000, %get3A_68 : vector<16xf32>
      %mul3A_2002 = arith.mulf %sub3A_2001, %sub3A_2001 : vector<16xf32>
      %add3A_2003 = arith.addf %add3A_1995, %mul3A_2002 : vector<16xf32>
      %get3A_2004 = arith.index_cast %shift_right_arithmetic3A_143 : i32 to index
      %get3A_2005 = arith.index_cast %add3A_1924 : i32 to index
      %get3A_2006 = arith.constant 160 : index
      %get3A_2007 = tpu.vector_load %arg6[%get3A_2004, %get3A_2005, %get3A_2006] {strides = array<i32>} : memref<1x64x256xf32, #tpu.memory_space<vmem>>, vector<1x1x16xf32>,
      %get3A_2008 = vector.shape_cast %get3A_2007 : vector<1x1x16xf32> to vector<16xf32>
      %sub3A_2009 = arith.subf %get3A_2008, %get3A_71 : vector<16xf32>
      %mul3A_2010 = arith.mulf %sub3A_2009, %sub3A_2009 : vector<16xf32>
      %add3A_2011 = arith.addf %add3A_2003, %mul3A_2010 : vector<16xf32>
      %get3A_2012 = arith.index_cast %shift_right_arithmetic3A_143 : i32 to index
      %get3A_2013 = arith.index_cast %add3A_1924 : i32 to index
      %get3A_2014 = arith.constant 176 : index
      %get3A_2015 = tpu.vector_load %arg6[%get3A_2012, %get3A_2013, %get3A_2014] {strides = array<i32>} : memref<1x64x256xf32, #tpu.memory_space<vmem>>, vector<1x1x16xf32>,
      %get3A_2016 = vector.shape_cast %get3A_2015 : vector<1x1x16xf32> to vector<16xf32>
      %sub3A_2017 = arith.subf %get3A_2016, %get3A_74 : vector<16xf32>
      %mul3A_2018 = arith.mulf %sub3A_2017, %sub3A_2017 : vector<16xf32>
      %add3A_2019 = arith.addf %add3A_2011, %mul3A_2018 : vector<16xf32>
      %get3A_2020 = arith.index_cast %shift_right_arithmetic3A_143 : i32 to index
      %get3A_2021 = arith.index_cast %add3A_1924 : i32 to index
      %get3A_2022 = arith.constant 192 : index
      %get3A_2023 = tpu.vector_load %arg6[%get3A_2020, %get3A_2021, %get3A_2022] {strides = array<i32>} : memref<1x64x256xf32, #tpu.memory_space<vmem>>, vector<1x1x16xf32>,
      %get3A_2024 = vector.shape_cast %get3A_2023 : vector<1x1x16xf32> to vector<16xf32>
      %sub3A_2025 = arith.subf %get3A_2024, %get3A_77 : vector<16xf32>
      %mul3A_2026 = arith.mulf %sub3A_2025, %sub3A_2025 : vector<16xf32>
      %add3A_2027 = arith.addf %add3A_2019, %mul3A_2026 : vector<16xf32>
      %get3A_2028 = arith.index_cast %shift_right_arithmetic3A_143 : i32 to index
      %get3A_2029 = arith.index_cast %add3A_1924 : i32 to index
      %get3A_2030 = arith.constant 208 : index
      %get3A_2031 = tpu.vector_load %arg6[%get3A_2028, %get3A_2029, %get3A_2030] {strides = array<i32>} : memref<1x64x256xf32, #tpu.memory_space<vmem>>, vector<1x1x16xf32>,
      %get3A_2032 = vector.shape_cast %get3A_2031 : vector<1x1x16xf32> to vector<16xf32>
      %sub3A_2033 = arith.subf %get3A_2032, %get3A_80 : vector<16xf32>
      %mul3A_2034 = arith.mulf %sub3A_2033, %sub3A_2033 : vector<16xf32>
      %add3A_2035 = arith.addf %add3A_2027, %mul3A_2034 : vector<16xf32>
      %get3A_2036 = arith.index_cast %shift_right_arithmetic3A_143 : i32 to index
      %get3A_2037 = arith.index_cast %add3A_1924 : i32 to index
      %get3A_2038 = arith.constant 224 : index
      %get3A_2039 = tpu.vector_load %arg6[%get3A_2036, %get3A_2037, %get3A_2038] {strides = array<i32>} : memref<1x64x256xf32, #tpu.memory_space<vmem>>, vector<1x1x16xf32>,
      %get3A_2040 = vector.shape_cast %get3A_2039 : vector<1x1x16xf32> to vector<16xf32>
      %sub3A_2041 = arith.subf %get3A_2040, %get3A_83 : vector<16xf32>
      %mul3A_2042 = arith.mulf %sub3A_2041, %sub3A_2041 : vector<16xf32>
      %add3A_2043 = arith.addf %add3A_2035, %mul3A_2042 : vector<16xf32>
      %get3A_2044 = arith.index_cast %shift_right_arithmetic3A_143 : i32 to index
      %get3A_2045 = arith.index_cast %add3A_1924 : i32 to index
      %get3A_2046 = arith.constant 240 : index
      %get3A_2047 = tpu.vector_load %arg6[%get3A_2044, %get3A_2045, %get3A_2046] {strides = array<i32>} : memref<1x64x256xf32, #tpu.memory_space<vmem>>, vector<1x1x16xf32>,
      %get3A_2048 = vector.shape_cast %get3A_2047 : vector<1x1x16xf32> to vector<16xf32>
      %sub3A_2049 = arith.subf %get3A_2048, %get3A_86 : vector<16xf32>
      %mul3A_2050 = arith.mulf %sub3A_2049, %sub3A_2049 : vector<16xf32>
      %add3A_2051 = arith.addf %add3A_2043, %mul3A_2050 : vector<16xf32>
      %add3A_2052 = arith.constant 11 : i32
      %add3A_2053 = arith.addi %shift_left3A_146, %add3A_2052 : i32
      %get3A_2054 = arith.index_cast %shift_right_arithmetic3A_143 : i32 to index
      %get3A_2055 = arith.index_cast %add3A_2053 : i32 to index
      %get3A_2056 = arith.constant 0 : index
      %get3A_2057 = tpu.vector_load %arg6[%get3A_2054, %get3A_2055, %get3A_2056] {strides = array<i32>} : memref<1x64x256xf32, #tpu.memory_space<vmem>>, vector<1x1x16xf32>,
      %get3A_2058 = vector.shape_cast %get3A_2057 : vector<1x1x16xf32> to vector<16xf32>
      %sub3A_2059 = arith.subf %get3A_2058, %get3A_41 : vector<16xf32>
      %mul3A_2060 = arith.mulf %sub3A_2059, %sub3A_2059 : vector<16xf32>
      %get3A_2061 = arith.index_cast %shift_right_arithmetic3A_143 : i32 to index
      %get3A_2062 = arith.index_cast %add3A_2053 : i32 to index
      %get3A_2063 = arith.constant 16 : index
      %get3A_2064 = tpu.vector_load %arg6[%get3A_2061, %get3A_2062, %get3A_2063] {strides = array<i32>} : memref<1x64x256xf32, #tpu.memory_space<vmem>>, vector<1x1x16xf32>,
      %get3A_2065 = vector.shape_cast %get3A_2064 : vector<1x1x16xf32> to vector<16xf32>
      %sub3A_2066 = arith.subf %get3A_2065, %get3A_44 : vector<16xf32>
      %mul3A_2067 = arith.mulf %sub3A_2066, %sub3A_2066 : vector<16xf32>
      %add3A_2068 = arith.addf %mul3A_2060, %mul3A_2067 : vector<16xf32>
      %get3A_2069 = arith.index_cast %shift_right_arithmetic3A_143 : i32 to index
      %get3A_2070 = arith.index_cast %add3A_2053 : i32 to index
      %get3A_2071 = arith.constant 32 : index
      %get3A_2072 = tpu.vector_load %arg6[%get3A_2069, %get3A_2070, %get3A_2071] {strides = array<i32>} : memref<1x64x256xf32, #tpu.memory_space<vmem>>, vector<1x1x16xf32>,
      %get3A_2073 = vector.shape_cast %get3A_2072 : vector<1x1x16xf32> to vector<16xf32>
      %sub3A_2074 = arith.subf %get3A_2073, %get3A_47 : vector<16xf32>
      %mul3A_2075 = arith.mulf %sub3A_2074, %sub3A_2074 : vector<16xf32>
      %add3A_2076 = arith.addf %add3A_2068, %mul3A_2075 : vector<16xf32>
      %get3A_2077 = arith.index_cast %shift_right_arithmetic3A_143 : i32 to index
      %get3A_2078 = arith.index_cast %add3A_2053 : i32 to index
      %get3A_2079 = arith.constant 48 : index
      %get3A_2080 = tpu.vector_load %arg6[%get3A_2077, %get3A_2078, %get3A_2079] {strides = array<i32>} : memref<1x64x256xf32, #tpu.memory_space<vmem>>, vector<1x1x16xf32>,
      %get3A_2081 = vector.shape_cast %get3A_2080 : vector<1x1x16xf32> to vector<16xf32>
      %sub3A_2082 = arith.subf %get3A_2081, %get3A_50 : vector<16xf32>
      %mul3A_2083 = arith.mulf %sub3A_2082, %sub3A_2082 : vector<16xf32>
      %add3A_2084 = arith.addf %add3A_2076, %mul3A_2083 : vector<16xf32>
      %get3A_2085 = arith.index_cast %shift_right_arithmetic3A_143 : i32 to index
      %get3A_2086 = arith.index_cast %add3A_2053 : i32 to index
      %get3A_2087 = arith.constant 64 : index
      %get3A_2088 = tpu.vector_load %arg6[%get3A_2085, %get3A_2086, %get3A_2087] {strides = array<i32>} : memref<1x64x256xf32, #tpu.memory_space<vmem>>, vector<1x1x16xf32>,
      %get3A_2089 = vector.shape_cast %get3A_2088 : vector<1x1x16xf32> to vector<16xf32>
      %sub3A_2090 = arith.subf %get3A_2089, %get3A_53 : vector<16xf32>
      %mul3A_2091 = arith.mulf %sub3A_2090, %sub3A_2090 : vector<16xf32>
      %add3A_2092 = arith.addf %add3A_2084, %mul3A_2091 : vector<16xf32>
      %get3A_2093 = arith.index_cast %shift_right_arithmetic3A_143 : i32 to index
      %get3A_2094 = arith.index_cast %add3A_2053 : i32 to index
      %get3A_2095 = arith.constant 80 : index
      %get3A_2096 = tpu.vector_load %arg6[%get3A_2093, %get3A_2094, %get3A_2095] {strides = array<i32>} : memref<1x64x256xf32, #tpu.memory_space<vmem>>, vector<1x1x16xf32>,
      %get3A_2097 = vector.shape_cast %get3A_2096 : vector<1x1x16xf32> to vector<16xf32>
      %sub3A_2098 = arith.subf %get3A_2097, %get3A_56 : vector<16xf32>
      %mul3A_2099 = arith.mulf %sub3A_2098, %sub3A_2098 : vector<16xf32>
      %add3A_2100 = arith.addf %add3A_2092, %mul3A_2099 : vector<16xf32>
      %get3A_2101 = arith.index_cast %shift_right_arithmetic3A_143 : i32 to index
      %get3A_2102 = arith.index_cast %add3A_2053 : i32 to index
      %get3A_2103 = arith.constant 96 : index
      %get3A_2104 = tpu.vector_load %arg6[%get3A_2101, %get3A_2102, %get3A_2103] {strides = array<i32>} : memref<1x64x256xf32, #tpu.memory_space<vmem>>, vector<1x1x16xf32>,
      %get3A_2105 = vector.shape_cast %get3A_2104 : vector<1x1x16xf32> to vector<16xf32>
      %sub3A_2106 = arith.subf %get3A_2105, %get3A_59 : vector<16xf32>
      %mul3A_2107 = arith.mulf %sub3A_2106, %sub3A_2106 : vector<16xf32>
      %add3A_2108 = arith.addf %add3A_2100, %mul3A_2107 : vector<16xf32>
      %get3A_2109 = arith.index_cast %shift_right_arithmetic3A_143 : i32 to index
      %get3A_2110 = arith.index_cast %add3A_2053 : i32 to index
      %get3A_2111 = arith.constant 112 : index
      %get3A_2112 = tpu.vector_load %arg6[%get3A_2109, %get3A_2110, %get3A_2111] {strides = array<i32>} : memref<1x64x256xf32, #tpu.memory_space<vmem>>, vector<1x1x16xf32>,
      %get3A_2113 = vector.shape_cast %get3A_2112 : vector<1x1x16xf32> to vector<16xf32>
      %sub3A_2114 = arith.subf %get3A_2113, %get3A_62 : vector<16xf32>
      %mul3A_2115 = arith.mulf %sub3A_2114, %sub3A_2114 : vector<16xf32>
      %add3A_2116 = arith.addf %add3A_2108, %mul3A_2115 : vector<16xf32>
      %get3A_2117 = arith.index_cast %shift_right_arithmetic3A_143 : i32 to index
      %get3A_2118 = arith.index_cast %add3A_2053 : i32 to index
      %get3A_2119 = arith.constant 128 : index
      %get3A_2120 = tpu.vector_load %arg6[%get3A_2117, %get3A_2118, %get3A_2119] {strides = array<i32>} : memref<1x64x256xf32, #tpu.memory_space<vmem>>, vector<1x1x16xf32>,
      %get3A_2121 = vector.shape_cast %get3A_2120 : vector<1x1x16xf32> to vector<16xf32>
      %sub3A_2122 = arith.subf %get3A_2121, %get3A_65 : vector<16xf32>
      %mul3A_2123 = arith.mulf %sub3A_2122, %sub3A_2122 : vector<16xf32>
      %add3A_2124 = arith.addf %add3A_2116, %mul3A_2123 : vector<16xf32>
      %get3A_2125 = arith.index_cast %shift_right_arithmetic3A_143 : i32 to index
      %get3A_2126 = arith.index_cast %add3A_2053 : i32 to index
      %get3A_2127 = arith.constant 144 : index
      %get3A_2128 = tpu.vector_load %arg6[%get3A_2125, %get3A_2126, %get3A_2127] {strides = array<i32>} : memref<1x64x256xf32, #tpu.memory_space<vmem>>, vector<1x1x16xf32>,
      %get3A_2129 = vector.shape_cast %get3A_2128 : vector<1x1x16xf32> to vector<16xf32>
      %sub3A_2130 = arith.subf %get3A_2129, %get3A_68 : vector<16xf32>
      %mul3A_2131 = arith.mulf %sub3A_2130, %sub3A_2130 : vector<16xf32>
      %add3A_2132 = arith.addf %add3A_2124, %mul3A_2131 : vector<16xf32>
      %get3A_2133 = arith.index_cast %shift_right_arithmetic3A_143 : i32 to index
      %get3A_2134 = arith.index_cast %add3A_2053 : i32 to index
      %get3A_2135 = arith.constant 160 : index
      %get3A_2136 = tpu.vector_load %arg6[%get3A_2133, %get3A_2134, %get3A_2135] {strides = array<i32>} : memref<1x64x256xf32, #tpu.memory_space<vmem>>, vector<1x1x16xf32>,
      %get3A_2137 = vector.shape_cast %get3A_2136 : vector<1x1x16xf32> to vector<16xf32>
      %sub3A_2138 = arith.subf %get3A_2137, %get3A_71 : vector<16xf32>
      %mul3A_2139 = arith.mulf %sub3A_2138, %sub3A_2138 : vector<16xf32>
      %add3A_2140 = arith.addf %add3A_2132, %mul3A_2139 : vector<16xf32>
      %get3A_2141 = arith.index_cast %shift_right_arithmetic3A_143 : i32 to index
      %get3A_2142 = arith.index_cast %add3A_2053 : i32 to index
      %get3A_2143 = arith.constant 176 : index
      %get3A_2144 = tpu.vector_load %arg6[%get3A_2141, %get3A_2142, %get3A_2143] {strides = array<i32>} : memref<1x64x256xf32, #tpu.memory_space<vmem>>, vector<1x1x16xf32>,
      %get3A_2145 = vector.shape_cast %get3A_2144 : vector<1x1x16xf32> to vector<16xf32>
      %sub3A_2146 = arith.subf %get3A_2145, %get3A_74 : vector<16xf32>
      %mul3A_2147 = arith.mulf %sub3A_2146, %sub3A_2146 : vector<16xf32>
      %add3A_2148 = arith.addf %add3A_2140, %mul3A_2147 : vector<16xf32>
      %get3A_2149 = arith.index_cast %shift_right_arithmetic3A_143 : i32 to index
      %get3A_2150 = arith.index_cast %add3A_2053 : i32 to index
      %get3A_2151 = arith.constant 192 : index
      %get3A_2152 = tpu.vector_load %arg6[%get3A_2149, %get3A_2150, %get3A_2151] {strides = array<i32>} : memref<1x64x256xf32, #tpu.memory_space<vmem>>, vector<1x1x16xf32>,
      %get3A_2153 = vector.shape_cast %get3A_2152 : vector<1x1x16xf32> to vector<16xf32>
      %sub3A_2154 = arith.subf %get3A_2153, %get3A_77 : vector<16xf32>
      %mul3A_2155 = arith.mulf %sub3A_2154, %sub3A_2154 : vector<16xf32>
      %add3A_2156 = arith.addf %add3A_2148, %mul3A_2155 : vector<16xf32>
      %get3A_2157 = arith.index_cast %shift_right_arithmetic3A_143 : i32 to index
      %get3A_2158 = arith.index_cast %add3A_2053 : i32 to index
      %get3A_2159 = arith.constant 208 : index
      %get3A_2160 = tpu.vector_load %arg6[%get3A_2157, %get3A_2158, %get3A_2159] {strides = array<i32>} : memref<1x64x256xf32, #tpu.memory_space<vmem>>, vector<1x1x16xf32>,
      %get3A_2161 = vector.shape_cast %get3A_2160 : vector<1x1x16xf32> to vector<16xf32>
      %sub3A_2162 = arith.subf %get3A_2161, %get3A_80 : vector<16xf32>
      %mul3A_2163 = arith.mulf %sub3A_2162, %sub3A_2162 : vector<16xf32>
      %add3A_2164 = arith.addf %add3A_2156, %mul3A_2163 : vector<16xf32>
      %get3A_2165 = arith.index_cast %shift_right_arithmetic3A_143 : i32 to index
      %get3A_2166 = arith.index_cast %add3A_2053 : i32 to index
      %get3A_2167 = arith.constant 224 : index
      %get3A_2168 = tpu.vector_load %arg6[%get3A_2165, %get3A_2166, %get3A_2167] {strides = array<i32>} : memref<1x64x256xf32, #tpu.memory_space<vmem>>, vector<1x1x16xf32>,
      %get3A_2169 = vector.shape_cast %get3A_2168 : vector<1x1x16xf32> to vector<16xf32>
      %sub3A_2170 = arith.subf %get3A_2169, %get3A_83 : vector<16xf32>
      %mul3A_2171 = arith.mulf %sub3A_2170, %sub3A_2170 : vector<16xf32>
      %add3A_2172 = arith.addf %add3A_2164, %mul3A_2171 : vector<16xf32>
      %get3A_2173 = arith.index_cast %shift_right_arithmetic3A_143 : i32 to index
      %get3A_2174 = arith.index_cast %add3A_2053 : i32 to index
      %get3A_2175 = arith.constant 240 : index
      %get3A_2176 = tpu.vector_load %arg6[%get3A_2173, %get3A_2174, %get3A_2175] {strides = array<i32>} : memref<1x64x256xf32, #tpu.memory_space<vmem>>, vector<1x1x16xf32>,
      %get3A_2177 = vector.shape_cast %get3A_2176 : vector<1x1x16xf32> to vector<16xf32>
      %sub3A_2178 = arith.subf %get3A_2177, %get3A_86 : vector<16xf32>
      %mul3A_2179 = arith.mulf %sub3A_2178, %sub3A_2178 : vector<16xf32>
      %add3A_2180 = arith.addf %add3A_2172, %mul3A_2179 : vector<16xf32>
      %lt3A_2181 = arith.constant 0 : i32
      %lt3A_2182 = vector.broadcast %lt3A_2181 : i32 to vector<16xi32>
      %lt3A_2183 = arith.cmpi slt, %xor3A_110, %lt3A_2182 : vector<16xi32>
      %add3A_2184 = arith.constant 16 : i32
      %add3A_2185 = vector.broadcast %add3A_2184 : i32 to vector<16xi32>
      %add3A_2186 = arith.addi %xor3A_110, %add3A_2185 : vector<16xi32>
      %select_n3A_2187 = arith.select %lt3A_2183, %add3A_2186, %xor3A_110 : vector<16xi1>, vector<16xi32>
      %broadcast_in_dim3A_2188 = vector.shape_cast %select_n3A_2187 : vector<16xi32> to vector<16x1xi32>
      %gather3A_2189 = vector.shape_cast %broadcast_in_dim3A_2188 : vector<16x1xi32> to vector<16xi32>
      %gather3A_2190 = tpu.dynamic_gather %add3A_2180[%gather3A_2189] in [0] : vector<16xf32>, vector<16xi32> -> vector<16xf32>
      %select_n3A_2191 = arith.select %eq3A_90, %add3A_2051, %gather3A_2190 : vector<16xi1>, vector<16xf32>
      %lt3A_2192 = arith.constant 0 : i32
      %lt3A_2193 = vector.broadcast %lt3A_2192 : i32 to vector<16xi32>
      %lt3A_2194 = arith.cmpi slt, %xor3A_110, %lt3A_2193 : vector<16xi32>
      %add3A_2195 = arith.constant 16 : i32
      %add3A_2196 = vector.broadcast %add3A_2195 : i32 to vector<16xi32>
      %add3A_2197 = arith.addi %xor3A_110, %add3A_2196 : vector<16xi32>
      %select_n3A_2198 = arith.select %lt3A_2194, %add3A_2197, %xor3A_110 : vector<16xi1>, vector<16xi32>
      %broadcast_in_dim3A_2199 = vector.shape_cast %select_n3A_2198 : vector<16xi32> to vector<16x1xi32>
      %gather3A_2200 = vector.shape_cast %broadcast_in_dim3A_2199 : vector<16x1xi32> to vector<16xi32>
      %gather3A_2201 = tpu.dynamic_gather %add3A_2051[%gather3A_2200] in [0] : vector<16xf32>, vector<16xi32> -> vector<16xf32>
      %select_n3A_2202 = arith.select %eq3A_90, %gather3A_2201, %add3A_2180 : vector<16xi1>, vector<16xf32>
      %add3A_2203 = arith.addf %select_n3A_2191, %select_n3A_2202 : vector<16xf32>
      %add3A_2204 = arith.constant 7 : i32
      %add3A_2205 = arith.addi %shift_left3A_146, %add3A_2204 : i32
      %get3A_2206 = arith.index_cast %shift_right_arithmetic3A_143 : i32 to index
      %get3A_2207 = arith.index_cast %add3A_2205 : i32 to index
      %get3A_2208 = arith.constant 0 : index
      %get3A_2209 = tpu.vector_load %arg6[%get3A_2206, %get3A_2207, %get3A_2208] {strides = array<i32>} : memref<1x64x256xf32, #tpu.memory_space<vmem>>, vector<1x1x16xf32>,
      %get3A_2210 = vector.shape_cast %get3A_2209 : vector<1x1x16xf32> to vector<16xf32>
      %sub3A_2211 = arith.subf %get3A_2210, %get3A_41 : vector<16xf32>
      %mul3A_2212 = arith.mulf %sub3A_2211, %sub3A_2211 : vector<16xf32>
      %get3A_2213 = arith.index_cast %shift_right_arithmetic3A_143 : i32 to index
      %get3A_2214 = arith.index_cast %add3A_2205 : i32 to index
      %get3A_2215 = arith.constant 16 : index
      %get3A_2216 = tpu.vector_load %arg6[%get3A_2213, %get3A_2214, %get3A_2215] {strides = array<i32>} : memref<1x64x256xf32, #tpu.memory_space<vmem>>, vector<1x1x16xf32>,
      %get3A_2217 = vector.shape_cast %get3A_2216 : vector<1x1x16xf32> to vector<16xf32>
      %sub3A_2218 = arith.subf %get3A_2217, %get3A_44 : vector<16xf32>
      %mul3A_2219 = arith.mulf %sub3A_2218, %sub3A_2218 : vector<16xf32>
      %add3A_2220 = arith.addf %mul3A_2212, %mul3A_2219 : vector<16xf32>
      %get3A_2221 = arith.index_cast %shift_right_arithmetic3A_143 : i32 to index
      %get3A_2222 = arith.index_cast %add3A_2205 : i32 to index
      %get3A_2223 = arith.constant 32 : index
      %get3A_2224 = tpu.vector_load %arg6[%get3A_2221, %get3A_2222, %get3A_2223] {strides = array<i32>} : memref<1x64x256xf32, #tpu.memory_space<vmem>>, vector<1x1x16xf32>,
      %get3A_2225 = vector.shape_cast %get3A_2224 : vector<1x1x16xf32> to vector<16xf32>
      %sub3A_2226 = arith.subf %get3A_2225, %get3A_47 : vector<16xf32>
      %mul3A_2227 = arith.mulf %sub3A_2226, %sub3A_2226 : vector<16xf32>
      %add3A_2228 = arith.addf %add3A_2220, %mul3A_2227 : vector<16xf32>
      %get3A_2229 = arith.index_cast %shift_right_arithmetic3A_143 : i32 to index
      %get3A_2230 = arith.index_cast %add3A_2205 : i32 to index
      %get3A_2231 = arith.constant 48 : index
      %get3A_2232 = tpu.vector_load %arg6[%get3A_2229, %get3A_2230, %get3A_2231] {strides = array<i32>} : memref<1x64x256xf32, #tpu.memory_space<vmem>>, vector<1x1x16xf32>,
      %get3A_2233 = vector.shape_cast %get3A_2232 : vector<1x1x16xf32> to vector<16xf32>
      %sub3A_2234 = arith.subf %get3A_2233, %get3A_50 : vector<16xf32>
      %mul3A_2235 = arith.mulf %sub3A_2234, %sub3A_2234 : vector<16xf32>
      %add3A_2236 = arith.addf %add3A_2228, %mul3A_2235 : vector<16xf32>
      %get3A_2237 = arith.index_cast %shift_right_arithmetic3A_143 : i32 to index
      %get3A_2238 = arith.index_cast %add3A_2205 : i32 to index
      %get3A_2239 = arith.constant 64 : index
      %get3A_2240 = tpu.vector_load %arg6[%get3A_2237, %get3A_2238, %get3A_2239] {strides = array<i32>} : memref<1x64x256xf32, #tpu.memory_space<vmem>>, vector<1x1x16xf32>,
      %get3A_2241 = vector.shape_cast %get3A_2240 : vector<1x1x16xf32> to vector<16xf32>
      %sub3A_2242 = arith.subf %get3A_2241, %get3A_53 : vector<16xf32>
      %mul3A_2243 = arith.mulf %sub3A_2242, %sub3A_2242 : vector<16xf32>
      %add3A_2244 = arith.addf %add3A_2236, %mul3A_2243 : vector<16xf32>
      %get3A_2245 = arith.index_cast %shift_right_arithmetic3A_143 : i32 to index
      %get3A_2246 = arith.index_cast %add3A_2205 : i32 to index
      %get3A_2247 = arith.constant 80 : index
      %get3A_2248 = tpu.vector_load %arg6[%get3A_2245, %get3A_2246, %get3A_2247] {strides = array<i32>} : memref<1x64x256xf32, #tpu.memory_space<vmem>>, vector<1x1x16xf32>,
      %get3A_2249 = vector.shape_cast %get3A_2248 : vector<1x1x16xf32> to vector<16xf32>
      %sub3A_2250 = arith.subf %get3A_2249, %get3A_56 : vector<16xf32>
      %mul3A_2251 = arith.mulf %sub3A_2250, %sub3A_2250 : vector<16xf32>
      %add3A_2252 = arith.addf %add3A_2244, %mul3A_2251 : vector<16xf32>
      %get3A_2253 = arith.index_cast %shift_right_arithmetic3A_143 : i32 to index
      %get3A_2254 = arith.index_cast %add3A_2205 : i32 to index
      %get3A_2255 = arith.constant 96 : index
      %get3A_2256 = tpu.vector_load %arg6[%get3A_2253, %get3A_2254, %get3A_2255] {strides = array<i32>} : memref<1x64x256xf32, #tpu.memory_space<vmem>>, vector<1x1x16xf32>,
      %get3A_2257 = vector.shape_cast %get3A_2256 : vector<1x1x16xf32> to vector<16xf32>
      %sub3A_2258 = arith.subf %get3A_2257, %get3A_59 : vector<16xf32>
      %mul3A_2259 = arith.mulf %sub3A_2258, %sub3A_2258 : vector<16xf32>
      %add3A_2260 = arith.addf %add3A_2252, %mul3A_2259 : vector<16xf32>
      %get3A_2261 = arith.index_cast %shift_right_arithmetic3A_143 : i32 to index
      %get3A_2262 = arith.index_cast %add3A_2205 : i32 to index
      %get3A_2263 = arith.constant 112 : index
      %get3A_2264 = tpu.vector_load %arg6[%get3A_2261, %get3A_2262, %get3A_2263] {strides = array<i32>} : memref<1x64x256xf32, #tpu.memory_space<vmem>>, vector<1x1x16xf32>,
      %get3A_2265 = vector.shape_cast %get3A_2264 : vector<1x1x16xf32> to vector<16xf32>
      %sub3A_2266 = arith.subf %get3A_2265, %get3A_62 : vector<16xf32>
      %mul3A_2267 = arith.mulf %sub3A_2266, %sub3A_2266 : vector<16xf32>
      %add3A_2268 = arith.addf %add3A_2260, %mul3A_2267 : vector<16xf32>
      %get3A_2269 = arith.index_cast %shift_right_arithmetic3A_143 : i32 to index
      %get3A_2270 = arith.index_cast %add3A_2205 : i32 to index
      %get3A_2271 = arith.constant 128 : index
      %get3A_2272 = tpu.vector_load %arg6[%get3A_2269, %get3A_2270, %get3A_2271] {strides = array<i32>} : memref<1x64x256xf32, #tpu.memory_space<vmem>>, vector<1x1x16xf32>,
      %get3A_2273 = vector.shape_cast %get3A_2272 : vector<1x1x16xf32> to vector<16xf32>
      %sub3A_2274 = arith.subf %get3A_2273, %get3A_65 : vector<16xf32>
      %mul3A_2275 = arith.mulf %sub3A_2274, %sub3A_2274 : vector<16xf32>
      %add3A_2276 = arith.addf %add3A_2268, %mul3A_2275 : vector<16xf32>
      %get3A_2277 = arith.index_cast %shift_right_arithmetic3A_143 : i32 to index
      %get3A_2278 = arith.index_cast %add3A_2205 : i32 to index
      %get3A_2279 = arith.constant 144 : index
      %get3A_2280 = tpu.vector_load %arg6[%get3A_2277, %get3A_2278, %get3A_2279] {strides = array<i32>} : memref<1x64x256xf32, #tpu.memory_space<vmem>>, vector<1x1x16xf32>,
      %get3A_2281 = vector.shape_cast %get3A_2280 : vector<1x1x16xf32> to vector<16xf32>
      %sub3A_2282 = arith.subf %get3A_2281, %get3A_68 : vector<16xf32>
      %mul3A_2283 = arith.mulf %sub3A_2282, %sub3A_2282 : vector<16xf32>
      %add3A_2284 = arith.addf %add3A_2276, %mul3A_2283 : vector<16xf32>
      %get3A_2285 = arith.index_cast %shift_right_arithmetic3A_143 : i32 to index
      %get3A_2286 = arith.index_cast %add3A_2205 : i32 to index
      %get3A_2287 = arith.constant 160 : index
      %get3A_2288 = tpu.vector_load %arg6[%get3A_2285, %get3A_2286, %get3A_2287] {strides = array<i32>} : memref<1x64x256xf32, #tpu.memory_space<vmem>>, vector<1x1x16xf32>,
      %get3A_2289 = vector.shape_cast %get3A_2288 : vector<1x1x16xf32> to vector<16xf32>
      %sub3A_2290 = arith.subf %get3A_2289, %get3A_71 : vector<16xf32>
      %mul3A_2291 = arith.mulf %sub3A_2290, %sub3A_2290 : vector<16xf32>
      %add3A_2292 = arith.addf %add3A_2284, %mul3A_2291 : vector<16xf32>
      %get3A_2293 = arith.index_cast %shift_right_arithmetic3A_143 : i32 to index
      %get3A_2294 = arith.index_cast %add3A_2205 : i32 to index
      %get3A_2295 = arith.constant 176 : index
      %get3A_2296 = tpu.vector_load %arg6[%get3A_2293, %get3A_2294, %get3A_2295] {strides = array<i32>} : memref<1x64x256xf32, #tpu.memory_space<vmem>>, vector<1x1x16xf32>,
      %get3A_2297 = vector.shape_cast %get3A_2296 : vector<1x1x16xf32> to vector<16xf32>
      %sub3A_2298 = arith.subf %get3A_2297, %get3A_74 : vector<16xf32>
      %mul3A_2299 = arith.mulf %sub3A_2298, %sub3A_2298 : vector<16xf32>
      %add3A_2300 = arith.addf %add3A_2292, %mul3A_2299 : vector<16xf32>
      %get3A_2301 = arith.index_cast %shift_right_arithmetic3A_143 : i32 to index
      %get3A_2302 = arith.index_cast %add3A_2205 : i32 to index
      %get3A_2303 = arith.constant 192 : index
      %get3A_2304 = tpu.vector_load %arg6[%get3A_2301, %get3A_2302, %get3A_2303] {strides = array<i32>} : memref<1x64x256xf32, #tpu.memory_space<vmem>>, vector<1x1x16xf32>,
      %get3A_2305 = vector.shape_cast %get3A_2304 : vector<1x1x16xf32> to vector<16xf32>
      %sub3A_2306 = arith.subf %get3A_2305, %get3A_77 : vector<16xf32>
      %mul3A_2307 = arith.mulf %sub3A_2306, %sub3A_2306 : vector<16xf32>
      %add3A_2308 = arith.addf %add3A_2300, %mul3A_2307 : vector<16xf32>
      %get3A_2309 = arith.index_cast %shift_right_arithmetic3A_143 : i32 to index
      %get3A_2310 = arith.index_cast %add3A_2205 : i32 to index
      %get3A_2311 = arith.constant 208 : index
      %get3A_2312 = tpu.vector_load %arg6[%get3A_2309, %get3A_2310, %get3A_2311] {strides = array<i32>} : memref<1x64x256xf32, #tpu.memory_space<vmem>>, vector<1x1x16xf32>,
      %get3A_2313 = vector.shape_cast %get3A_2312 : vector<1x1x16xf32> to vector<16xf32>
      %sub3A_2314 = arith.subf %get3A_2313, %get3A_80 : vector<16xf32>
      %mul3A_2315 = arith.mulf %sub3A_2314, %sub3A_2314 : vector<16xf32>
      %add3A_2316 = arith.addf %add3A_2308, %mul3A_2315 : vector<16xf32>
      %get3A_2317 = arith.index_cast %shift_right_arithmetic3A_143 : i32 to index
      %get3A_2318 = arith.index_cast %add3A_2205 : i32 to index
      %get3A_2319 = arith.constant 224 : index
      %get3A_2320 = tpu.vector_load %arg6[%get3A_2317, %get3A_2318, %get3A_2319] {strides = array<i32>} : memref<1x64x256xf32, #tpu.memory_space<vmem>>, vector<1x1x16xf32>,
      %get3A_2321 = vector.shape_cast %get3A_2320 : vector<1x1x16xf32> to vector<16xf32>
      %sub3A_2322 = arith.subf %get3A_2321, %get3A_83 : vector<16xf32>
      %mul3A_2323 = arith.mulf %sub3A_2322, %sub3A_2322 : vector<16xf32>
      %add3A_2324 = arith.addf %add3A_2316, %mul3A_2323 : vector<16xf32>
      %get3A_2325 = arith.index_cast %shift_right_arithmetic3A_143 : i32 to index
      %get3A_2326 = arith.index_cast %add3A_2205 : i32 to index
      %get3A_2327 = arith.constant 240 : index
      %get3A_2328 = tpu.vector_load %arg6[%get3A_2325, %get3A_2326, %get3A_2327] {strides = array<i32>} : memref<1x64x256xf32, #tpu.memory_space<vmem>>, vector<1x1x16xf32>,
      %get3A_2329 = vector.shape_cast %get3A_2328 : vector<1x1x16xf32> to vector<16xf32>
      %sub3A_2330 = arith.subf %get3A_2329, %get3A_86 : vector<16xf32>
      %mul3A_2331 = arith.mulf %sub3A_2330, %sub3A_2330 : vector<16xf32>
      %add3A_2332 = arith.addf %add3A_2324, %mul3A_2331 : vector<16xf32>
      %add3A_2333 = arith.constant 15 : i32
      %add3A_2334 = arith.addi %shift_left3A_146, %add3A_2333 : i32
      %get3A_2335 = arith.index_cast %shift_right_arithmetic3A_143 : i32 to index
      %get3A_2336 = arith.index_cast %add3A_2334 : i32 to index
      %get3A_2337 = arith.constant 0 : index
      %get3A_2338 = tpu.vector_load %arg6[%get3A_2335, %get3A_2336, %get3A_2337] {strides = array<i32>} : memref<1x64x256xf32, #tpu.memory_space<vmem>>, vector<1x1x16xf32>,
      %get3A_2339 = vector.shape_cast %get3A_2338 : vector<1x1x16xf32> to vector<16xf32>
      %sub3A_2340 = arith.subf %get3A_2339, %get3A_41 : vector<16xf32>
      %mul3A_2341 = arith.mulf %sub3A_2340, %sub3A_2340 : vector<16xf32>
      %get3A_2342 = arith.index_cast %shift_right_arithmetic3A_143 : i32 to index
      %get3A_2343 = arith.index_cast %add3A_2334 : i32 to index
      %get3A_2344 = arith.constant 16 : index
      %get3A_2345 = tpu.vector_load %arg6[%get3A_2342, %get3A_2343, %get3A_2344] {strides = array<i32>} : memref<1x64x256xf32, #tpu.memory_space<vmem>>, vector<1x1x16xf32>,
      %get3A_2346 = vector.shape_cast %get3A_2345 : vector<1x1x16xf32> to vector<16xf32>
      %sub3A_2347 = arith.subf %get3A_2346, %get3A_44 : vector<16xf32>
      %mul3A_2348 = arith.mulf %sub3A_2347, %sub3A_2347 : vector<16xf32>
      %add3A_2349 = arith.addf %mul3A_2341, %mul3A_2348 : vector<16xf32>
      %get3A_2350 = arith.index_cast %shift_right_arithmetic3A_143 : i32 to index
      %get3A_2351 = arith.index_cast %add3A_2334 : i32 to index
      %get3A_2352 = arith.constant 32 : index
      %get3A_2353 = tpu.vector_load %arg6[%get3A_2350, %get3A_2351, %get3A_2352] {strides = array<i32>} : memref<1x64x256xf32, #tpu.memory_space<vmem>>, vector<1x1x16xf32>,
      %get3A_2354 = vector.shape_cast %get3A_2353 : vector<1x1x16xf32> to vector<16xf32>
      %sub3A_2355 = arith.subf %get3A_2354, %get3A_47 : vector<16xf32>
      %mul3A_2356 = arith.mulf %sub3A_2355, %sub3A_2355 : vector<16xf32>
      %add3A_2357 = arith.addf %add3A_2349, %mul3A_2356 : vector<16xf32>
      %get3A_2358 = arith.index_cast %shift_right_arithmetic3A_143 : i32 to index
      %get3A_2359 = arith.index_cast %add3A_2334 : i32 to index
      %get3A_2360 = arith.constant 48 : index
      %get3A_2361 = tpu.vector_load %arg6[%get3A_2358, %get3A_2359, %get3A_2360] {strides = array<i32>} : memref<1x64x256xf32, #tpu.memory_space<vmem>>, vector<1x1x16xf32>,
      %get3A_2362 = vector.shape_cast %get3A_2361 : vector<1x1x16xf32> to vector<16xf32>
      %sub3A_2363 = arith.subf %get3A_2362, %get3A_50 : vector<16xf32>
      %mul3A_2364 = arith.mulf %sub3A_2363, %sub3A_2363 : vector<16xf32>
      %add3A_2365 = arith.addf %add3A_2357, %mul3A_2364 : vector<16xf32>
      %get3A_2366 = arith.index_cast %shift_right_arithmetic3A_143 : i32 to index
      %get3A_2367 = arith.index_cast %add3A_2334 : i32 to index
      %get3A_2368 = arith.constant 64 : index
      %get3A_2369 = tpu.vector_load %arg6[%get3A_2366, %get3A_2367, %get3A_2368] {strides = array<i32>} : memref<1x64x256xf32, #tpu.memory_space<vmem>>, vector<1x1x16xf32>,
      %get3A_2370 = vector.shape_cast %get3A_2369 : vector<1x1x16xf32> to vector<16xf32>
      %sub3A_2371 = arith.subf %get3A_2370, %get3A_53 : vector<16xf32>
      %mul3A_2372 = arith.mulf %sub3A_2371, %sub3A_2371 : vector<16xf32>
      %add3A_2373 = arith.addf %add3A_2365, %mul3A_2372 : vector<16xf32>
      %get3A_2374 = arith.index_cast %shift_right_arithmetic3A_143 : i32 to index
      %get3A_2375 = arith.index_cast %add3A_2334 : i32 to index
      %get3A_2376 = arith.constant 80 : index
      %get3A_2377 = tpu.vector_load %arg6[%get3A_2374, %get3A_2375, %get3A_2376] {strides = array<i32>} : memref<1x64x256xf32, #tpu.memory_space<vmem>>, vector<1x1x16xf32>,
      %get3A_2378 = vector.shape_cast %get3A_2377 : vector<1x1x16xf32> to vector<16xf32>
      %sub3A_2379 = arith.subf %get3A_2378, %get3A_56 : vector<16xf32>
      %mul3A_2380 = arith.mulf %sub3A_2379, %sub3A_2379 : vector<16xf32>
      %add3A_2381 = arith.addf %add3A_2373, %mul3A_2380 : vector<16xf32>
      %get3A_2382 = arith.index_cast %shift_right_arithmetic3A_143 : i32 to index
      %get3A_2383 = arith.index_cast %add3A_2334 : i32 to index
      %get3A_2384 = arith.constant 96 : index
      %get3A_2385 = tpu.vector_load %arg6[%get3A_2382, %get3A_2383, %get3A_2384] {strides = array<i32>} : memref<1x64x256xf32, #tpu.memory_space<vmem>>, vector<1x1x16xf32>,
      %get3A_2386 = vector.shape_cast %get3A_2385 : vector<1x1x16xf32> to vector<16xf32>
      %sub3A_2387 = arith.subf %get3A_2386, %get3A_59 : vector<16xf32>
      %mul3A_2388 = arith.mulf %sub3A_2387, %sub3A_2387 : vector<16xf32>
      %add3A_2389 = arith.addf %add3A_2381, %mul3A_2388 : vector<16xf32>
      %get3A_2390 = arith.index_cast %shift_right_arithmetic3A_143 : i32 to index
      %get3A_2391 = arith.index_cast %add3A_2334 : i32 to index
      %get3A_2392 = arith.constant 112 : index
      %get3A_2393 = tpu.vector_load %arg6[%get3A_2390, %get3A_2391, %get3A_2392] {strides = array<i32>} : memref<1x64x256xf32, #tpu.memory_space<vmem>>, vector<1x1x16xf32>,
      %get3A_2394 = vector.shape_cast %get3A_2393 : vector<1x1x16xf32> to vector<16xf32>
      %sub3A_2395 = arith.subf %get3A_2394, %get3A_62 : vector<16xf32>
      %mul3A_2396 = arith.mulf %sub3A_2395, %sub3A_2395 : vector<16xf32>
      %add3A_2397 = arith.addf %add3A_2389, %mul3A_2396 : vector<16xf32>
      %get3A_2398 = arith.index_cast %shift_right_arithmetic3A_143 : i32 to index
      %get3A_2399 = arith.index_cast %add3A_2334 : i32 to index
      %get3A_2400 = arith.constant 128 : index
      %get3A_2401 = tpu.vector_load %arg6[%get3A_2398, %get3A_2399, %get3A_2400] {strides = array<i32>} : memref<1x64x256xf32, #tpu.memory_space<vmem>>, vector<1x1x16xf32>,
      %get3A_2402 = vector.shape_cast %get3A_2401 : vector<1x1x16xf32> to vector<16xf32>
      %sub3A_2403 = arith.subf %get3A_2402, %get3A_65 : vector<16xf32>
      %mul3A_2404 = arith.mulf %sub3A_2403, %sub3A_2403 : vector<16xf32>
      %add3A_2405 = arith.addf %add3A_2397, %mul3A_2404 : vector<16xf32>
      %get3A_2406 = arith.index_cast %shift_right_arithmetic3A_143 : i32 to index
      %get3A_2407 = arith.index_cast %add3A_2334 : i32 to index
      %get3A_2408 = arith.constant 144 : index
      %get3A_2409 = tpu.vector_load %arg6[%get3A_2406, %get3A_2407, %get3A_2408] {strides = array<i32>} : memref<1x64x256xf32, #tpu.memory_space<vmem>>, vector<1x1x16xf32>,
      %get3A_2410 = vector.shape_cast %get3A_2409 : vector<1x1x16xf32> to vector<16xf32>
      %sub3A_2411 = arith.subf %get3A_2410, %get3A_68 : vector<16xf32>
      %mul3A_2412 = arith.mulf %sub3A_2411, %sub3A_2411 : vector<16xf32>
      %add3A_2413 = arith.addf %add3A_2405, %mul3A_2412 : vector<16xf32>
      %get3A_2414 = arith.index_cast %shift_right_arithmetic3A_143 : i32 to index
      %get3A_2415 = arith.index_cast %add3A_2334 : i32 to index
      %get3A_2416 = arith.constant 160 : index
      %get3A_2417 = tpu.vector_load %arg6[%get3A_2414, %get3A_2415, %get3A_2416] {strides = array<i32>} : memref<1x64x256xf32, #tpu.memory_space<vmem>>, vector<1x1x16xf32>,
      %get3A_2418 = vector.shape_cast %get3A_2417 : vector<1x1x16xf32> to vector<16xf32>
      %sub3A_2419 = arith.subf %get3A_2418, %get3A_71 : vector<16xf32>
      %mul3A_2420 = arith.mulf %sub3A_2419, %sub3A_2419 : vector<16xf32>
      %add3A_2421 = arith.addf %add3A_2413, %mul3A_2420 : vector<16xf32>
      %get3A_2422 = arith.index_cast %shift_right_arithmetic3A_143 : i32 to index
      %get3A_2423 = arith.index_cast %add3A_2334 : i32 to index
      %get3A_2424 = arith.constant 176 : index
      %get3A_2425 = tpu.vector_load %arg6[%get3A_2422, %get3A_2423, %get3A_2424] {strides = array<i32>} : memref<1x64x256xf32, #tpu.memory_space<vmem>>, vector<1x1x16xf32>,
      %get3A_2426 = vector.shape_cast %get3A_2425 : vector<1x1x16xf32> to vector<16xf32>
      %sub3A_2427 = arith.subf %get3A_2426, %get3A_74 : vector<16xf32>
      %mul3A_2428 = arith.mulf %sub3A_2427, %sub3A_2427 : vector<16xf32>
      %add3A_2429 = arith.addf %add3A_2421, %mul3A_2428 : vector<16xf32>
      %get3A_2430 = arith.index_cast %shift_right_arithmetic3A_143 : i32 to index
      %get3A_2431 = arith.index_cast %add3A_2334 : i32 to index
      %get3A_2432 = arith.constant 192 : index
      %get3A_2433 = tpu.vector_load %arg6[%get3A_2430, %get3A_2431, %get3A_2432] {strides = array<i32>} : memref<1x64x256xf32, #tpu.memory_space<vmem>>, vector<1x1x16xf32>,
      %get3A_2434 = vector.shape_cast %get3A_2433 : vector<1x1x16xf32> to vector<16xf32>
      %sub3A_2435 = arith.subf %get3A_2434, %get3A_77 : vector<16xf32>
      %mul3A_2436 = arith.mulf %sub3A_2435, %sub3A_2435 : vector<16xf32>
      %add3A_2437 = arith.addf %add3A_2429, %mul3A_2436 : vector<16xf32>
      %get3A_2438 = arith.index_cast %shift_right_arithmetic3A_143 : i32 to index
      %get3A_2439 = arith.index_cast %add3A_2334 : i32 to index
      %get3A_2440 = arith.constant 208 : index
      %get3A_2441 = tpu.vector_load %arg6[%get3A_2438, %get3A_2439, %get3A_2440] {strides = array<i32>} : memref<1x64x256xf32, #tpu.memory_space<vmem>>, vector<1x1x16xf32>,
      %get3A_2442 = vector.shape_cast %get3A_2441 : vector<1x1x16xf32> to vector<16xf32>
      %sub3A_2443 = arith.subf %get3A_2442, %get3A_80 : vector<16xf32>
      %mul3A_2444 = arith.mulf %sub3A_2443, %sub3A_2443 : vector<16xf32>
      %add3A_2445 = arith.addf %add3A_2437, %mul3A_2444 : vector<16xf32>
      %get3A_2446 = arith.index_cast %shift_right_arithmetic3A_143 : i32 to index
      %get3A_2447 = arith.index_cast %add3A_2334 : i32 to index
      %get3A_2448 = arith.constant 224 : index
      %get3A_2449 = tpu.vector_load %arg6[%get3A_2446, %get3A_2447, %get3A_2448] {strides = array<i32>} : memref<1x64x256xf32, #tpu.memory_space<vmem>>, vector<1x1x16xf32>,
      %get3A_2450 = vector.shape_cast %get3A_2449 : vector<1x1x16xf32> to vector<16xf32>
      %sub3A_2451 = arith.subf %get3A_2450, %get3A_83 : vector<16xf32>
      %mul3A_2452 = arith.mulf %sub3A_2451, %sub3A_2451 : vector<16xf32>
      %add3A_2453 = arith.addf %add3A_2445, %mul3A_2452 : vector<16xf32>
      %get3A_2454 = arith.index_cast %shift_right_arithmetic3A_143 : i32 to index
      %get3A_2455 = arith.index_cast %add3A_2334 : i32 to index
      %get3A_2456 = arith.constant 240 : index
      %get3A_2457 = tpu.vector_load %arg6[%get3A_2454, %get3A_2455, %get3A_2456] {strides = array<i32>} : memref<1x64x256xf32, #tpu.memory_space<vmem>>, vector<1x1x16xf32>,
      %get3A_2458 = vector.shape_cast %get3A_2457 : vector<1x1x16xf32> to vector<16xf32>
      %sub3A_2459 = arith.subf %get3A_2458, %get3A_86 : vector<16xf32>
      %mul3A_2460 = arith.mulf %sub3A_2459, %sub3A_2459 : vector<16xf32>
      %add3A_2461 = arith.addf %add3A_2453, %mul3A_2460 : vector<16xf32>
      %lt3A_2462 = arith.constant 0 : i32
      %lt3A_2463 = vector.broadcast %lt3A_2462 : i32 to vector<16xi32>
      %lt3A_2464 = arith.cmpi slt, %xor3A_110, %lt3A_2463 : vector<16xi32>
      %add3A_2465 = arith.constant 16 : i32
      %add3A_2466 = vector.broadcast %add3A_2465 : i32 to vector<16xi32>
      %add3A_2467 = arith.addi %xor3A_110, %add3A_2466 : vector<16xi32>
      %select_n3A_2468 = arith.select %lt3A_2464, %add3A_2467, %xor3A_110 : vector<16xi1>, vector<16xi32>
      %broadcast_in_dim3A_2469 = vector.shape_cast %select_n3A_2468 : vector<16xi32> to vector<16x1xi32>
      %gather3A_2470 = vector.shape_cast %broadcast_in_dim3A_2469 : vector<16x1xi32> to vector<16xi32>
      %gather3A_2471 = tpu.dynamic_gather %add3A_2461[%gather3A_2470] in [0] : vector<16xf32>, vector<16xi32> -> vector<16xf32>
      %select_n3A_2472 = arith.select %eq3A_90, %add3A_2332, %gather3A_2471 : vector<16xi1>, vector<16xf32>
      %lt3A_2473 = arith.constant 0 : i32
      %lt3A_2474 = vector.broadcast %lt3A_2473 : i32 to vector<16xi32>
      %lt3A_2475 = arith.cmpi slt, %xor3A_110, %lt3A_2474 : vector<16xi32>
      %add3A_2476 = arith.constant 16 : i32
      %add3A_2477 = vector.broadcast %add3A_2476 : i32 to vector<16xi32>
      %add3A_2478 = arith.addi %xor3A_110, %add3A_2477 : vector<16xi32>
      %select_n3A_2479 = arith.select %lt3A_2475, %add3A_2478, %xor3A_110 : vector<16xi1>, vector<16xi32>
      %broadcast_in_dim3A_2480 = vector.shape_cast %select_n3A_2479 : vector<16xi32> to vector<16x1xi32>
      %gather3A_2481 = vector.shape_cast %broadcast_in_dim3A_2480 : vector<16x1xi32> to vector<16xi32>
      %gather3A_2482 = tpu.dynamic_gather %add3A_2332[%gather3A_2481] in [0] : vector<16xf32>, vector<16xi32> -> vector<16xf32>
      %select_n3A_2483 = arith.select %eq3A_90, %gather3A_2482, %add3A_2461 : vector<16xi1>, vector<16xf32>
      %add3A_2484 = arith.addf %select_n3A_2472, %select_n3A_2483 : vector<16xf32>
      %lt3A_2485 = arith.constant 0 : i32
      %lt3A_2486 = vector.broadcast %lt3A_2485 : i32 to vector<16xi32>
      %lt3A_2487 = arith.cmpi slt, %xor3A_113, %lt3A_2486 : vector<16xi32>
      %add3A_2488 = arith.constant 16 : i32
      %add3A_2489 = vector.broadcast %add3A_2488 : i32 to vector<16xi32>
      %add3A_2490 = arith.addi %xor3A_113, %add3A_2489 : vector<16xi32>
      %select_n3A_2491 = arith.select %lt3A_2487, %add3A_2490, %xor3A_113 : vector<16xi1>, vector<16xi32>
      %broadcast_in_dim3A_2492 = vector.shape_cast %select_n3A_2491 : vector<16xi32> to vector<16x1xi32>
      %gather3A_2493 = vector.shape_cast %broadcast_in_dim3A_2492 : vector<16x1xi32> to vector<16xi32>
      %gather3A_2494 = tpu.dynamic_gather %add3A_2484[%gather3A_2493] in [0] : vector<16xf32>, vector<16xi32> -> vector<16xf32>
      %select_n3A_2495 = arith.select %eq3A_96, %add3A_2203, %gather3A_2494 : vector<16xi1>, vector<16xf32>
      %lt3A_2496 = arith.constant 0 : i32
      %lt3A_2497 = vector.broadcast %lt3A_2496 : i32 to vector<16xi32>
      %lt3A_2498 = arith.cmpi slt, %xor3A_113, %lt3A_2497 : vector<16xi32>
      %add3A_2499 = arith.constant 16 : i32
      %add3A_2500 = vector.broadcast %add3A_2499 : i32 to vector<16xi32>
      %add3A_2501 = arith.addi %xor3A_113, %add3A_2500 : vector<16xi32>
      %select_n3A_2502 = arith.select %lt3A_2498, %add3A_2501, %xor3A_113 : vector<16xi1>, vector<16xi32>
      %broadcast_in_dim3A_2503 = vector.shape_cast %select_n3A_2502 : vector<16xi32> to vector<16x1xi32>
      %gather3A_2504 = vector.shape_cast %broadcast_in_dim3A_2503 : vector<16x1xi32> to vector<16xi32>
      %gather3A_2505 = tpu.dynamic_gather %add3A_2203[%gather3A_2504] in [0] : vector<16xf32>, vector<16xi32> -> vector<16xf32>
      %select_n3A_2506 = arith.select %eq3A_96, %gather3A_2505, %add3A_2484 : vector<16xi1>, vector<16xf32>
      %add3A_2507 = arith.addf %select_n3A_2495, %select_n3A_2506 : vector<16xf32>
      %lt3A_2508 = arith.constant 0 : i32
      %lt3A_2509 = vector.broadcast %lt3A_2508 : i32 to vector<16xi32>
      %lt3A_2510 = arith.cmpi slt, %xor3A_116, %lt3A_2509 : vector<16xi32>
      %add3A_2511 = arith.constant 16 : i32
      %add3A_2512 = vector.broadcast %add3A_2511 : i32 to vector<16xi32>
      %add3A_2513 = arith.addi %xor3A_116, %add3A_2512 : vector<16xi32>
      %select_n3A_2514 = arith.select %lt3A_2510, %add3A_2513, %xor3A_116 : vector<16xi1>, vector<16xi32>
      %broadcast_in_dim3A_2515 = vector.shape_cast %select_n3A_2514 : vector<16xi32> to vector<16x1xi32>
      %gather3A_2516 = vector.shape_cast %broadcast_in_dim3A_2515 : vector<16x1xi32> to vector<16xi32>
      %gather3A_2517 = tpu.dynamic_gather %add3A_2507[%gather3A_2516] in [0] : vector<16xf32>, vector<16xi32> -> vector<16xf32>
      %select_n3A_2518 = arith.select %eq3A_102, %add3A_1922, %gather3A_2517 : vector<16xi1>, vector<16xf32>
      %lt3A_2519 = arith.constant 0 : i32
      %lt3A_2520 = vector.broadcast %lt3A_2519 : i32 to vector<16xi32>
      %lt3A_2521 = arith.cmpi slt, %xor3A_116, %lt3A_2520 : vector<16xi32>
      %add3A_2522 = arith.constant 16 : i32
      %add3A_2523 = vector.broadcast %add3A_2522 : i32 to vector<16xi32>
      %add3A_2524 = arith.addi %xor3A_116, %add3A_2523 : vector<16xi32>
      %select_n3A_2525 = arith.select %lt3A_2521, %add3A_2524, %xor3A_116 : vector<16xi1>, vector<16xi32>
      %broadcast_in_dim3A_2526 = vector.shape_cast %select_n3A_2525 : vector<16xi32> to vector<16x1xi32>
      %gather3A_2527 = vector.shape_cast %broadcast_in_dim3A_2526 : vector<16x1xi32> to vector<16xi32>
      %gather3A_2528 = tpu.dynamic_gather %add3A_1922[%gather3A_2527] in [0] : vector<16xf32>, vector<16xi32> -> vector<16xf32>
      %select_n3A_2529 = arith.select %eq3A_102, %gather3A_2528, %add3A_2507 : vector<16xi1>, vector<16xf32>
      %add3A_2530 = arith.addf %select_n3A_2518, %select_n3A_2529 : vector<16xf32>
      %lt3A_2531 = arith.constant 0 : i32
      %lt3A_2532 = vector.broadcast %lt3A_2531 : i32 to vector<16xi32>
      %lt3A_2533 = arith.cmpi slt, %xor3A_119, %lt3A_2532 : vector<16xi32>
      %add3A_2534 = arith.constant 16 : i32
      %add3A_2535 = vector.broadcast %add3A_2534 : i32 to vector<16xi32>
      %add3A_2536 = arith.addi %xor3A_119, %add3A_2535 : vector<16xi32>
      %select_n3A_2537 = arith.select %lt3A_2533, %add3A_2536, %xor3A_119 : vector<16xi1>, vector<16xi32>
      %broadcast_in_dim3A_2538 = vector.shape_cast %select_n3A_2537 : vector<16xi32> to vector<16x1xi32>
      %gather3A_2539 = vector.shape_cast %broadcast_in_dim3A_2538 : vector<16x1xi32> to vector<16xi32>
      %gather3A_2540 = tpu.dynamic_gather %add3A_2530[%gather3A_2539] in [0] : vector<16xf32>, vector<16xi32> -> vector<16xf32>
      %select_n3A_2541 = arith.select %eq3A_108, %add3A_1337, %gather3A_2540 : vector<16xi1>, vector<16xf32>
      %lt3A_2542 = arith.constant 0 : i32
      %lt3A_2543 = vector.broadcast %lt3A_2542 : i32 to vector<16xi32>
      %lt3A_2544 = arith.cmpi slt, %xor3A_119, %lt3A_2543 : vector<16xi32>
      %add3A_2545 = arith.constant 16 : i32
      %add3A_2546 = vector.broadcast %add3A_2545 : i32 to vector<16xi32>
      %add3A_2547 = arith.addi %xor3A_119, %add3A_2546 : vector<16xi32>
      %select_n3A_2548 = arith.select %lt3A_2544, %add3A_2547, %xor3A_119 : vector<16xi1>, vector<16xi32>
      %broadcast_in_dim3A_2549 = vector.shape_cast %select_n3A_2548 : vector<16xi32> to vector<16x1xi32>
      %gather3A_2550 = vector.shape_cast %broadcast_in_dim3A_2549 : vector<16x1xi32> to vector<16xi32>
      %gather3A_2551 = tpu.dynamic_gather %add3A_1337[%gather3A_2550] in [0] : vector<16xf32>, vector<16xi32> -> vector<16xf32>
      %select_n3A_2552 = arith.select %eq3A_108, %gather3A_2551, %add3A_2530 : vector<16xi1>, vector<16xf32>
      %add3A_2553 = arith.addf %select_n3A_2541, %select_n3A_2552 : vector<16xf32>
      %swap3A = arith.index_cast %shift_right_arithmetic3A_143 : i32 to index
      %swap3A_2554 = arith.index_cast %shift_left3A_146 : i32 to index
      %swap3A_2555 = tpu.vector_load %arg7[%swap3A, %swap3A_2554] {strides = array<i32>} : memref<1x64xf32, #tpu.memory_space<vmem>>, vector<1x16xf32>,
      %swap3A_2556 = vector.shape_cast %swap3A_2555 : vector<1x16xf32> to vector<16xf32>
      %swap3A_2557 = vector.shape_cast %add3A_2553 : vector<16xf32> to vector<1x16xf32>
      tpu.vector_store %arg7[%swap3A, %swap3A_2554], %swap3A_2557 {strides = array<i32>} : memref<1x64xf32, #tpu.memory_space<vmem>>, vector<1x16xf32>,
    }
    %scan3A_141 = arith.constant 4 : i32
    "tpu.region"() ({
      %run_scoped3A = tpu.sem_alloc : memref<!tpu.dma_semaphore, #tpu.memory_space<semaphore_mem>>
      %dma_start3A_142 = arith.constant 0 : i32
      %dma_start3A_143 = tpu.memref_slice %arg4[%mul3A_2, %dma_start3A_142] : memref<32x64xf32, #tpu.memory_space<hbm>> -> memref<1x64xf32, #tpu.memory_space<hbm>>
      %dma_start3A_144 = arith.constant 0 : i32
      %dma_start3A_145 = tpu.memref_slice %arg4[%mul3A_2, %dma_start3A_144] : memref<32x64xf32, #tpu.memory_space<hbm>> -> memref<1x64xf32, #tpu.memory_space<hbm>>
      tpu.enqueue_dma source(%arg7 : memref<1x64xf32, #tpu.memory_space<vmem>>) target(%dma_start3A_145 : memref<1x64xf32, #tpu.memory_space<hbm>>) target_semaphore(%run_scoped3A : memref<!tpu.dma_semaphore, #tpu.memory_space<semaphore_mem>>)
      %dma_wait3A_146 = arith.constant 0 : i32
      %dma_wait3A_147 = tpu.memref_slice %arg4[%mul3A_2, %dma_wait3A_146] : memref<32x64xf32, #tpu.memory_space<hbm>> -> memref<1x64xf32, #tpu.memory_space<hbm>>
      %dma_wait3A_148 = arith.constant 0 : i32
      %dma_wait3A_149 = tpu.memref_slice %arg4[%mul3A_2, %dma_wait3A_148] : memref<32x64xf32, #tpu.memory_space<hbm>> -> memref<1x64xf32, #tpu.memory_space<hbm>>
      tpu.wait_dma2 semaphore(%run_scoped3A : memref<!tpu.dma_semaphore, #tpu.memory_space<semaphore_mem>>) src(%arg7 : memref<1x64xf32, #tpu.memory_space<vmem>>) dst(%dma_wait3A_149 : memref<1x64xf32, #tpu.memory_space<hbm>>)
      tpu.yield
    }) : () -> ()
    return
  }
}

module attributes {stable_mosaic.version = 14 : i64} {
  func.func @_som_tc_body(%arg0: i32, %arg1: memref<1x1x256xf32, #tpu.memory_space<vmem>>, %arg2: memref<16x64x256xf32, #tpu.memory_space<vmem>>, %arg3: memref<16x64xf32, #tpu.memory_space<vmem>>) attributes {dimension_semantics = [#tpu.dimension_semantics<arbitrary>], iteration_bounds = array<i64: 6>, scalar_prefetch = 0 : i64, scratch_operands = 0 : i64, tpu.core_type = #tpu.core_type<tc>, window_params = [{pipeline_mode = #tpu.pipeline_mode<synchronous>, transform_indices = @transform_0, window_bounds = array<i64: 1, 1, 256>}, {transform_indices = @transform_1, window_bounds = array<i64: 16, 64, 256>}, {transform_indices = @transform_2, window_bounds = array<i64: 16, 64>}]} {
    %get3A = arith.constant 0 : index
    %get3A_0 = arith.constant 0 : index
    %get3A_1 = arith.constant 0 : index
    %get3A_2 = vector.load %arg2[%get3A, %get3A_0, %get3A_1] : memref<16x64x256xf32, #tpu.memory_space<vmem>>, vector<16x64x256xf32>
    %get3A_3 = arith.constant 0 : index
    %get3A_4 = arith.constant 0 : index
    %get3A_5 = arith.constant 0 : index
    %get3A_6 = vector.load %arg1[%get3A_3, %get3A_4, %get3A_5] : memref<1x1x256xf32, #tpu.memory_space<vmem>>, vector<1x1x256xf32>
    %sub3A = vector.broadcast %get3A_6 : vector<1x1x256xf32> to vector<16x64x256xf32>
    %sub3A_7 = arith.subf %get3A_2, %sub3A : vector<16x64x256xf32>
    %mul3A = arith.mulf %sub3A_7, %sub3A_7 : vector<16x64x256xf32>
    %reduce_sum3A = arith.constant dense<0.000000e+00> : vector<16x64xf32>
    %reduce_sum3A_8 = vector.multi_reduction <add>, %mul3A, %reduce_sum3A [2] : vector<16x64x256xf32> to vector<16x64xf32>
    %swap3A = arith.constant 0 : index
    %swap3A_9 = arith.constant 0 : index
    %swap3A_10 = vector.load %arg3[%swap3A, %swap3A_9] : memref<16x64xf32, #tpu.memory_space<vmem>>, vector<16x64xf32>
    tpu.vector_store %arg3[%swap3A, %swap3A_9], %reduce_sum3A_8 {strides = array<i32>} : memref<16x64xf32, #tpu.memory_space<vmem>>, vector<16x64xf32>,
    return
  }
  func.func @transform_0(%arg0: i32) -> (i32, i32, i32) {
    %c0_i32 = arith.constant 0 : i32
    %c0_i32_0 = arith.constant 0 : i32
    %c0_i32_1 = arith.constant 0 : i32
    %c0_i32_2 = arith.constant 0 : i32
    return %c0_i32, %c0_i32_0, %c0_i32_1 : i32, i32, i32
  }
  func.func @transform_1(%arg0: i32) -> (i32, i32, i32) {
    %add3A = arith.constant 2 : i32
    %add3A_0 = arith.addi %add3A, %arg0 : i32
    %c0_i32 = arith.constant 0 : i32
    %c0_i32_1 = arith.constant 0 : i32
    %c0_i32_2 = arith.constant 0 : i32
    return %add3A_0, %c0_i32, %c0_i32_1 : i32, i32, i32
  }
  func.func @transform_2(%arg0: i32) -> (i32, i32) {
    %c0_i32 = arith.constant 0 : i32
    %c0_i32_0 = arith.constant 0 : i32
    return %arg0, %c0_i32 : i32, i32
  }
}

</mosaic_0001>

<sc_bundles>
// kernel: kernel.4.cloned.1.call-start
scs
__scs_entry_jumppad:
0x0: {  	(pc) =	sbr.rel $0x88, $3  }
0x1: {  	(tag) =	ssettag $0x0;
	lr =	simm.s32 $0x1  }
0x2: {  	[smem:$0x3F9F] =	sst lr;
	_ =	strace $0xD0000000  }
0x3: {  	_ = 	snop  }
0x4: {  	_ = 	snop  }
0x5: {  	_ = 	snop  }
0x6: {  	_ = 	snop  }
0x7: {  	_ = 	snop  }
__scs_overlays_trampoline_lowered:
0x8: {  	[smem:$0x3FAE] =	sst s0  }
0x9: {  	[smem:$0x3FAF] =	sst s1  }
0xa: {  	[smem:$0x3FB0] =	sst s2  }
0xb: {  	[smem:$0x3FB1] =	sst s3  }
0xc: {  	[smem:$0x3FB2] =	sst s4  }
0xd: {  	[smem:$0x3FB3] =	sst s5  }
0xe: {  	[smem:$0x3FB4] =	sst s6  }
0xf: {  	[smem:$0x3FB5] =	sst s7  }
0x10: {  	[smem:$0x3FB6] =	sst s8  }
0x11: {  	[smem:$0x3FB7] =	sst s9;
	s0 =	simm.s32 @!p0 $0x0  }
0x12: {  	s1 =	sld [smem:$0x3F9D];
	s0 =	simm.s32 @p0 $0x1  }
0x13: {  	[smem:$0x3FB8] =	sst s0;
	s0 =	simm.s32 @!p1 $0x0  }
0x14: {  	s2 =	sld [smem:$0x3F9C];
	s0 =	simm.s32 @p1 $0x1  }
0x15: {  	[smem:$0x3FB9] =	sst s0;
	s0 =	simm.s32 @!p2 $0x0  }
0x16: {  	s3 =	sld [smem:$0x3FDB];
	s0 =	simm.s32 @p2 $0x1  }
0x17: {  	s4 =	simm.s32 $0x1BF5;
	[smem:$0x3FBB] =	sst s0  }
0x18: {  	s0 =	sld [smem:$0x3F9E];
	_ =	swait.ge [sflag:s4], $0x0  }
0x19: {  	s7 =	sld [smem:$0x3F9F]  }
0x1a: {  	s8 =	sadd.s32 $0xFFFFE003, lr  }
0x1b: {  	s9 =	sadd.s32 $0xFFFFFEF7, lr;
	s5 =	simm.s32 $0xFFFFFFFF;
	p2 =	slt.u32 s8, $0xFFFFF086  }
0x1c: {  	p1 =	slt.u32 s9, $0xF7A;
	s5 =	simm.s32 @!p2 $0x0  }
0x1d: {  	s5 =	simm.s32 @p1 $0x1;
	p0 =	seq.s32 s7, s2  }
0x1e: {  	s7 =	smul.u32 @!p0 $0xF7A, s2;
	p2 =	seq.s32 @!p0 s5, $0x0  }
0x1f: {  	s9 =	smul.u32 $0xF7A, s1;
	s8 =	simm.s32 @!p0 $0x1BF5;
	p2 =	por !p2, p0  }
0x20: {  	[sflag:s8] =	ssyncset.s32 @!p0 $0xFFFFF086;
	s6 =	sadd.s32 @!p0 s3, s7;
	s7 =	simm.s32 @!p0 $0x108  }
0x21: {  	s3 =	sadd.s32 s3, s9;
	s6 =	sadd.s32 @!p0 $0x88, s6;
	s7 =	simm.s32 @p2 $0x1082  }
0x22: {  	[simem:s7], [sflag:s8] =	dma.local @!p0 [hbm:s6], $0xF7A  }
0x23: {  	s9 =	sor.u32 $0xD0000000, s2;
	s6 =	simm.s32 $0x108;
	_ =	swait.ge @!p0 [sflag:s8], $0x0  }
0x24: {  	s3 =	sadd.s32 $0x88, s3;
	s6 =	simm.s32 @!p1 $0x1082;
	[sflag:s4] =	ssyncset.s32 $0xFFFFF086  }
0x25: {  	[simem:s6], [sflag:s4] =	dma.local [hbm:s3], $0xF7A  }
0x26: {  	[smem:$0x3F9F] =	sst s1;
	(tag) =	ssettag s2;
	_ =	strace s9  }
0x27: {  	s1 =	sld [smem:$0x3FAF]  }
0x28: {  	s2 =	sld [smem:$0x3FB0]  }
0x29: {  	s4 =	sld [smem:$0x3FB2]  }
0x2a: {  	p0 =	seq.s32 s5, $0x0;
	s5 =	sld [smem:$0x3FB3]  }
0x2b: {  	s6 =	sld [smem:$0x3FB4]  }
0x2c: {  	s7 =	sld [smem:$0x3FB5]  }
0x2d: {  	s3 =	simm.s32 $0x108;
	s8 =	sld [smem:$0x3FB6]  }
0x2e: {  	s3 =	simm.s32 @!p0 $0x1082;
	s9 =	sld [smem:$0x3FB7]  }
0x2f: {  	lr =	sadd.s32 s0, s3;
	s0 =	sld [smem:$0x3FAE]  }
0x30: {  	s3 =	sld [smem:$0x3FB1]  }
0x31: {  	[smem:$0x3FBA] =	sst s10  }
0x32: {  	s10 =	sld [smem:$0x3FB8];
	_ =	sdelay $0x3  }
0x33: {  	p0 =	seq.s32 s10, $0x1;
	s10 =	sld [smem:$0x3FBA];
	_ =	sdelay $0x3  }
0x34: {  	[smem:$0x3FBA] =	sst s10  }
0x35: {  	s10 =	sld [smem:$0x3FB9];
	_ =	sdelay $0x3  }
0x36: {  	p1 =	seq.s32 s10, $0x1;
	s10 =	sld [smem:$0x3FBA];
	_ =	sdelay $0x3  }
0x37: {  	[smem:$0x3FBA] =	sst s10  }
0x38: {  	s10 =	sld [smem:$0x3FBB]  }
0x39: {  	_ = 	snop;
	(pc) =	sbr.ind lr, $3  }
0x3a: {  	_ = 	snop  }
0x3b: {  	_ = 	snop  }
0x3c: {  	p2 =	seq.s32 s10, $0x1;
	s10 =	sld [smem:$0x3FBA]  }
0x3d: {  	_ =	shalt  }
0x3e: {  	_ =	shalt  }
0x3f: {  	_ =	shalt  }
0x40: {  	_ =	shalt  }
0x41: {  	_ =	shalt  }
0x42: {  	_ =	shalt  }
0x43: {  	_ =	shalt  }
0x44: {  	_ =	shalt  }
0x45: {  	_ =	shalt  }
0x46: {  	_ =	shalt  }
0x47: {  	_ =	shalt  }
0x48: {  	_ =	shalt  }
0x49: {  	_ =	shalt  }
0x4a: {  	_ =	shalt  }
0x4b: {  	_ =	shalt  }
0x4c: {  	_ =	shalt  }
0x4d: {  	_ =	shalt  }
0x4e: {  	_ =	shalt  }
0x4f: {  	_ =	shalt  }
0x50: {  	_ =	shalt  }
0x51: {  	_ =	shalt  }
0x52: {  	_ =	shalt  }
0x53: {  	_ =	shalt  }
0x54: {  	_ =	shalt  }
0x55: {  	_ =	shalt  }
0x56: {  	_ =	shalt  }
0x57: {  	_ =	shalt  }
0x58: {  	_ =	shalt  }
0x59: {  	_ =	shalt  }
0x5a: {  	_ =	shalt  }
0x5b: {  	_ =	shalt  }
0x5c: {  	_ =	shalt  }
0x5d: {  	_ =	shalt  }
0x5e: {  	_ =	shalt  }
0x5f: {  	_ =	shalt  }
0x60: {  	_ =	shalt  }
0x61: {  	_ =	shalt  }
0x62: {  	_ =	shalt  }
0x63: {  	_ =	shalt  }
0x64: {  	_ =	shalt  }
0x65: {  	_ =	shalt  }
0x66: {  	_ =	shalt  }
0x67: {  	_ =	shalt  }
0x68: {  	_ =	shalt  }
0x69: {  	_ =	shalt  }
0x6a: {  	_ =	shalt  }
0x6b: {  	_ =	shalt  }
0x6c: {  	_ =	shalt  }
0x6d: {  	_ =	shalt  }
0x6e: {  	_ =	shalt  }
0x6f: {  	_ =	shalt  }
0x70: {  	_ =	shalt  }
0x71: {  	_ =	shalt  }
0x72: {  	_ =	shalt  }
0x73: {  	_ =	shalt  }
0x74: {  	_ =	shalt  }
0x75: {  	_ =	shalt  }
0x76: {  	_ =	shalt  }
0x77: {  	_ =	shalt  }
0x78: {  	_ =	shalt  }
0x79: {  	_ =	shalt  }
0x7a: {  	_ =	shalt  }
0x7b: {  	_ =	shalt  }
0x7c: {  	_ =	shalt  }
0x7d: {  	_ =	shalt  }
0x7e: {  	_ =	shalt  }
0x7f: {  	_ =	shalt  }
0x80: {  	_ =	shalt  }
0x81: {  	_ =	shalt  }
0x82: {  	_ =	shalt  }
0x83: {  	_ =	shalt  }
0x84: {  	_ =	shalt  }
0x85: {  	_ =	shalt  }
0x86: {  	_ =	shalt  }
0x87: {  	_ =	shalt  }
.Lfunc_end0:
.L_simem_size_0:
called_computation_lowered:
.L_overlay_start_0:
0x88: {  	s2 =	sld [smem:$0x3FD9]  }
0x89: {  	s3 =	sld [smem:$0x3FFE];
	_ =	sdelay $0x1  }
0x8a: {  	s1 =	srdreg.scid  }
0x8b: {  	s0 =	sand.u32 $0x1, s1  }
0x8c: {  	s18 =	sshll.u32 s0, $0xA;
	s2 =	sadd.s32 s3, s2  }
0x8d: {  	s2 =	sadd.s32 s2, s18  }
0x8e: {  	[smem:$0x3FC6] =	sst s2  }
0x8f: {  	_ = 	snop  }
0x90: {  	s2 =	sld [smem:$0x3FC9]  }
0x91: {  	s19 =	sld [smem:$0x3FC8]  }
0x92: {  	s4 =	sld [smem:$0x3FD0];
	(tm) =	ssettm $0x1  }
0x93: {  	s5 =	sld [smem:$0x3FFB];
	_ =	sdelay $0x3  }
0x94: {  	_ =	strace s5  }
0x95: {  	s5 =	sld [smem:$0x3FFC];
	_ =	sdelay $0x3  }
0x96: {  	_ =	strace s5  }
0x97: {  	s5 =	sld [smem:$0x3FFD];
	_ =	sdelay $0x3  }
0x98: {  	_ =	strace s5  }
0x99: {  	_ =	strace $0x8FFFFFFF  }
0x9a: {  	s20 =	sld [smem:$0x3FDB];
	_ =	sdelay $0x1  }
0x9b: {  	s6 =	simm.s32 $_scs_section_size  }
0x9c: {  	s7 =	simm.s32 $_size__tile_overlayer_lowered;
	s8 =	simm.s32 $_tile_overlayer_lowered  }
0x9d: {  	s23 =	simm.s32 $0x1BFF;
	s22 =	sshll.u32 s8, $0x1;
	s5 =	sadd.s32 s6, s20  }
0x9e: {  	s9 =	simm.s32 $0x0;
	s21 =	sshll.u32 s7, $0x1;
	s7 =	sadd.s32 s22, s5  }
0x9f: {  	[timem:s9], [sflag:s23] =	dma.local [hbm:s7], s21  }
0xa0: {  	_ =	swait.ge [sflag:s23], s21  }
0xa1: {  	s6 =	ssub.s32 $0x0, s21;
	[sflag:s23] =	ssyncset.done $0x0  }
0xa2: {  	[sflag:s23] =	ssyncadd.s32 s6;
	_ =	sdelay $0x1  }
0xa3: {  	s24 =	simm.s32 $0x1B8B  }
0xa4: {  	_ =	swait.ge [sflag:s24], $0x1  }
0xa5: {  	[sflag:s24] =	ssyncset.done $0x0  }
0xa6: {  	s25 =	simm.s32 $0x1B8E;
	[sflag:s24] =	ssyncadd.s32 $0xFFFFFFFF  }
0xa7: {  	s26 =	simm.s32 $execute0_lowered;
	[smem:$0x3FD2] =	sst s25  }
0xa8: {  	s6 =	sshll.u32 s26, $0x1;
	_ =	strace $0x80000046;
	[dreg:$0x1] =	wrdreg $0xFFFFFFFF  }
0xa9: {  	s28 =	simm.s32 $_size_execute0_lowered;
	s5 =	sadd.s32 s5, s6;
	[dreg:$0x0] =	wrdreg $0x0  }
0xaa: {  	s6 =	sshll.u32 s28, $0x1;
	[dreg:$0x2] =	wrdreg s5  }
0xab: {  	[dreg:$0x3] =	wrdreg s6  }
0xac: {  	[dreg:$0x4] =	wrdreg $0xC0  }
0xad: {  	_ =	task [dreg:s9], $0x5FFFF  }
0xae: {  	[dreg:$0x1] =	wrdreg $0xFFFFFFFF  }
0xaf: {  	[dreg:$0x0] =	wrdreg $0x60  }
0xb0: {  	[dreg:$0x2] =	wrdreg s2  }
0xb1: {  	[dreg:$0x3] =	wrdreg s19  }
0xb2: {  	[dreg:$0x4] =	wrdreg s4  }
0xb3: {  	[dreg:$0x5] =	wrdreg $0x9  }
0xb4: {  	_ =	task.clear_ibuf [dreg:s9], $0x6FFFF;
	_ =	strace $0x90000046  }
0xb5: {  	s29 =	simm.s32 $0x9;
	_ =	strace $0x80000048  }
0xb6: {  	_ =	swait.ge [sflag:s29], $0x1  }
0xb7: {  	[sflag:s29] =	ssyncadd.s32 $0xFFFFFFFF  }
0xb8: {  	_ =	strace $0x90000048  }
0xb9: {  	_ =	sfence  }
0xba: {  	s30 =	sld [smem:$0x0];
	_ =	sdelay $0x2  }
0xbb: {  	s31 =	sshll.u32 s1, $0xD;
	s1 =	sshrl.u32 s1, $0x2  }
0xbc: {  	s3 =	sand.u32 $0x4000, s31;
	s1 =	sadd.s32 s1, s30  }
0xbd: {  	s0 =	sor.u32 s3, s0;
	s1 =	sshll.u32 s1, $0x11  }
0xbe: {  	s0 =	sor.u32 s1, s0  }
0xbf: {  	s0 =	sadd.s32 $0x8F2B, s0  }
0xc0: {  	[sflag:s0] =	ssyncadd.remote.s32 $0x1  }
0xc1: {  	_ =	sfence.sel $0xFFFF  }
0xc2: {  	[dreg:$0x0] =	wrdreg $0xFFFFFFFF;
	(pc) =	sbr.abs _section_cstart, $3  }
0xc3: {  	[dreg:$0x1] =	wrdreg $0xFFFFFFFF  }
0xc4: {  	_ =	task.clear_ibuf [dreg:s9], $0x2FFFF;
	_ =	strace $0x9FFFFFFF  }
0xc5: {  	(tm) =	ssettm $0x7FFFFFFF  }
tec
execute0_lowered:
.L_overlay_start_1:
0x0: {  	(tag) =	ssettag $0x1  }
0x1: {  	v0 =	vimm.s32 $0x76543210;
	v1 =	vimm.s32 $0xFEDCBA98;
	v2 =	vimm.s32 $0xBA98FEDC  }
0x2: {  	v3 =	vimm.s32 $0x32107654;
	v4 =	vimm.s32 $0xDCFE98BA;
	v5 =	vimm.s32 $0x54761032  }
0x3: {  	vm0 =	vcmask $0x2F20;
	vm1 =	vcmask $0xF00;
	vm2 =	vcmask $0x1710  }
0x4: {  	vm3 =	vcmask $0x700;
	vm4 =	vcmask $0x300;
	v1 =	vunpack.c.l.s4.s8 v1  }
0x5: {  	v0 =	vunpack.c.l.s4.s8 v0;
	v2 =	vunpack.c.l.s4.s8 v2;
	v3 =	vunpack.c.l.s4.s8 v3  }
0x6: {  	v4 =	vunpack.c.l.s4.s8 v4;
	vm0 =	vmor vm1, vm0;
	v1 =	vunpack.c.0.s8.s32 v1  }
0x7: {  	v0 =	vunpack.c.0.s8.s32 v0;
	v2 =	vunpack.c.0.s8.s32 v2;
	v3 =	vunpack.c.0.s8.s32 v3  }
0x8: {  	vm1 =	vmor vm3, vm2;
	vm3 =	vcmask $0xB08;
	v1 =	vand.u32 $0xF, v1  }
0x9: {  	s0 =	rddreg [dreg:$0x0];
	v0 =	vcombine.low v1, v0;
	v1 =	vcombine.low v3, v2;
	v2 =	vunpack.c.l.s4.s8 v5  }
0xa: {  	s4 =	rddreg [dreg:$0x1];
	vm2 =	vcmask $0x2720;
	vm3 =	vmor vm4, vm3  }
0xb: {  	s6 =	rddreg [dreg:$0x2];
	vm4 =	vcmask $0x1310;
	v3 =	vunpack.c.0.s8.s32 v4;
	v2 =	vunpack.c.0.s8.s32 v2  }
0xc: {  	s1 =	rddreg [dreg:$0x3];
	vm1 =	vmor vm1, vm2;
	vm2 =	vcmask $0x3730;
	vm3 =	vmor vm3, vm4  }
0xd: {  	s5 =	srdreg.scid;
	s2 =	stileid.u32;
	v4 =	vimm.s32 $0x67452301;
	v2 =	vcombine.low v2, v3;
	v3 =	vimm.s32 $0xEFCDAB89  }
0xe: {  	s3 =	simm.s32 $0x0;
	s10 =	simm.s32 $0x3;
	s11 =	simm.s32 $0x1;
	vm4 =	vcmask $0x1B18;
	v4 =	vunpack.c.l.s4.s8 v4;
	v3 =	vunpack.c.l.s4.s8 v3  }
0xf: {  	s12 =	simm.s32 $0x4100;
	s13 =	simm.s32 $0x0;
	s5 =	sand.u32 $0x1, s5;
	vm1 =	vmor vm1, vm2;
	vm2 =	vmor vm3, vm4  }
0x10: {  	s7 =	sshll.u32 s2, $0x1;
	[smem:$0x7FF] =	sst s3;
	s8 =	ssub.s32 $0x2, s5;
	vm3 =	vcmask $0x2320;
	v4 =	vunpack.c.0.s8.s32 v4;
	v3 =	vunpack.c.0.s8.s32 v3  }
0x11: {  	s5 =	sor.u32 s5, s7;
	_ =	strace $0x80000047;
	s30 =	sshrl.u32 s8, $0x1;
	vm4 =	vcmask $0x2B28;
	vm3 =	vmor vm2, vm3;
	vm2 =	vmmov $0xff  }
0x12: {  	s9 =	sshll.u32 s5, $0xB;
	s31 =	sshll.u32 s5, $0x4;
	s7 =	ssub.s32 s8, s30;
	vm3 =	vmor vm3, vm4;
	vm4 =	vcmask $0x3330;
	v3 =	vcombine.low v4, v3  }
0x13: {  	s4 =	sadd.s32 s4, s9;
	s6 =	sadd.s32 s6, s31;
	s8 =	simm.s32 $0x100;
	vm3 =	vmor vm3, vm4;
	vm4 =	vcmask $0x3B38;
	v1 =	vand.u32 $0xF, v1  }
0x14: {  	s9 =	simm.s32 $0x2100;
	s5 =	sadd.s32 $0x400, s4;
	s7 =	smax.u32 s7, $0x1;
	vm3 =	vmor vm3, vm4;
	v2 =	vand.u32 $0xF, v2;
	v3 =	vand.u32 $0xF, v3  }
.LBB2_1:
0x15: {  	[tilespmem:s8], [sflag:$0x1] =	stream.linear.gather [hbm4b:s4+s3], $0x2000, $0x38;
	[tilespmem:$0x4180] =	vst v63  }
0x16: {  	_ = 	snop  }
0x17: {  	[tilespmem:s9], [sflag:$0x2] =	stream.linear.gather [hbm4b:s5+s3], $0x2000, $0x38;
	[tilespmem:$0x4180] =	vst v63  }
0x18: {  	_ = 	snop  }
0x19: {  	[tilespmem:s3], [sflag:$0x3] =	stream.linear.gather [hbm4b:s0+s3], $0x100, $0x38;
	[tilespmem:$0x4180] =	vst v63  }
0x1a: {  	_ =	swait.ge [sflag:s10], $0x100  }
0x1b: {  	[sflag:s10] =	ssyncset.done $0x0  }
0x1c: {  	[sflag:s10] =	ssyncadd.s32 $0xFFFFFF00  }
0x1d: {  	v4 =	vld [tilespmem:$0x0]  }
0x1e: {  	v5 =	vld [tilespmem:$0x10]  }
0x1f: {  	v6 =	vld [tilespmem:$0x20]  }
0x20: {  	v7 =	vld [tilespmem:$0x30]  }
0x21: {  	v8 =	vld [tilespmem:$0x40]  }
0x22: {  	v9 =	vld [tilespmem:$0x50]  }
0x23: {  	v10 =	vld [tilespmem:$0x60]  }
0x24: {  	v11 =	vld [tilespmem:$0x70]  }
0x25: {  	v12 =	vld [tilespmem:$0x80]  }
0x26: {  	v13 =	vld [tilespmem:$0x90]  }
0x27: {  	v14 =	vld [tilespmem:$0xA0]  }
0x28: {  	v15 =	vld [tilespmem:$0xB0]  }
0x29: {  	v16 =	vld [tilespmem:$0xC0]  }
0x2a: {  	v17 =	vld [tilespmem:$0xD0]  }
0x2b: {  	v18 =	vld [tilespmem:$0xE0]  }
0x2c: {  	v19 =	vld [tilespmem:$0xF0];
	_ =	swait.ge [sflag:s11], $0x2000  }
0x2d: {  	[sflag:s11] =	ssyncset.done $0x0  }
0x2e: {  	s14 =	simm.s32 $0x0;
	[sflag:s11] =	ssyncadd.s32 $0xFFFFE000  }
.LBB2_2:
0x2f: {  	p0 =	sne.s32 s14, $0x2  }
0x30: {  	s15 =	simm.s32 @!p0 $0x2  }
0x31: {  	_ =	swait.ge @!p0 [sflag:s15], $0x2000  }
0x32: {  	s16 =	sshll.u32 s14, $0xE;
	[sflag:s15] =	ssyncset.done @!p0 $0x0  }
0x33: {  	s30 =	sshra.s32 s16, $0x2;
	[sflag:s15] =	ssyncadd.s32 @!p0 $0xFFFFE000  }
0x34: {  	v20 =	vld [tilespmem:s30+$0x100]  }
0x35: {  	v21 =	vld [tilespmem:s30+$0x110]  }
0x36: {  	v22 =	vld [tilespmem:s30+$0x900]  }
0x37: {  	v23 =	vld [tilespmem:s30+$0x910]  }
0x38: {  	v24 =	vld [tilespmem:s30+$0x120]  }
0x39: {  	v25 =	vld [tilespmem:s30+$0x920]  }
0x3a: {  	v26 =	vld [tilespmem:s30+$0x130]  }
0x3b: {  	v27 =	vld [tilespmem:s30+$0x930]  }
0x3c: {  	v28 =	vld [tilespmem:s30+$0x140]  }
0x3d: {  	v29 =	vld [tilespmem:s30+$0x940]  }
0x3e: {  	v30 =	vld [tilespmem:s30+$0x150]  }
0x3f: {  	v43 =	vld [tilespmem:s30+$0x950]  }
0x40: {  	v31 =	vld [tilespmem:s30+$0x160];
	v20 =	vsub.f32 v20, v4  }
0x41: {  	v48 =	vld [tilespmem:s30+$0x960];
	v21 =	vsub.f32 v21, v5;
	v22 =	vsub.f32 v22, v4  }
0x42: {  	v49 =	vld [tilespmem:s30+$0x170];
	v23 =	vsub.f32 v23, v5;
	v24 =	vsub.f32 v24, v6  }
0x43: {  	v54 =	vld [tilespmem:s30+$0x970];
	v25 =	vsub.f32 v25, v6;
	v42 =	vsub.f32 v26, v7  }
0x44: {  	v55 =	vld [tilespmem:s30+$0x500];
	v45 =	vsub.f32 v27, v7;
	v47 =	vsub.f32 v28, v8  }
0x45: {  	v34 =	vld [tilespmem:s30+$0xD10];
	v51 =	vsub.f32 v29, v8;
	v53 =	vsub.f32 v30, v9  }
0x46: {  	v60 =	vld [tilespmem:s30+$0xD00];
	v57 =	vsub.f32 v43, v9;
	v59 =	vsub.f32 v31, v10  }
0x47: {  	v40 =	vld [tilespmem:s30+$0xD20];
	v63 =	vsub.f32 v48, v10;
	v33 =	vsub.f32 v49, v11  }
0x48: {  	v61 =	vld [tilespmem:s30+$0x510];
	v37 =	vsub.f32 v54, v11;
	v20 =	vmul.f32 v20, v20;
	v21 =	vmul.f32 v21, v21  }
0x49: {  	v35 =	vld [tilespmem:s30+$0x520];
	v39 =	vsub.f32 v55, v12;
	v22 =	vmul.f32 v22, v22;
	v23 =	vmul.f32 v23, v23  }
0x4a: {  	v49 =	vsub.f32 v34, v13;
	v34 =	vld [tilespmem:s30+$0x570];
	v41 =	vmul.f32 v24, v24;
	v44 =	vmul.f32 v25, v25  }
0x4b: {  	v43 =	vsub.f32 v60, v12;
	v46 =	vmul.f32 v42, v42;
	v52 =	vmul.f32 v47, v47;
	v47 =	vld [tilespmem:s30+$0x540]  }
0x4c: {  	v55 =	vsub.f32 v40, v14;
	v50 =	vmul.f32 v45, v45;
	v58 =	vmul.f32 v53, v53;
	v53 =	vld [tilespmem:s30+$0x550]  }
0x4d: {  	v56 =	vmul.f32 v51, v51;
	v32 =	vmul.f32 v59, v59;
	v59 =	vld [tilespmem:s30+$0x560];
	v20 =	vadd.f32 v21, v20  }
0x4e: {  	v62 =	vmul.f32 v57, v57;
	v38 =	vmul.f32 v33, v33;
	v33 =	vld [tilespmem:s30+$0xD60];
	v22 =	vadd.f32 v23, v22  }
0x4f: {  	v36 =	vmul.f32 v63, v63;
	v60 =	vmul.f32 v55, v55;
	v55 =	vld [tilespmem:s30+$0x330];
	v20 =	vadd.f32 v41, v20  }
0x50: {  	v42 =	vmul.f32 v37, v37;
	v45 =	vsub.f32 v61, v13;
	v22 =	vadd.f32 v44, v22;
	v41 =	vld [tilespmem:s30+$0x530]  }
0x51: {  	v51 =	vsub.f32 v35, v14;
	v44 =	vmul.f32 v39, v39;
	v39 =	vld [tilespmem:s30+$0xD70];
	v20 =	vadd.f32 v46, v20  }
0x52: {  	v48 =	vmul.f32 v43, v43;
	v63 =	vsub.f32 v47, v16;
	v22 =	vadd.f32 v50, v22;
	v46 =	vld [tilespmem:s30+$0xD30]  }
0x53: {  	v47 =	vsub.f32 v33, v18;
	v50 =	vmul.f32 v45, v45;
	v45 =	vld [tilespmem:s30+$0x310];
	v20 =	vadd.f32 v52, v20  }
0x54: {  	v54 =	vmul.f32 v49, v49;
	v27 =	vsub.f32 v55, v7;
	v22 =	vadd.f32 v56, v22;
	v52 =	vld [tilespmem:s30+$0xD40]  }
0x55: {  	v33 =	vld [tilespmem:s30+$0xB40];
	v37 =	vmul.f32 v63, v63;
	v57 =	vsub.f32 v41, v15;
	v20 =	vadd.f32 v58, v20  }
0x56: {  	v27 =	vmul.f32 v27, v27;
	v23 =	vsub.f32 v39, v19;
	v22 =	vadd.f32 v62, v22;
	v58 =	vld [tilespmem:s30+$0xD50]  }
0x57: {  	v56 =	vmul.f32 v51, v51;
	v39 =	vld [tilespmem:s30+$0xB70];
	v61 =	vsub.f32 v46, v15;
	v20 =	vadd.f32 v32, v20  }
0x58: {  	v51 =	vmul.f32 v47, v47;
	v29 =	vsub.f32 v45, v5;
	v45 =	vld [tilespmem:s30+$0x710];
	v22 =	vadd.f32 v36, v22  }
0x59: {  	v62 =	vmul.f32 v57, v57;
	v36 =	vsub.f32 v52, v16;
	v52 =	vld [tilespmem:s30+$0x320];
	v20 =	vadd.f32 v38, v20  }
0x5a: {  	v35 =	vmul.f32 v61, v61;
	v61 =	vld [tilespmem:s30+$0xB60];
	v22 =	vadd.f32 v42, v22;
	v38 =	vsub.f32 v53, v17  }
0x5b: {  	v23 =	vmul.f32 v23, v23;
	v42 =	vld [tilespmem:s30+$0x300];
	v53 =	vsub.f32 v34, v19;
	v41 =	vsub.f32 v58, v17  }
0x5c: {  	v34 =	vld [tilespmem:s30+$0x350];
	v40 =	vmul.f32 v36, v36;
	v36 =	vsub.f32 v33, v8;
	v20 =	vadd.f32 v44, v20  }
0x5d: {  	v32 =	vld [tilespmem:s30+$0x340];
	v29 =	vmul.f32 v29, v29;
	v22 =	vadd.f32 v48, v22;
	v44 =	vsub.f32 v59, v18  }
0x5e: {  	v48 =	vld [tilespmem:s30+$0xB00];
	v21 =	vmul.f32 v53, v53;
	v53 =	vsub.f32 v39, v11;
	v20 =	vadd.f32 v50, v20  }
0x5f: {  	v43 =	vmul.f32 v38, v38;
	v22 =	vadd.f32 v54, v22;
	v50 =	vld [tilespmem:s30+$0xB10];
	v25 =	vsub.f32 v52, v6  }
0x60: {  	v46 =	vmul.f32 v41, v41;
	v54 =	vld [tilespmem:s30+$0xB20];
	v47 =	vsub.f32 v61, v10;
	v61 =	vsub.f32 v45, v13  }
0x61: {  	v57 =	vld [tilespmem:s30+$0xB50];
	v41 =	vmul.f32 v36, v36;
	v28 =	vsub.f32 v42, v4;
	v38 =	vsub.f32 v34, v9  }
0x62: {  	v49 =	vmul.f32 v44, v44;
	v20 =	vadd.f32 v56, v20;
	v22 =	vadd.f32 v60, v22  }
0x63: {  	v56 =	vld [tilespmem:s30+$0xB30];
	v25 =	vmul.f32 v25, v25;
	v60 =	vsub.f32 v32, v8;
	v26 =	vsub.f32 v48, v4  }
0x64: {  	v28 =	vmul.f32 v28, v28;
	v20 =	vadd.f32 v62, v20;
	v22 =	vadd.f32 v35, v22  }
0x65: {  	v44 =	vld [tilespmem:s30+$0xF00];
	v52 =	vmul.f32 v47, v47;
	v24 =	vsub.f32 v50, v5;
	v30 =	vsub.f32 v54, v6  }
0x66: {  	v42 =	vmul.f32 v38, v38;
	v35 =	vld [tilespmem:s30+$0x360];
	v28 =	vadd.f32 v29, v28;
	v29 =	vsub.f32 v57, v9  }
0x67: {  	v62 =	vld [tilespmem:s30+$0x370];
	v26 =	vmul.f32 v26, v26;
	v20 =	vadd.f32 v37, v20;
	v22 =	vadd.f32 v40, v22  }
0x68: {  	v57 =	vld [tilespmem:s30+$0x730];
	v24 =	vmul.f32 v24, v24;
	v59 =	vsub.f32 v56, v7;
	v25 =	vadd.f32 v25, v28  }
0x69: {  	v38 =	vmul.f32 v61, v61;
	v50 =	vld [tilespmem:s30+$0xF10];
	v20 =	vadd.f32 v43, v20;
	v22 =	vadd.f32 v46, v22  }
0x6a: {  	v37 =	vmul.f32 v60, v60;
	v40 =	vld [tilespmem:s30+$0x700];
	v24 =	vadd.f32 v24, v26;
	v25 =	vadd.f32 v27, v25  }
0x6b: {  	v47 =	vld [tilespmem:s30+$0x760];
	v63 =	vmul.f32 v59, v59;
	v43 =	vsub.f32 v35, v10;
	v59 =	vsub.f32 v44, v12  }
0x6c: {  	v58 =	vmul.f32 v30, v30;
	v56 =	vld [tilespmem:s30+$0xF20];
	v20 =	vadd.f32 v49, v20;
	v22 =	vadd.f32 v51, v22  }
0x6d: {  	v46 =	vmul.f32 v29, v29;
	v49 =	vsub.f32 v62, v11;
	v51 =	vld [tilespmem:s30+$0x720];
	v45 =	vsub.f32 v57, v15  }
0x6e: {  	v62 =	vld [tilespmem:s30+$0xF30];
	v24 =	vadd.f32 v58, v24;
	v25 =	vadd.f32 v37, v25;
	v48 =	vmul.f32 v43, v43  }
0x6f: {  	v57 =	vld [tilespmem:s30+$0xF70];
	v55 =	vsub.f32 v40, v12;
	v58 =	vmul.f32 v53, v53;
	v37 =	vsub.f32 v50, v13  }
0x70: {  	v36 =	vmul.f32 v59, v59;
	v40 =	vld [tilespmem:s30+$0xF40];
	v24 =	vadd.f32 v63, v24;
	v25 =	vadd.f32 v42, v25  }
0x71: {  	v54 =	vmul.f32 v49, v49;
	v43 =	vsub.f32 v56, v14;
	v22 =	vadd.f32 v23, v22;
	v63 =	vld [tilespmem:s30+$0x740]  }
0x72: {  	v50 =	vmul.f32 v45, v45;
	v24 =	vadd.f32 v41, v24;
	v25 =	vadd.f32 v48, v25;
	v41 =	vld [tilespmem:s30+$0x750]  }
0x73: {  	v39 =	vsub.f32 v51, v14;
	v48 =	vmul.f32 v43, v43;
	v49 =	vsub.f32 v62, v15;
	v43 =	vld [tilespmem:s30+$0xA00]  }
0x74: {  	v60 =	vmul.f32 v55, v55;
	v62 =	vsub.f32 v47, v18;
	v24 =	vadd.f32 v46, v24;
	v46 =	vld [tilespmem:s30+$0xF50]  }
0x75: {  	v42 =	vmul.f32 v37, v37;
	v25 =	vadd.f32 v54, v25;
	v54 =	vsub.f32 v40, v16;
	v40 =	vld [tilespmem:s30+$0x220]  }
0x76: {  	v21 =	vadd.f32 v21, v20;
	v44 =	vmul.f32 v39, v39;
	v39 =	vmul.f32 v62, v62;
	v62 =	vld [tilespmem:s30+$0x610]  }
0x77: {  	v27 =	vperm.xlane v22, v0;
	v51 =	vsub.f32 v63, v16;
	v63 =	vld [tilespmem:s30+$0x200];
	v24 =	vadd.f32 v52, v24  }
0x78: {  	v34 =	vperm.xlane v21, v0;
	v25 =	vadd.f32 v60, v25;
	v52 =	vld [tilespmem:s30+$0xF60];
	v56 =	vsub.f32 v41, v17  }
0x79: {  	v21 =	vsel vm2, v21, v27;
	v31 =	vsub.f32 v43, v4;
	v24 =	vadd.f32 v58, v24;
	v58 =	vld [tilespmem:s30+$0x770]  }
0x7a: {  	v53 =	vmul.f32 v49, v49;
	v25 =	vadd.f32 v38, v25;
	v38 =	vld [tilespmem:s30+$0x210];
	v60 =	vsub.f32 v46, v17  }
0x7b: {  	v59 =	vmul.f32 v54, v54;
	v46 =	vld [tilespmem:s30+$0x230];
	v28 =	vsub.f32 v40, v6;
	v24 =	vadd.f32 v36, v24  }
0x7c: {  	v61 =	vmul.f32 v56, v56;
	v56 =	vld [tilespmem:s30+$0xA60];
	v25 =	vadd.f32 v44, v25;
	v47 =	vsub.f32 v63, v4  }
0x7d: {  	v55 =	vmul.f32 v51, v51;
	v44 =	vld [tilespmem:s30+$0xA10];
	v37 =	vsub.f32 v52, v18;
	v24 =	vadd.f32 v42, v24  }
0x7e: {  	v51 =	vld [tilespmem:s30+$0xA40];
	v31 =	vmul.f32 v31, v31;
	v25 =	vadd.f32 v50, v25;
	v42 =	vsub.f32 v57, v19  }
0x7f: {  	v29 =	vmul.f32 v47, v47;
	v50 =	vld [tilespmem:s30+$0xA30];
	v30 =	vsub.f32 v38, v5;
	v32 =	vsub.f32 v58, v19  }
0x80: {  	v41 =	vmul.f32 v37, v37;
	v37 =	vld [tilespmem:s30+$0x260];
	v24 =	vadd.f32 v48, v24;
	v25 =	vadd.f32 v55, v25  }
0x81: {  	v38 =	vld [tilespmem:s30+$0x270];
	v26 =	vsub.f32 v46, v7;
	v43 =	vsub.f32 v56, v10;
	v30 =	vmul.f32 v30, v30  }
0x82: {  	v36 =	vmul.f32 v60, v60;
	v48 =	vld [tilespmem:s30+$0xA20];
	v23 =	vsub.f32 v44, v5;
	v24 =	vadd.f32 v53, v24  }
0x83: {  	v49 =	vld [tilespmem:s30+$0x240];
	v28 =	vmul.f32 v28, v28;
	v25 =	vadd.f32 v61, v25;
	v29 =	vadd.f32 v30, v29  }
0x84: {  	v52 =	vld [tilespmem:s30+$0xA50];
	v45 =	vmul.f32 v42, v42;
	v54 =	vsub.f32 v50, v7;
	v30 =	vsub.f32 v51, v8  }
0x85: {  	v57 =	vld [tilespmem:s30+$0x600];
	v32 =	vmul.f32 v32, v32;
	v51 =	vsub.f32 v62, v13;
	v24 =	vadd.f32 v59, v24  }
0x86: {  	v47 =	vld [tilespmem:s30+$0x630];
	v23 =	vmul.f32 v23, v23;
	v25 =	vadd.f32 v39, v25;
	v60 =	vsub.f32 v37, v10  }
0x87: {  	v26 =	vmul.f32 v26, v26;
	v61 =	vld [tilespmem:s30+$0xA70];
	v40 =	vsub.f32 v38, v11;
	v33 =	vsub.f32 v48, v6  }
0x88: {  	v46 =	vld [tilespmem:s30+$0xE10];
	v28 =	vadd.f32 v28, v29;
	v23 =	vadd.f32 v23, v31;
	v58 =	vmul.f32 v54, v54  }
0x89: {  	v30 =	vmul.f32 v30, v30;
	v29 =	vsub.f32 v52, v9;
	v24 =	vadd.f32 v36, v24;
	v36 =	vld [tilespmem:s30+$0x250]  }
0x8a: {  	v42 =	vld [tilespmem:s30+$0x620];
	v48 =	vmul.f32 v43, v43;
	v53 =	vmul.f32 v33, v33;
	v26 =	vadd.f32 v26, v28  }
0x8b: {  	v52 =	vld [tilespmem:s30+$0xE20];
	v56 =	vmul.f32 v51, v51;
	v20 =	vadd.f32 v41, v24;
	v24 =	vsub.f32 v49, v8  }
0x8c: {  	v44 =	vmul.f32 v40, v40;
	v40 =	vld [tilespmem:s30+$0xE40];
	v49 =	vsub.f32 v61, v11;
	v23 =	vadd.f32 v53, v23  }
0x8d: {  	v63 =	vmul.f32 v60, v60;
	v41 =	vld [tilespmem:s30+$0xE00];
	v61 =	vsub.f32 v46, v13;
	v20 =	vadd.f32 v45, v20  }
0x8e: {  	v53 =	vld [tilespmem:s30+$0x640];
	v24 =	vmul.f32 v24, v24;
	v55 =	vsub.f32 v36, v9;
	v23 =	vadd.f32 v58, v23  }
0x8f: {  	v29 =	vmul.f32 v29, v29;
	v46 =	vld [tilespmem:s30+$0xE50];
	v45 =	vsub.f32 v57, v12;
	v57 =	vsub.f32 v42, v14  }
0x90: {  	v58 =	vld [tilespmem:s30+$0xE30];
	v24 =	vadd.f32 v24, v26;
	v59 =	vmul.f32 v55, v55;
	v23 =	vadd.f32 v30, v23  }
0x91: {  	v25 =	vadd.f32 v32, v25;
	v54 =	vmul.f32 v49, v49;
	v43 =	vsub.f32 v52, v14;
	v52 =	vld [tilespmem:s30+$0xE60]  }
0x92: {  	v62 =	vmul.f32 v57, v57;
	v57 =	vld [tilespmem:s30+$0xE70];
	v24 =	vadd.f32 v59, v24;
	v23 =	vadd.f32 v29, v23  }
0x93: {  	v50 =	vmul.f32 v45, v45;
	v55 =	vsub.f32 v41, v12;
	v45 =	vsub.f32 v53, v16;
	v59 =	vld [tilespmem:s30+$0x650]  }
0x94: {  	v42 =	vmul.f32 v61, v61;
	v41 =	vld [tilespmem:s30+$0x660];
	v24 =	vadd.f32 v63, v24;
	v23 =	vadd.f32 v48, v23  }
0x95: {  	v49 =	vsub.f32 v58, v15;
	v63 =	vsub.f32 v47, v15;
	v48 =	vmul.f32 v43, v43;
	v43 =	vld [tilespmem:s30+$0xC10]  }
0x96: {  	v60 =	vmul.f32 v55, v55;
	v47 =	vld [tilespmem:s30+$0x670];
	v24 =	vadd.f32 v44, v24;
	v23 =	vadd.f32 v54, v23  }
0x97: {  	v53 =	vmul.f32 v49, v49;
	v54 =	vsub.f32 v40, v16;
	v40 =	vsub.f32 v52, v18;
	v52 =	vld [tilespmem:s30+$0x440]  }
0x98: {  	v44 =	vmul.f32 v63, v63;
	v63 =	vld [tilespmem:s30+$0x410];
	v51 =	vsub.f32 v59, v17;
	v59 =	vsub.f32 v46, v17  }
0x99: {  	v46 =	vld [tilespmem:s30+$0xC20];
	v24 =	vadd.f32 v50, v24;
	v23 =	vadd.f32 v60, v23;
	v50 =	vmul.f32 v45, v45  }
0x9a: {  	v58 =	vmul.f32 v54, v54;
	v60 =	vld [tilespmem:s30+$0x400];
	v30 =	vmul.f32 v40, v40;
	v28 =	vsub.f32 v43, v5  }
0x9b: {  	v45 =	vld [tilespmem:s30+$0x420];
	v55 =	vmul.f32 v51, v51;
	v24 =	vadd.f32 v56, v24;
	v23 =	vadd.f32 v42, v23  }
0x9c: {  	v39 =	vmul.f32 v59, v59;
	v43 =	vld [tilespmem:s30+$0x800];
	v56 =	vsub.f32 v41, v18;
	v59 =	vsub.f32 v52, v8  }
0x9d: {  	v41 =	vld [tilespmem:s30+$0xC00];
	v28 =	vmul.f32 v28, v28;
	v24 =	vadd.f32 v62, v24;
	v23 =	vadd.f32 v48, v23  }
0x9e: {  	v54 =	vld [tilespmem:s30+$0xC40];
	v61 =	vmul.f32 v56, v56;
	v62 =	vsub.f32 v47, v19;
	v47 =	vsub.f32 v57, v19  }
0x9f: {  	v51 =	vld [tilespmem:s30+$0xC30];
	v26 =	vsub.f32 v46, v6;
	v49 =	vsub.f32 v60, v4;
	v40 =	vmul.f32 v59, v59  }
0xa0: {  	v57 =	vld [tilespmem:s30+$0xC50];
	v24 =	vadd.f32 v44, v24;
	v23 =	vadd.f32 v53, v23;
	v42 =	vmul.f32 v62, v62  }
0xa1: {  	v60 =	vld [tilespmem:s30+$0xC60];
	v44 =	vperm.xlane v20, v0;
	v53 =	vsub.f32 v45, v6;
	v59 =	vsub.f32 v43, v12  }
0xa2: {  	v26 =	vmul.f32 v26, v26;
	v31 =	vsub.f32 v41, v4;
	v24 =	vadd.f32 v50, v24  }
0xa3: {  	v37 =	vld [tilespmem:s30+$0x9A0];
	v32 =	vmul.f32 v49, v49;
	v23 =	vadd.f32 v58, v23;
	v50 =	vsub.f32 v63, v5  }
0xa4: {  	v48 =	vld [tilespmem:s30+$0x430];
	v56 =	vmul.f32 v53, v53;
	v58 =	vsub.f32 v51, v7;
	v63 =	vsub.f32 v54, v8  }
0xa5: {  	v49 =	vld [tilespmem:s30+$0x810];
	v31 =	vmul.f32 v31, v31;
	v45 =	vsub.f32 v57, v9;
	v24 =	vadd.f32 v55, v24  }
0xa6: {  	v29 =	vadd.f32 v39, v23;
	v23 =	vsel vm2, v34, v22;
	v51 =	vsub.f32 v60, v10  }
0xa7: {  	v54 =	vld [tilespmem:s30+$0x1010];
	v33 =	vmul.f32 v50, v50;
	v28 =	vadd.f32 v28, v31;
	v21 =	vadd.f32 v23, v21  }
0xa8: {  	v55 =	vld [tilespmem:s30+$0x450];
	v62 =	vmul.f32 v58, v58;
	v31 =	vsub.f32 v37, v6;
	v24 =	vadd.f32 v61, v24  }
0xa9: {  	v39 =	vld [tilespmem:s30+$0x460];
	v50 =	vmul.f32 v45, v45;
	v27 =	vadd.f32 v30, v29;
	v32 =	vadd.f32 v33, v32  }
0xaa: {  	v29 =	vmul.f32 v47, v47;
	v30 =	vsub.f32 v48, v7;
	v61 =	vld [tilespmem:s30+$0x470];
	v43 =	vsub.f32 v49, v13  }
0xab: {  	v48 =	vld [tilespmem:s30+$0x1000];
	v26 =	vadd.f32 v26, v28;
	v22 =	vadd.f32 v42, v24;
	v24 =	vsel vm2, v25, v44  }
0xac: {  	v60 =	vld [tilespmem:s30+$0x1020];
	v25 =	vperm.xlane v25, v0;
	v32 =	vadd.f32 v56, v32;
	v30 =	vmul.f32 v30, v30  }
0xad: {  	v45 =	vld [tilespmem:s30+$0x840];
	v44 =	vmul.f32 v63, v63;
	v41 =	vsub.f32 v55, v9;
	v26 =	vadd.f32 v62, v26  }
0xae: {  	v42 =	vld [tilespmem:s30+$0xC70];
	v56 =	vmul.f32 v51, v51;
	v47 =	vsub.f32 v39, v10;
	v30 =	vadd.f32 v30, v32  }
0xaf: {  	v55 =	vld [tilespmem:s30+$0x820];
	v20 =	vsel vm2, v25, v20;
	v46 =	vmul.f32 v41, v41;
	v26 =	vadd.f32 v44, v26  }
0xb0: {  	v39 =	vld [tilespmem:s30+$0x1A0];
	v52 =	vmul.f32 v47, v47;
	v53 =	vsub.f32 v61, v11;
	v63 =	vsub.f32 v48, v12  }
0xb1: {  	v61 =	vld [tilespmem:s30+$0x830];
	v47 =	vsub.f32 v54, v13;
	v48 =	vmul.f32 v43, v43;
	v20 =	vadd.f32 v20, v24  }
0xb2: {  	v44 =	vld [tilespmem:s30+$0x1030];
	v30 =	vadd.f32 v40, v30;
	v40 =	vperm.xlane v22, v0;
	v26 =	vadd.f32 v50, v26  }
0xb3: {  	v51 =	vld [tilespmem:s30+$0x850];
	v57 =	vsub.f32 v42, v11;
	v58 =	vmul.f32 v53, v53;
	v53 =	vsub.f32 v60, v14  }
0xb4: {  	v42 =	vmul.f32 v59, v59;
	v30 =	vadd.f32 v46, v30;
	v49 =	vsub.f32 v55, v14  }
0xb5: {  	v50 =	vld [tilespmem:s30+$0x1040];
	v46 =	vmul.f32 v63, v63;
	v32 =	vsub.f32 v39, v6;
	v26 =	vadd.f32 v56, v26  }
0xb6: {  	v62 =	vmul.f32 v57, v57;
	v56 =	vld [tilespmem:s30+$0x1050];
	v30 =	vadd.f32 v52, v30;
	v55 =	vsub.f32 v61, v15  }
0xb7: {  	v57 =	vld [tilespmem:s30+$0x860];
	v52 =	vmul.f32 v47, v47;
	v59 =	vsub.f32 v44, v15;
	v61 =	vsub.f32 v45, v16  }
0xb8: {  	v54 =	vmul.f32 v49, v49;
	v44 =	vsub.f32 v51, v17;
	v45 =	vld [tilespmem:s30+$0x1070];
	v26 =	vadd.f32 v62, v26  }
0xb9: {  	v37 =	vld [tilespmem:s30+$0x390];
	v30 =	vadd.f32 v58, v30;
	v58 =	vmul.f32 v53, v53;
	v60 =	vmul.f32 v55, v55  }
0xba: {  	v62 =	vld [tilespmem:s30+$0x1060];
	v41 =	vmul.f32 v59, v59;
	v59 =	vadd.f32 v29, v27;
	v26 =	vadd.f32 v46, v26  }
0xbb: {  	v43 =	vmul.f32 v61, v61;
	v61 =	vld [tilespmem:s30+$0x190];
	v30 =	vadd.f32 v42, v30;
	v42 =	vsub.f32 v50, v16  }
0xbc: {  	v63 =	vld [tilespmem:s30+$0x870];
	v47 =	vsub.f32 v56, v17;
	v49 =	vsub.f32 v57, v18;
	v38 =	vperm.xlane v59, v0  }
0xbd: {  	v55 =	vld [tilespmem:s30+$0x980];
	v25 =	vsel vm2, v40, v59;
	v26 =	vadd.f32 v52, v26;
	v57 =	vsub.f32 v45, v19  }
0xbe: {  	v52 =	vld [tilespmem:s30+$0x180];
	v30 =	vadd.f32 v48, v30;
	v46 =	vmul.f32 v42, v42;
	v48 =	vmul.f32 v44, v44  }
0xbf: {  	v51 =	vsub.f32 v62, v18;
	v22 =	vsel vm2, v22, v38;
	v42 =	vld [tilespmem:s30+$0x1B0];
	v26 =	vadd.f32 v58, v26  }
0xc0: {  	v53 =	vmul.f32 v49, v49;
	v49 =	vld [tilespmem:s30+$0x1D0];
	v29 =	vsub.f32 v61, v5;
	v22 =	vadd.f32 v25, v22  }
0xc1: {  	v50 =	vmul.f32 v47, v47;
	v47 =	vld [tilespmem:s30+$0x1C0];
	v30 =	vadd.f32 v54, v30;
	v54 =	vsub.f32 v63, v19  }
0xc2: {  	v58 =	vld [tilespmem:s30+$0x990];
	v56 =	vmul.f32 v51, v51;
	v63 =	vmul.f32 v57, v57;
	v26 =	vadd.f32 v41, v26  }
0xc3: {  	v51 =	vmul.f32 v32, v32;
	v57 =	vld [tilespmem:s30+$0x1F0];
	v32 =	vsub.f32 v37, v5;
	v30 =	vadd.f32 v60, v30  }
0xc4: {  	v41 =	vld [tilespmem:s30+$0x9B0];
	v29 =	vmul.f32 v29, v29;
	v45 =	vsub.f32 v52, v4;
	v26 =	vadd.f32 v46, v26  }
0xc5: {  	v62 =	vmul.f32 v54, v54;
	v52 =	vld [tilespmem:s30+$0x9E0];
	v24 =	vsub.f32 v42, v7;
	v61 =	vsub.f32 v49, v9  }
0xc6: {  	v32 =	vmul.f32 v32, v32;
	v46 =	vld [tilespmem:s30+$0x9C0];
	v30 =	vadd.f32 v43, v30;
	v43 =	vsub.f32 v55, v4  }
0xc7: {  	v42 =	vld [tilespmem:s30+$0xD90];
	v44 =	vsub.f32 v58, v5;
	v33 =	vmul.f32 v45, v45;
	v55 =	vsub.f32 v47, v8  }
0xc8: {  	v49 =	vld [tilespmem:s30+$0x5A0];
	v26 =	vadd.f32 v50, v26;
	v50 =	vmul.f32 v31, v31;
	v47 =	vsub.f32 v57, v11  }
0xc9: {  	v40 =	vmul.f32 v61, v61;
	v61 =	vld [tilespmem:s30+$0x5C0];
	v30 =	vadd.f32 v48, v30;
	v29 =	vadd.f32 v29, v33  }
0xca: {  	v24 =	vmul.f32 v24, v24;
	v48 =	vld [tilespmem:s30+$0x9D0];
	v26 =	vadd.f32 v56, v26;
	v39 =	vsub.f32 v52, v10  }
0xcb: {  	v28 =	vmul.f32 v43, v43;
	v43 =	vld [tilespmem:s30+$0x590];
	v60 =	vadd.f32 v53, v30;
	v54 =	vsub.f32 v46, v8  }
0xcc: {  	v56 =	vld [tilespmem:s30+$0x9F0];
	v30 =	vmul.f32 v44, v44;
	v29 =	vadd.f32 v51, v29;
	v57 =	vsub.f32 v42, v13  }
0xcd: {  	v52 =	vmul.f32 v47, v47;
	v53 =	vld [tilespmem:s30+$0x1E0];
	v23 =	vadd.f32 v63, v26;
	v26 =	vsub.f32 v41, v7  }
0xce: {  	v63 =	vld [tilespmem:s30+$0x580];
	v44 =	vmul.f32 v39, v39;
	v39 =	vsub.f32 v49, v14;
	v28 =	vadd.f32 v30, v28  }
0xcf: {  	v27 =	vadd.f32 v62, v60;
	v24 =	vadd.f32 v24, v29;
	v60 =	vmul.f32 v55, v55;
	v62 =	vld [tilespmem:s30+$0xD80]  }
0xd0: {  	v58 =	vmul.f32 v54, v54;
	v54 =	vld [tilespmem:s30+$0xDB0];
	v59 =	vsub.f32 v48, v9;
	v28 =	vadd.f32 v50, v28  }
0xd1: {  	v26 =	vmul.f32 v26, v26;
	v48 =	vld [tilespmem:s30+$0xDA0];
	v24 =	vadd.f32 v60, v24;
	v45 =	vsub.f32 v56, v11  }
0xd2: {  	v60 =	vld [tilespmem:s30+$0xDC0];
	v38 =	vmul.f32 v59, v59;
	v41 =	vsub.f32 v53, v10;
	v59 =	vsub.f32 v43, v13  }
0xd3: {  	v47 =	vld [tilespmem:s30+$0x5E0];
	v26 =	vadd.f32 v26, v28;
	v24 =	vadd.f32 v40, v24;
	v50 =	vmul.f32 v45, v45  }
0xd4: {  	v55 =	vld [tilespmem:s30+$0x5B0];
	v53 =	vsub.f32 v63, v12;
	v46 =	vmul.f32 v41, v41;
	v51 =	vsub.f32 v62, v12  }
0xd5: {  	v40 =	vld [tilespmem:s30+$0xDD0];
	v62 =	vmul.f32 v57, v57;
	v43 =	vsub.f32 v54, v15;
	v26 =	vadd.f32 v58, v26  }
0xd6: {  	v41 =	vld [tilespmem:s30+$0x5D0];
	v58 =	vmul.f32 v53, v53;
	v63 =	vsub.f32 v48, v14;
	v24 =	vadd.f32 v46, v24  }
0xd7: {  	v57 =	vld [tilespmem:s30+$0x5F0];
	v56 =	vmul.f32 v51, v51;
	v49 =	vsub.f32 v60, v16;
	v51 =	vsub.f32 v61, v16  }
0xd8: {  	v46 =	vld [tilespmem:s30+$0xDE0];
	v48 =	vmul.f32 v43, v43;
	v61 =	vsub.f32 v47, v18;
	v26 =	vadd.f32 v38, v26  }
0xd9: {  	v38 =	vmul.f32 v59, v59;
	v42 =	vmul.f32 v63, v63;
	v24 =	vadd.f32 v52, v24;
	v52 =	vld [tilespmem:s30+$0xDF0]  }
0xda: {  	v53 =	vmul.f32 v49, v49;
	v54 =	vsub.f32 v40, v17;
	v40 =	vld [tilespmem:s30+$0x3A0];
	v26 =	vadd.f32 v44, v26  }
0xdb: {  	v45 =	vsub.f32 v55, v15;
	v55 =	vmul.f32 v51, v51;
	v49 =	vld [tilespmem:s30+$0x3C0];
	v44 =	vmul.f32 v39, v39  }
0xdc: {  	v51 =	vld [tilespmem:s30+$0x3D0];
	v39 =	vmul.f32 v61, v61;
	v24 =	vadd.f32 v58, v24;
	v26 =	vadd.f32 v50, v26  }
0xdd: {  	v33 =	vsub.f32 v57, v19;
	v58 =	vmul.f32 v54, v54;
	v59 =	vsub.f32 v46, v18  }
0xde: {  	v50 =	vmul.f32 v45, v45;
	v24 =	vadd.f32 v38, v24;
	v26 =	vadd.f32 v56, v26  }
0xdf: {  	v45 =	vmul.f32 v33, v33;
	v46 =	vld [tilespmem:s30+$0x3B0];
	v56 =	vsub.f32 v41, v17;
	v36 =	vsub.f32 v52, v19  }
0xe0: {  	v54 =	vld [tilespmem:s30+$0xBD0];
	v38 =	vperm.xlane v23, v0;
	v31 =	vsub.f32 v40, v6;
	v29 =	vsub.f32 v49, v8  }
0xe1: {  	v63 =	vmul.f32 v59, v59;
	v57 =	vsub.f32 v51, v9;
	v59 =	vld [tilespmem:s30+$0x780];
	v24 =	vadd.f32 v44, v24  }
0xe2: {  	v43 =	vsel vm2, v27, v38;
	v27 =	vperm.xlane v27, v0;
	v44 =	vld [tilespmem:s30+$0xB90];
	v26 =	vadd.f32 v62, v26  }
0xe3: {  	v60 =	vmul.f32 v56, v56;
	v62 =	vld [tilespmem:s30+$0x380];
	v41 =	vmul.f32 v36, v36;
	v24 =	vadd.f32 v50, v24  }
0xe4: {  	v23 =	vsel vm2, v27, v23;
	v50 =	vld [tilespmem:s30+$0xBB0];
	v28 =	vsub.f32 v46, v7;
	v26 =	vadd.f32 v42, v26  }
0xe5: {  	v31 =	vmul.f32 v31, v31;
	v42 =	vld [tilespmem:s30+$0xB80];
	v23 =	vadd.f32 v23, v43;
	v24 =	vadd.f32 v55, v24  }
0xe6: {  	v56 =	vmul.f32 v29, v29;
	v55 =	vld [tilespmem:s30+$0x3F0];
	v49 =	vsub.f32 v59, v12;
	v26 =	vadd.f32 v48, v26  }
0xe7: {  	v61 =	vmul.f32 v57, v57;
	v48 =	vld [tilespmem:s30+$0xBA0];
	v35 =	vsub.f32 v44, v5;
	v24 =	vadd.f32 v60, v24  }
0xe8: {  	v52 =	vld [tilespmem:s30+$0xBC0];
	v28 =	vmul.f32 v28, v28;
	v47 =	vsub.f32 v62, v4;
	v26 =	vadd.f32 v53, v26  }
0xe9: {  	v51 =	vld [tilespmem:s30+$0x7B0];
	v35 =	vmul.f32 v35, v35;
	v34 =	vsub.f32 v50, v7;
	v24 =	vadd.f32 v39, v24  }
0xea: {  	v53 =	vld [tilespmem:s30+$0x3E0];
	v27 =	vmul.f32 v47, v47;
	v30 =	vsub.f32 v42, v4;
	v26 =	vadd.f32 v58, v26  }
0xeb: {  	v50 =	vld [tilespmem:s30+$0xF90];
	v60 =	vmul.f32 v34, v34;
	v44 =	vsub.f32 v55, v11;
	v24 =	vadd.f32 v45, v24  }
0xec: {  	v42 =	vld [tilespmem:s30+$0x790];
	v27 =	vadd.f32 v32, v27;
	v30 =	vmul.f32 v30, v30;
	v33 =	vsub.f32 v48, v6  }
0xed: {  	v57 =	vld [tilespmem:s30+$0x7C0];
	v32 =	vsub.f32 v52, v8;
	v26 =	vadd.f32 v63, v26;
	v48 =	vmul.f32 v44, v44  }
0xee: {  	v58 =	vld [tilespmem:s30+$0xBE0];
	v44 =	vsub.f32 v51, v15;
	v36 =	vperm.xlane v24, v0;
	v27 =	vadd.f32 v31, v27  }
0xef: {  	v45 =	vld [tilespmem:s30+$0xF80];
	v30 =	vadd.f32 v35, v30;
	v33 =	vmul.f32 v33, v33;
	v62 =	vsub.f32 v53, v10  }
0xf0: {  	v46 =	vld [tilespmem:s30+$0x7A0];
	v32 =	vmul.f32 v32, v32;
	v31 =	vsub.f32 v54, v9;
	v26 =	vadd.f32 v41, v26  }
0xf1: {  	v63 =	vld [tilespmem:s30+$0xBF0];
	v54 =	vmul.f32 v49, v49;
	v55 =	vsub.f32 v42, v13;
	v42 =	vsub.f32 v50, v13  }
0xf2: {  	v51 =	vld [tilespmem:s30+$0xFD0];
	v49 =	vmul.f32 v44, v44;
	v50 =	vsub.f32 v57, v16;
	v27 =	vadd.f32 v28, v27  }
0xf3: {  	v57 =	vld [tilespmem:s30+$0xFE0];
	v30 =	vadd.f32 v33, v30;
	v43 =	vmul.f32 v62, v62;
	v47 =	vsub.f32 v58, v10  }
0xf4: {  	v25 =	vperm.xlane v26, v0;
	v59 =	vsub.f32 v45, v12;
	v45 =	vld [tilespmem:s30+$0xFC0];
	v27 =	vadd.f32 v56, v27  }
0xf5: {  	v30 =	vadd.f32 v60, v30;
	v52 =	vmul.f32 v47, v47;
	v47 =	vmul.f32 v42, v42;
	v42 =	vld [tilespmem:s30+$0x290]  }
0xf6: {  	v31 =	vmul.f32 v31, v31;
	v26 =	vsel vm2, v36, v26;
	v53 =	vsub.f32 v63, v11;
	v56 =	vld [tilespmem:s30+$0xFA0]  }
0xf7: {  	v63 =	vld [tilespmem:s30+$0x7D0];
	v24 =	vsel vm2, v24, v25;
	v27 =	vadd.f32 v61, v27;
	v30 =	vadd.f32 v32, v30  }
0xf8: {  	v62 =	vld [tilespmem:s30+$0xFB0];
	v60 =	vmul.f32 v55, v55;
	v61 =	vsub.f32 v46, v14;
	v24 =	vadd.f32 v26, v24  }
0xf9: {  	v55 =	vmul.f32 v50, v50;
	v46 =	vld [tilespmem:s30+$0x7E0];
	v27 =	vadd.f32 v43, v27;
	v30 =	vadd.f32 v31, v30  }
0xfa: {  	v41 =	vmul.f32 v59, v59;
	v59 =	vsub.f32 v45, v16;
	v45 =	vld [tilespmem:s30+$0xA80];
	v34 =	vsub.f32 v42, v5  }
0xfb: {  	v58 =	vmul.f32 v53, v53;
	v27 =	vadd.f32 v48, v27;
	v30 =	vadd.f32 v52, v30;
	v52 =	vld [tilespmem:s30+$0x7F0]  }
0xfc: {  	v43 =	vmul.f32 v61, v61;
	v48 =	vsub.f32 v56, v14;
	v56 =	vsub.f32 v63, v17;
	v63 =	vld [tilespmem:s30+$0x280]  }
0xfd: {  	v40 =	vmul.f32 v59, v59;
	v59 =	vld [tilespmem:s30+$0x2E0];
	v27 =	vadd.f32 v54, v27;
	v30 =	vadd.f32 v58, v30  }
0xfe: {  	v53 =	vmul.f32 v48, v48;
	v54 =	vsub.f32 v62, v15;
	v62 =	vsub.f32 v46, v18;
	v48 =	vld [tilespmem:s30+$0xA90]  }
0xff: {  	v61 =	vmul.f32 v56, v56;
	v56 =	vld [tilespmem:s30+$0x2C0];
	v28 =	vsub.f32 v45, v4;
	v27 =	vadd.f32 v60, v27  }
0x100: {  	v30 =	vadd.f32 v41, v30;
	v58 =	vmul.f32 v54, v54;
	v60 =	vld [tilespmem:s30+$0xFF0];
	v50 =	vsub.f32 v52, v19  }
0x101: {  	v44 =	vmul.f32 v62, v62;
	v62 =	vld [tilespmem:s30+$0xAE0];
	v52 =	vsub.f32 v57, v18;
	v54 =	vsub.f32 v63, v4  }
0x102: {  	v34 =	vmul.f32 v34, v34;
	v57 =	vld [tilespmem:s30+$0xAC0];
	v27 =	vadd.f32 v43, v27;
	v30 =	vadd.f32 v47, v30  }
0x103: {  	v41 =	vsub.f32 v51, v17;
	v51 =	vld [tilespmem:s30+$0xAA0];
	v31 =	vsub.f32 v48, v5;
	v36 =	vmul.f32 v54, v54  }
0x104: {  	v63 =	vld [tilespmem:s30+$0x2F0];
	v27 =	vadd.f32 v49, v27;
	v30 =	vadd.f32 v53, v30  }
0x105: {  	v28 =	vmul.f32 v28, v28;
	v49 =	vld [tilespmem:s30+$0x2A0];
	v33 =	vsub.f32 v60, v19;
	v34 =	vadd.f32 v34, v36  }
0x106: {  	v53 =	vld [tilespmem:s30+$0x2B0];
	v31 =	vmul.f32 v31, v31;
	v38 =	vsub.f32 v62, v10;
	v27 =	vadd.f32 v55, v27  }
0x107: {  	v32 =	vmul.f32 v52, v52;
	v52 =	vld [tilespmem:s30+$0x6A0];
	v30 =	vadd.f32 v58, v30;
	v39 =	vsub.f32 v57, v8  }
0x108: {  	v55 =	vld [tilespmem:s30+$0xAB0];
	v28 =	vadd.f32 v31, v28;
	v31 =	vsub.f32 v59, v10  }
0x109: {  	v47 =	vmul.f32 v41, v41;
	v58 =	vld [tilespmem:s30+$0xAD0];
	v43 =	vadd.f32 v61, v27;
	v46 =	vadd.f32 v40, v30  }
0x10a: {  	v38 =	vmul.f32 v38, v38;
	v40 =	vld [tilespmem:s30+$0x2D0];
	v30 =	vsub.f32 v51, v6;
	v61 =	vsub.f32 v56, v8  }
0x10b: {  	v27 =	vmul.f32 v50, v50;
	v50 =	vld [tilespmem:s30+$0x690];
	v26 =	vsub.f32 v49, v6;
	v35 =	vsub.f32 v53, v7  }
0x10c: {  	v51 =	vld [tilespmem:s30+$0xE90];
	v25 =	vadd.f32 v44, v43;
	v29 =	vadd.f32 v47, v46;
	v30 =	vmul.f32 v30, v30  }
0x10d: {  	v49 =	vld [tilespmem:s30+$0xE80];
	v44 =	vmul.f32 v61, v61;
	v61 =	vsub.f32 v52, v14;
	v37 =	vsub.f32 v55, v7  }
0x10e: {  	v46 =	vld [tilespmem:s30+$0xAF0];
	v26 =	vmul.f32 v26, v26;
	v36 =	vsub.f32 v58, v9;
	v28 =	vadd.f32 v30, v28  }
0x10f: {  	v54 =	vld [tilespmem:s30+$0xEA0];
	v60 =	vmul.f32 v35, v35;
	v30 =	vsub.f32 v63, v11;
	v29 =	vadd.f32 v32, v29  }
0x110: {  	v47 =	vld [tilespmem:s30+$0x680];
	v26 =	vadd.f32 v26, v34;
	v37 =	vmul.f32 v37, v37;
	v45 =	vsub.f32 v40, v9  }
0x111: {  	v39 =	vmul.f32 v39, v39;
	v55 =	vld [tilespmem:s30+$0x6B0];
	v57 =	vsub.f32 v50, v13;
	v34 =	vsub.f32 v51, v13  }
0x112: {  	v31 =	vmul.f32 v31, v31;
	v58 =	vld [tilespmem:s30+$0xEB0];
	v26 =	vadd.f32 v60, v26;
	v28 =	vadd.f32 v37, v28  }
0x113: {  	v59 =	vld [tilespmem:s30+$0x6C0];
	v36 =	vmul.f32 v36, v36;
	v35 =	vsub.f32 v49, v12;
	v40 =	vsub.f32 v46, v11  }
0x114: {  	v63 =	vld [tilespmem:s30+$0x6D0];
	v48 =	vmul.f32 v45, v45;
	v26 =	vadd.f32 v44, v26;
	v28 =	vadd.f32 v39, v28  }
0x115: {  	v62 =	vld [tilespmem:s30+$0xEC0];
	v43 =	vmul.f32 v61, v61;
	v53 =	vsub.f32 v47, v12;
	v37 =	vsub.f32 v54, v14  }
0x116: {  	v30 =	vmul.f32 v30, v30;
	v45 =	vld [tilespmem:s30+$0xED0];
	v26 =	vadd.f32 v48, v26;
	v28 =	vadd.f32 v36, v28  }
0x117: {  	v60 =	vmul.f32 v57, v57;
	v46 =	vld [tilespmem:s30+$0x6E0];
	v44 =	vsub.f32 v55, v15;
	v39 =	vsub.f32 v58, v15  }
0x118: {  	v40 =	vmul.f32 v40, v40;
	v58 =	vld [tilespmem:s30+$0x490];
	v26 =	vadd.f32 v31, v26;
	v28 =	vadd.f32 v38, v28  }
0x119: {  	v35 =	vmul.f32 v35, v35;
	v52 =	vsub.f32 v63, v17;
	v55 =	vld [tilespmem:s30+$0x480];
	v48 =	vsub.f32 v59, v16  }
0x11a: {  	v56 =	vmul.f32 v53, v53;
	v63 =	vld [tilespmem:s30+$0xC90];
	v26 =	vadd.f32 v30, v26;
	v28 =	vadd.f32 v40, v28  }
0x11b: {  	v61 =	vld [tilespmem:s30+$0xC80];
	v34 =	vmul.f32 v34, v34;
	v36 =	vsub.f32 v62, v16;
	v54 =	vsub.f32 v45, v17  }
0x11c: {  	v49 =	vld [tilespmem:s30+$0xEE0];
	v37 =	vmul.f32 v37, v37;
	v26 =	vadd.f32 v56, v26;
	v28 =	vadd.f32 v35, v28  }
0x11d: {  	v57 =	vsub.f32 v46, v18;
	v59 =	vmul.f32 v54, v54;
	v46 =	vsub.f32 v58, v5;
	v54 =	vld [tilespmem:s30+$0xCD0]  }
0x11e: {  	v47 =	vmul.f32 v44, v44;
	v58 =	vld [tilespmem:s30+$0x4F0];
	v26 =	vadd.f32 v60, v26;
	v28 =	vadd.f32 v34, v28  }
0x11f: {  	v42 =	vld [tilespmem:s30+$0x4A0];
	v62 =	vmul.f32 v33, v33;
	v45 =	vsub.f32 v55, v4;
	v33 =	vsub.f32 v63, v5  }
0x120: {  	v50 =	vmul.f32 v39, v39;
	v63 =	vld [tilespmem:s30+$0xCF0];
	v26 =	vadd.f32 v43, v26;
	v28 =	vadd.f32 v37, v28  }
0x121: {  	v51 =	vmul.f32 v48, v48;
	v60 =	vsub.f32 v49, v18;
	v49 =	vsub.f32 v61, v4  }
0x122: {  	v53 =	vmul.f32 v36, v36;
	v48 =	vld [tilespmem:s30+$0x4C0];
	v26 =	vadd.f32 v47, v26;
	v28 =	vadd.f32 v50, v28  }
0x123: {  	v32 =	vmul.f32 v46, v46;
	v46 =	vsub.f32 v54, v9;
	v54 =	vsub.f32 v58, v11;
	v43 =	vld [tilespmem:s30+$0xCA0]  }
0x124: {  	v56 =	vmul.f32 v52, v52;
	v52 =	vld [tilespmem:s30+$0x4D0];
	v26 =	vadd.f32 v51, v26;
	v28 =	vadd.f32 v53, v28  }
0x125: {  	v44 =	vld [tilespmem:s30+$0x4B0];
	v58 =	vsub.f32 v63, v11;
	v50 =	vsub.f32 v42, v6  }
0x126: {  	v31 =	vmul.f32 v57, v57;
	v47 =	vld [tilespmem:s30+$0xCB0];
	v30 =	vadd.f32 v56, v26;
	v35 =	vadd.f32 v59, v28  }
0x127: {  	v55 =	vld [tilespmem:s30+$0x4E0];
	v33 =	vmul.f32 v33, v33;
	v26 =	vadd.f32 v27, v25;
	v25 =	vadd.f32 v62, v29  }
0x128: {  	v36 =	vmul.f32 v60, v60;
	v51 =	vld [tilespmem:s30+$0xCC0];
	v29 =	vsub.f32 v43, v6;
	v56 =	vsub.f32 v48, v8  }
0x129: {  	v63 =	vmul.f32 v58, v58;
	v62 =	vsub.f32 v52, v9;
	v28 =	vadd.f32 v31, v30  }
0x12a: {  	v57 =	vld [tilespmem:s30+$0xCE0];
	v27 =	vadd.f32 v36, v35;
	v31 =	vmul.f32 v45, v45;
	v36 =	vmul.f32 v49, v49  }
0x12b: {  	v53 =	vmul.f32 v50, v50;
	v34 =	vsub.f32 v47, v7;
	v30 =	vsub.f32 v44, v7  }
0x12c: {  	v50 =	vld [tilespmem:s30+$0x890];
	v29 =	vmul.f32 v29, v29;
	v31 =	vadd.f32 v32, v31;
	v33 =	vadd.f32 v33, v36  }
0x12d: {  	v48 =	vsub.f32 v55, v10;
	v55 =	vld [tilespmem:s30+$0x1090];
	v59 =	vmul.f32 v34, v34;
	v60 =	vsub.f32 v51, v8  }
0x12e: {  	v44 =	vld [tilespmem:s30+$0x880];
	v30 =	vmul.f32 v30, v30;
	v31 =	vadd.f32 v53, v31;
	v29 =	vadd.f32 v29, v33  }
0x12f: {  	v52 =	vsub.f32 v57, v10;
	v61 =	vmul.f32 v56, v56;
	v47 =	vmul.f32 v62, v62;
	v49 =	vld [tilespmem:s30+$0x1080]  }
0x130: {  	v56 =	vld [tilespmem:s30+$0x8A0];
	v45 =	vmul.f32 v60, v60;
	v30 =	vadd.f32 v30, v31;
	v29 =	vadd.f32 v59, v29  }
0x131: {  	v57 =	vmul.f32 v52, v52;
	v62 =	vld [tilespmem:s30+$0x8B0];
	v51 =	vmul.f32 v46, v46;
	v46 =	vsub.f32 v50, v13  }
0x132: {  	v53 =	vmul.f32 v48, v48;
	v48 =	vld [tilespmem:s30+$0x8C0];
	v30 =	vadd.f32 v61, v30;
	v29 =	vadd.f32 v45, v29  }
0x133: {  	v37 =	vperm.xlane v25, v0;
	v50 =	vsub.f32 v55, v13;
	v60 =	vsub.f32 v44, v12;
	v61 =	vld [tilespmem:s30+$0x10A0]  }
0x134: {  	v38 =	vperm.xlane v26, v0;
	v30 =	vadd.f32 v47, v30;
	v29 =	vadd.f32 v51, v29;
	v47 =	vld [tilespmem:s30+$0x10B0]  }
0x135: {  	v44 =	vsub.f32 v49, v12;
	v52 =	vsub.f32 v56, v14;
	v59 =	vmul.f32 v54, v54;
	v54 =	vld [tilespmem:s30+$0x8D0]  }
0x136: {  	v55 =	vmul.f32 v50, v50;
	v30 =	vadd.f32 v53, v30;
	v29 =	vadd.f32 v57, v29;
	v53 =	vld [tilespmem:s30+$0x10C0]  }
0x137: {  	v58 =	vsub.f32 v62, v15;
	v62 =	vld [tilespmem:s30+$0xEF0];
	v49 =	vmul.f32 v44, v44;
	v44 =	vsub.f32 v48, v16  }
0x138: {  	v45 =	vmul.f32 v60, v60;
	v30 =	vadd.f32 v59, v30;
	v29 =	vadd.f32 v63, v29;
	v59 =	vld [tilespmem:s30+$0x10D0]  }
0x139: {  	v39 =	vld [tilespmem:s30+$0x6F0];
	v51 =	vmul.f32 v46, v46;
	v56 =	vsub.f32 v61, v14;
	v61 =	vsub.f32 v47, v15  }
0x13a: {  	v50 =	vld [tilespmem:s30+$0x10E0];
	v48 =	vmul.f32 v44, v44;
	v30 =	vadd.f32 v45, v30;
	v29 =	vadd.f32 v49, v29  }
0x13b: {  	v60 =	vmul.f32 v56, v56;
	v56 =	vld [tilespmem:s30+$0x10F0];
	v49 =	vsub.f32 v54, v17;
	v47 =	vsub.f32 v53, v16  }
0x13c: {  	v57 =	vmul.f32 v52, v52;
	v45 =	vld [tilespmem:s30+$0x8E0];
	v30 =	vadd.f32 v51, v30;
	v29 =	vadd.f32 v55, v29  }
0x13d: {  	v46 =	vmul.f32 v61, v61;
	v61 =	vsub.f32 v62, v19;
	v53 =	vsub.f32 v59, v17  }
0x13e: {  	v63 =	vmul.f32 v58, v58;
	v51 =	vld [tilespmem:s30+$0x8F0];
	v30 =	vadd.f32 v57, v30;
	v29 =	vadd.f32 v60, v29  }
0x13f: {  	v54 =	vperm.xlane v20, v1;
	v59 =	vsub.f32 v50, v18;
	v60 =	vsub.f32 v39, v19  }
0x140: {  	v52 =	vmul.f32 v47, v47;
	v30 =	vadd.f32 v63, v30;
	v29 =	vadd.f32 v46, v29  }
0x141: {  	v55 =	vmul.f32 v49, v49;
	v32 =	vsub.f32 v56, v19;
	v58 =	vsub.f32 v45, v18  }
0x142: {  	v34 =	vmul.f32 v53, v53;
	v30 =	vadd.f32 v48, v30;
	v29 =	vadd.f32 v52, v29  }
0x143: {  	v33 =	vmul.f32 v59, v59;
	v62 =	vmul.f32 v60, v60;
	v36 =	vsub.f32 v51, v19  }
0x144: {  	v31 =	vmul.f32 v58, v58;
	v30 =	vadd.f32 v55, v30;
	v29 =	vadd.f32 v34, v29  }
0x145: {  	v26 =	vsel vm2, v26, v37;
	v63 =	vmul.f32 v61, v61;
	v32 =	vmul.f32 v32, v32  }
0x146: {  	v36 =	vmul.f32 v36, v36;
	v30 =	vadd.f32 v31, v30;
	v29 =	vadd.f32 v33, v29  }
0x147: {  	v49 =	vperm.xlane v24, v1;
	v28 =	vadd.f32 v62, v28;
	v27 =	vadd.f32 v63, v27  }
0x148: {  	v57 =	vperm.xlane v21, v1;
	v30 =	vadd.f32 v36, v30;
	v29 =	vadd.f32 v32, v29  }
0x149: {  	v25 =	vsel vm2, v38, v25;
	v39 =	vperm.xlane v27, v0;
	v40 =	vperm.xlane v28, v0  }
0x14a: {  	v25 =	vadd.f32 v25, v26;
	v41 =	vperm.xlane v29, v0;
	v42 =	vperm.xlane v30, v0  }
0x14b: {  	v21 =	vsel vm0, v21, v54;
	v45 =	vperm.xlane v23, v1;
	v43 =	vsel vm2, v28, v39  }
0x14c: {  	v27 =	vsel vm2, v40, v27;
	v44 =	vsel vm2, v30, v41;
	v29 =	vsel vm2, v42, v29  }
0x14d: {  	v46 =	vperm.xlane v22, v1;
	v26 =	vadd.f32 v27, v43;
	v47 =	vadd.f32 v29, v44  }
0x14e: {  	v20 =	vsel vm0, v57, v20;
	v22 =	vsel vm0, v22, v45;
	v48 =	vperm.xlane v25, v1  }
0x14f: {  	v23 =	vsel vm0, v46, v23;
	v51 =	vperm.xlane v26, v1;
	v50 =	vperm.xlane v47, v1  }
0x150: {  	v54 =	vsel vm0, v49, v25;
	v20 =	vadd.f32 v20, v21;
	v52 =	vadd.f32 v23, v22  }
0x151: {  	v53 =	vsel vm0, v24, v48;
	v56 =	vsel vm0, v51, v47;
	v55 =	vsel vm0, v26, v50  }
0x152: {  	v22 =	vadd.f32 v54, v53;
	v57 =	vadd.f32 v56, v55  }
0x153: {  	v59 =	vperm.xlane v20, v2;
	v58 =	vperm.xlane v52, v2  }
0x154: {  	v61 =	vperm.xlane v22, v2;
	v60 =	vperm.xlane v57, v2  }
0x155: {  	v21 =	vsel vm1, v59, v52  }
0x156: {  	v20 =	vsel vm1, v20, v58;
	v23 =	vsel vm1, v61, v57;
	v22 =	vsel vm1, v22, v60  }
0x157: {  	v20 =	vadd.f32 v21, v20;
	v62 =	vadd.f32 v23, v22  }
0x158: {  	s31 =	sshll.u32 s14, $0x4;
	s14 =	sadd.s32 $0x1, s14  }
0x159: {  	p0 =	sne.s32 s14, $0x4;
	v63 =	vperm.xlane v20, v3;
	v22 =	vperm.xlane v62, v3  }
.Ltmp0:
0x15a: {  	_ = 	snop;
	(pc) =	sbr.rel @p0 .LBB2_2-.Ltmp0, $4  }
0x15b: {  	v21 =	vsel vm3, v63, v62;
	v20 =	vsel vm3, v20, v22  }
0x15c: {  	v20 =	vadd.f32 v21, v20  }
0x15d: {  	s15 =	sand.u32 $0x3FFFFFF0, s31  }
0x15e: {  	[tilespmem:s15+$0x4100] =	vst v20  }
0x15f: {  	s13 =	sadd.s32 $0x1, s13  }
0x160: {  	p0 =	sne.s32 s13, s7  }
.Ltmp1:
0x161: {  	_ = 	snop;
	(pc) =	sbr.rel @p0 .LBB2_1-.Ltmp1, $4  }
0x162: {  	[hbm4b:s6+s3] =	stream.linear.scatter [tilespmem:s12], [sflag:$0x3], $0x80, $0x38;
	[tilespmem:$0x4180] =	vst v63  }
0x163: {  	_ =	swait.ge [sflag:s10], $0x80  }
0x164: {  	[sflag:s10] =	ssyncset.done $0x0  }
0x165: {  	[sflag:s10] =	ssyncadd.s32 $0xFFFFFF80  }
0x166: {  	_ =	sfence.sel $0x180000  }
0x167: {  	[bflag:$0x0] =	sbarrier.arrive $0xFFFF  }
0x168: {  	p0 =	sne.s32 s2, $0x0;
	_ =	strace $0x90000047  }
0x169: {  	s0 =	sadd.s32 @!p0 $0x100000, s1;
	[bflag:$0x2] =	sbarrier.arrive $0xFFFF  }
0x16a: {  	[sflag:s0] =	ssyncadd.tile.s32 @!p0 $0x1;
	_ =	shalt  }
.Lfunc_end2:
_tile_overlayer_lowered:
.L_overlay_start_2:
0x16b: {  	(tag) =	ssettag $0x2  }
0x16c: {  	s0 =	rddreg [dreg:$0x0];
	s2 =	stileid.u32  }
0x16d: {  	s1 =	rddreg [dreg:$0x1];
	p0 =	sne.s32 s2, $0x0  }
0x16e: {  	s3 =	rddreg [dreg:$0x2];
	[bflag:$0x3] =	sbarrier.arrive $0xFFFF;
	s2 =	simm.s32 @!p0 $0x1C03  }
0x16f: {  	[timem:s3], [sflag:s2] =	dma.local @!p0 [hbm:s0], s1  }
0x170: {  	s0 =	simm.s32 @!p0 $0x3  }
0x171: {  	_ =	swait.ge @!p0 [sflag:s0], s1  }
0x172: {  	s1 =	ssub.s32 @!p0 $0x0, s1;
	[sflag:s0] =	ssyncset.done @!p0 $0x0  }
0x173: {  	[sflag:s0] =	ssyncadd.s32 @!p0 s1  }
0x174: {  	[bflag:$0x3] =	sbarrier.arrive $0xFFFF  }
0x175: {  	_ =	shalt  }

</sc_bundles>
